<compile_context>
chip_gen: v7x
topology: tpu7x:2x2x1
jax: 0.10.2.dev20260603
libtpu: 0.0.44.dev20260713+nightly
codegen_flags: <defaults>
</compile_context>

<pallas_src>
import functools

import jax
import jax.numpy as jnp
from jax import lax
from jax.experimental import pallas as pl
from jax.experimental.pallas import tpu as pltpu
from jax.experimental.pallas import tpu_sc as plsc

EMB_DIM = 32
BLK = 128
HALF = 8


@functools.cache
def _build(batch: int, num_rows: int):
  info = plsc.get_sparse_core_info()
  nc, ns, nl = info.num_cores, info.num_subcores, info.num_lanes
  nw = nc * ns
  b_per_w = batch // nw
  n_groups = b_per_w // nl
  max_off = num_rows - BLK
  mesh = plsc.VectorSubcoreMesh(core_axis_name="c", subcore_axis_name="s")

  @functools.partial(
      pl.kernel,
      out_type=jax.ShapeDtypeStruct((batch,), jnp.float32),
      mesh=mesh,
      scratch_types=[
          pltpu.VMEM((b_per_w,), jnp.int32),
          pltpu.VMEM((b_per_w,), jnp.int32),
          pltpu.VMEM((HALF, EMB_DIM, BLK), jnp.float32),
          pltpu.VMEM((HALF, EMB_DIM, BLK), jnp.float32),
          pltpu.VMEM((EMB_DIM,), jnp.float32),
          pltpu.VMEM((16,), jnp.float32),
          pltpu.VMEM((b_per_w,), jnp.float32),
          pltpu.SemaphoreType.DMA,
      ],
      compiler_params=pltpu.CompilerParams(
          needs_layout_passes=False, use_tc_tiling_on_sc=True),
  )
  def gmf_kernel(uidx_hbm, iidx_hbm, utabT_hbm, itabT_hbm, w_hbm, b_hbm,
                 out_hbm, uidx_v, iidx_v, ublk, iblk, w_v, b_v, out_v, sem):
    wid = lax.axis_index("s") * nc + lax.axis_index("c")
    base = wid * b_per_w

    pltpu.sync_copy(uidx_hbm.at[pl.ds(base, b_per_w)], uidx_v)
    pltpu.sync_copy(iidx_hbm.at[pl.ds(base, b_per_w)], iidx_v)
    pltpu.sync_copy(w_hbm, w_v)
    pltpu.sync_copy(b_hbm, b_v)

    bias16 = b_v[...]
    wregs = [w_v[pl.ds(0, nl)], w_v[pl.ds(nl, nl)]]
    lanes = lax.iota(jnp.int32, nl)
    low7 = jnp.full((nl,), BLK - 1, jnp.int32)
    maxo = jnp.full((nl,), max_off, jnp.int32)
    item_sel = lax.bitwise_and(lanes, jnp.full((nl,), HALF - 1, jnp.int32))
    half_bit = lax.shift_right_logical(lanes, 3)

    def run_half(idx_vec, tab_hbm, blk_ref):
      copies = []
      for m in range(HALF):
        off = pl.multiple_of(
            lax.bitwise_and(idx_vec[m], jnp.int32(~(BLK - 1))), BLK)
        copies.append(pltpu.async_copy(
            tab_hbm.at[:, pl.ds(off, BLK)], blk_ref.at[m], sem))
      lane_vec = lax.bitwise_and(idx_vec, low7)
      return copies, lane_vec

    def group_body(g, _):
      uvec = uidx_v[pl.ds(g * nl, nl)]
      ivec = iidx_v[pl.ds(g * nl, nl)]
      halves = []
      for h in range(2):
        uh = jnp.take(uvec, item_sel + h * HALF)
        ih = jnp.take(ivec, item_sel + h * HALF)
        ucopies, ulane = run_half(uh, utabT_hbm, ublk)
        icopies, ilane = run_half(ih, itabT_hbm, iblk)
        for c in ucopies + icopies:
          c.wait()
        acc = jnp.zeros((nl,), jnp.float32)
        for dp in range(EMB_DIM // 2):
          dvec = 2 * dp + half_bit
          u = plsc.load_gather(ublk, [item_sel, dvec, ulane])
          it = plsc.load_gather(iblk, [item_sel, dvec, ilane])
          we = wregs[(2 * dp) // nl][(2 * dp) % nl]
          wo = wregs[(2 * dp + 1) // nl][(2 * dp + 1) % nl]
          wpair = jnp.where(half_bit == 0, we, wo)
          acc = acc + u * it * wpair
        folded = acc + jnp.take(acc, lax.bitwise_xor(
            lanes, jnp.full((nl,), HALF, jnp.int32)))
        halves.append(folded)
      merged = jnp.where(half_bit == 0, halves[0],
                         jnp.take(halves[1], item_sel))
      logits = merged + bias16
      out_v[pl.ds(g * nl, nl)] = 1.0 / (1.0 + jnp.exp(-logits))
      return 0

    lax.fori_loop(0, n_groups, group_body, 0)

    pltpu.sync_copy(out_v, out_hbm.at[pl.ds(base, b_per_w)])

  return gmf_kernel


def kernel(user_indices, item_indices, embedding_user, embedding_item,
           affine_W, affine_b):
  batch = user_indices.shape[0]
  fn = _build(batch, embedding_user.shape[0])
  out = fn(user_indices.astype(jnp.int32),
           item_indices.astype(jnp.int32),
           embedding_user.T, embedding_item.T,
           affine_W.reshape(EMB_DIM),
           jnp.broadcast_to(affine_b.reshape(()), (16,)))
  return out.reshape(batch, 1)

# --- scband reference (transcript-rebuilt; emitter-appended) ---
"""Pipeline reference for scband-gmf-51307679318533 (READ-ONLY COPY).

The authoritative reference and input builder live on the scoring server;
editing this copy changes nothing except your own understanding.
"""

import jax, jax.numpy as jnp
import numpy as np

NUM_USERS = 1000000
NUM_ITEMS = 1000000
EMB_DIM = 32
BATCH = 16384

def setup_inputs(seed: int = 0) -> dict:
    key = jax.random.key(seed)
    k1, k2, k3, k4, k5, k6 = jax.random.split(key, 6)
    user_indices = jax.random.randint(k1, (BATCH,), 0, NUM_USERS, dtype=jnp.int64 if jax.config.jax_enable_x64 else jnp.int32)
    item_indices = jax.random.randint(k2, (BATCH,), 0, NUM_ITEMS, dtype=jnp.int64 if jax.config.jax_enable_x64 else jnp.int32)
    embedding_user = jax.random.normal(k3, (NUM_USERS, EMB_DIM), dtype=jnp.float32) * 0.01
    embedding_item = jax.random.normal(k4, (NUM_ITEMS, EMB_DIM), dtype=jnp.float32) * 0.01
    # affine_output: Linear(emb_dim, 1)
    bound = 1.0 / np.sqrt(EMB_DIM)
    affine_W = jax.random.uniform(k5, (EMB_DIM, 1), dtype=jnp.float32, minval=-bound, maxval=bound)
    affine_b = jax.random.uniform(k6, (1,), dtype=jnp.float32, minval=-bound, maxval=bound)
    return {
        "user_indices": user_indices,
        "item_indices": item_indices,
        "embedding_user": embedding_user,
        "embedding_item": embedding_item,
        "affine_W": affine_W,
        "affine_b": affine_b,
    }

def reference(user_indices, item_indices, embedding_user, embedding_item, affine_W, affine_b):
    user_embedding = jnp.take(embedding_user, user_indices, axis=0)
    item_embedding = jnp.take(embedding_item, item_indices, axis=0)
    element_product = user_embedding * item_embedding
    logits = element_product @ affine_W + affine_b
    rating = jax.nn.sigmoid(logits)
    return rating

if __name__ == "__main__":
    import jax
    _d = setup_inputs()
    print(jax.jit(kernel)(*tuple(_d.values())))

</pallas_src>

<mosaic_0001>
#map = affine_map<(d0, d1) -> (0)>
#map1 = affine_map<(d0, d1) -> (0, 0)>
module attributes {stable_mosaic.version = 14 : i64} {
  func.func @gmf_kernel(%arg0: i32, %arg1: i32, %arg2: memref<16384xi32, #tpu.memory_space<hbm>>, %arg3: memref<16384xi32, #tpu.memory_space<hbm>>, %arg4: memref<32x1000000xf32, #tpu.memory_space<hbm>>, %arg5: memref<32x1000000xf32, #tpu.memory_space<hbm>>, %arg6: memref<32xf32, #tpu.memory_space<hbm>>, %arg7: memref<16xf32, #tpu.memory_space<hbm>>, %arg8: memref<16384xf32, #tpu.memory_space<hbm>>, %arg9: memref<512xi32, #tpu.memory_space<vmem>>, %arg10: memref<512xi32, #tpu.memory_space<vmem>>, %arg11: memref<8x32x128xf32, #tpu.memory_space<vmem>>, %arg12: memref<8x32x128xf32, #tpu.memory_space<vmem>>, %arg13: memref<32xf32, #tpu.memory_space<vmem>>, %arg14: memref<16xf32, #tpu.memory_space<vmem>>, %arg15: memref<512xf32, #tpu.memory_space<vmem>>, %arg16: memref<!tpu.dma_semaphore, #tpu.memory_space<semaphore_mem>>) attributes {dimension_semantics = [#tpu.dimension_semantics<core_parallel>, #tpu.dimension_semantics<subcore_parallel>], iteration_bounds = array<i64: 2, 16>, scalar_prefetch = 0 : i64, scratch_operands = 8 : i64, tpu.core_type = #tpu.core_type<sc_vector_subcore>, window_params = [{transform_indices = #map}, {transform_indices = #map}, {transform_indices = #map1}, {transform_indices = #map1}, {transform_indices = #map}, {transform_indices = #map}, {transform_indices = #map}]} {
    %mul3A = arith.constant 2 : i32
    %mul3A_0 = arith.muli %arg1, %mul3A : i32
    %add3A = arith.addi %mul3A_0, %arg0 : i32
    %mul3A_1 = arith.constant 512 : i32
    %mul3A_2 = arith.muli %add3A, %mul3A_1 : i32
    "tpu.region"() ({
      %run_scoped3A = tpu.sem_alloc : memref<!tpu.dma_semaphore, #tpu.memory_space<semaphore_mem>>
      %dma_start3A = tpu.memref_slice %arg2[%mul3A_2] : memref<16384xi32, #tpu.memory_space<hbm>> -> memref<512xi32, #tpu.memory_space<hbm>>
      %dma_start3A_21 = tpu.memref_slice %arg2[%mul3A_2] : memref<16384xi32, #tpu.memory_space<hbm>> -> memref<512xi32, #tpu.memory_space<hbm>>
      tpu.enqueue_dma source(%dma_start3A_21 : memref<512xi32, #tpu.memory_space<hbm>>) target(%arg9 : memref<512xi32, #tpu.memory_space<vmem>>) target_semaphore(%run_scoped3A : memref<!tpu.dma_semaphore, #tpu.memory_space<semaphore_mem>>)
      %dma_wait3A = tpu.memref_slice %arg2[%mul3A_2] : memref<16384xi32, #tpu.memory_space<hbm>> -> memref<512xi32, #tpu.memory_space<hbm>>
      %dma_wait3A_22 = tpu.memref_slice %arg2[%mul3A_2] : memref<16384xi32, #tpu.memory_space<hbm>> -> memref<512xi32, #tpu.memory_space<hbm>>
      tpu.wait_dma2 semaphore(%run_scoped3A : memref<!tpu.dma_semaphore, #tpu.memory_space<semaphore_mem>>) src(%dma_wait3A_22 : memref<512xi32, #tpu.memory_space<hbm>>) dst(%arg9 : memref<512xi32, #tpu.memory_space<vmem>>)
      tpu.yield
    }) : () -> ()
    "tpu.region"() ({
      %run_scoped3A = tpu.sem_alloc : memref<!tpu.dma_semaphore, #tpu.memory_space<semaphore_mem>>
      %dma_start3A = tpu.memref_slice %arg3[%mul3A_2] : memref<16384xi32, #tpu.memory_space<hbm>> -> memref<512xi32, #tpu.memory_space<hbm>>
      %dma_start3A_21 = tpu.memref_slice %arg3[%mul3A_2] : memref<16384xi32, #tpu.memory_space<hbm>> -> memref<512xi32, #tpu.memory_space<hbm>>
      tpu.enqueue_dma source(%dma_start3A_21 : memref<512xi32, #tpu.memory_space<hbm>>) target(%arg10 : memref<512xi32, #tpu.memory_space<vmem>>) target_semaphore(%run_scoped3A : memref<!tpu.dma_semaphore, #tpu.memory_space<semaphore_mem>>)
      %dma_wait3A = tpu.memref_slice %arg3[%mul3A_2] : memref<16384xi32, #tpu.memory_space<hbm>> -> memref<512xi32, #tpu.memory_space<hbm>>
      %dma_wait3A_22 = tpu.memref_slice %arg3[%mul3A_2] : memref<16384xi32, #tpu.memory_space<hbm>> -> memref<512xi32, #tpu.memory_space<hbm>>
      tpu.wait_dma2 semaphore(%run_scoped3A : memref<!tpu.dma_semaphore, #tpu.memory_space<semaphore_mem>>) src(%dma_wait3A_22 : memref<512xi32, #tpu.memory_space<hbm>>) dst(%arg10 : memref<512xi32, #tpu.memory_space<vmem>>)
      tpu.yield
    }) : () -> ()
    "tpu.region"() ({
      %run_scoped3A = tpu.sem_alloc : memref<!tpu.dma_semaphore, #tpu.memory_space<semaphore_mem>>
      tpu.enqueue_dma source(%arg6 : memref<32xf32, #tpu.memory_space<hbm>>) target(%arg13 : memref<32xf32, #tpu.memory_space<vmem>>) target_semaphore(%run_scoped3A : memref<!tpu.dma_semaphore, #tpu.memory_space<semaphore_mem>>)
      tpu.wait_dma2 semaphore(%run_scoped3A : memref<!tpu.dma_semaphore, #tpu.memory_space<semaphore_mem>>) src(%arg6 : memref<32xf32, #tpu.memory_space<hbm>>) dst(%arg13 : memref<32xf32, #tpu.memory_space<vmem>>)
      tpu.yield
    }) : () -> ()
    "tpu.region"() ({
      %run_scoped3A = tpu.sem_alloc : memref<!tpu.dma_semaphore, #tpu.memory_space<semaphore_mem>>
      tpu.enqueue_dma source(%arg7 : memref<16xf32, #tpu.memory_space<hbm>>) target(%arg14 : memref<16xf32, #tpu.memory_space<vmem>>) target_semaphore(%run_scoped3A : memref<!tpu.dma_semaphore, #tpu.memory_space<semaphore_mem>>)
      tpu.wait_dma2 semaphore(%run_scoped3A : memref<!tpu.dma_semaphore, #tpu.memory_space<semaphore_mem>>) src(%arg7 : memref<16xf32, #tpu.memory_space<hbm>>) dst(%arg14 : memref<16xf32, #tpu.memory_space<vmem>>)
      tpu.yield
    }) : () -> ()
    %get3A = arith.constant 0 : index
    %get3A_3 = tpu.vector_load %arg14[%get3A] {strides = array<i32>} : memref<16xf32, #tpu.memory_space<vmem>>, vector<16xf32>,
    %get3A_4 = arith.constant 0 : index
    %get3A_5 = tpu.vector_load %arg13[%get3A_4] {strides = array<i32>} : memref<32xf32, #tpu.memory_space<vmem>>, vector<16xf32>,
    %get3A_6 = arith.constant 16 : index
    %get3A_7 = tpu.vector_load %arg13[%get3A_6] {strides = array<i32>} : memref<32xf32, #tpu.memory_space<vmem>>, vector<16xf32>,
    %iota3A = tpu.iota {dimensions = array<i32: 0>} : vector<16xi32>
    %broadcast_in_dim3A = arith.constant 127 : i32
    %broadcast_in_dim3A_8 = vector.broadcast %broadcast_in_dim3A : i32 to vector<16xi32>
    %broadcast_in_dim3A_9 = arith.constant 999872 : i32
    %broadcast_in_dim3A_10 = vector.broadcast %broadcast_in_dim3A_9 : i32 to vector<16xi32>
    %broadcast_in_dim3A_11 = arith.constant 7 : i32
    %broadcast_in_dim3A_12 = vector.broadcast %broadcast_in_dim3A_11 : i32 to vector<16xi32>
    %and3A = arith.andi %iota3A, %broadcast_in_dim3A_12 : vector<16xi32>
    %shift_right_logical3A = arith.constant 3 : i32
    %shift_right_logical3A_13 = vector.broadcast %shift_right_logical3A : i32 to vector<16xi32>
    %shift_right_logical3A_14 = arith.shrui %iota3A, %shift_right_logical3A_13 : vector<16xi32>
    %scan3A = arith.constant 0 : i32
    %scan3A_15 = arith.constant 0 : i32
    %scan3A_16 = arith.constant 32 : i32
    %scan3A_17 = arith.addi %scan3A_15, %scan3A_16 : i32
    %scan3A_18 = arith.constant 1 : i32
    %scan3A_19 = scf.for %scan3A_21 = %scan3A_15 to %scan3A_17 step %scan3A_18 iter_args(%scan3A_22 = %scan3A) -> (i32)  : i32 {
      %mul3A_23 = arith.constant 16 : i32
      %mul3A_24 = arith.muli %scan3A_21, %mul3A_23 : i32
      %get3A_25 = arith.index_cast %mul3A_24 : i32 to index
      %get3A_26 = tpu.vector_load %arg9[%get3A_25] {strides = array<i32>} : memref<512xi32, #tpu.memory_space<vmem>>, vector<16xi32>,
      %mul3A_27 = arith.constant 16 : i32
      %mul3A_28 = arith.muli %scan3A_21, %mul3A_27 : i32
      %get3A_29 = arith.index_cast %mul3A_28 : i32 to index
      %get3A_30 = tpu.vector_load %arg10[%get3A_29] {strides = array<i32>} : memref<512xi32, #tpu.memory_space<vmem>>, vector<16xi32>,
      %add3A_31 = arith.constant 0 : i32
      %add3A_32 = vector.broadcast %add3A_31 : i32 to vector<16xi32>
      %add3A_33 = arith.addi %and3A, %add3A_32 : vector<16xi32>
      %lt3A = arith.constant 0 : i32
      %lt3A_34 = vector.broadcast %lt3A : i32 to vector<16xi32>
      %lt3A_35 = arith.cmpi slt, %add3A_33, %lt3A_34 : vector<16xi32>
      %add3A_36 = arith.constant 16 : i32
      %add3A_37 = vector.broadcast %add3A_36 : i32 to vector<16xi32>
      %add3A_38 = arith.addi %add3A_33, %add3A_37 : vector<16xi32>
      %select_n3A = arith.select %lt3A_35, %add3A_38, %add3A_33 : vector<16xi1>, vector<16xi32>
      %broadcast_in_dim3A_39 = vector.shape_cast %select_n3A : vector<16xi32> to vector<16x1xi32>
      %gather3A = vector.shape_cast %broadcast_in_dim3A_39 : vector<16x1xi32> to vector<16xi32>
      %gather3A_40 = tpu.dynamic_gather %get3A_26[%gather3A] in [0] : vector<16xi32>, vector<16xi32> -> vector<16xi32>
      %add3A_41 = arith.constant 0 : i32
      %add3A_42 = vector.broadcast %add3A_41 : i32 to vector<16xi32>
      %add3A_43 = arith.addi %and3A, %add3A_42 : vector<16xi32>
      %lt3A_44 = arith.constant 0 : i32
      %lt3A_45 = vector.broadcast %lt3A_44 : i32 to vector<16xi32>
      %lt3A_46 = arith.cmpi slt, %add3A_43, %lt3A_45 : vector<16xi32>
      %add3A_47 = arith.constant 16 : i32
      %add3A_48 = vector.broadcast %add3A_47 : i32 to vector<16xi32>
      %add3A_49 = arith.addi %add3A_43, %add3A_48 : vector<16xi32>
      %select_n3A_50 = arith.select %lt3A_46, %add3A_49, %add3A_43 : vector<16xi1>, vector<16xi32>
      %broadcast_in_dim3A_51 = vector.shape_cast %select_n3A_50 : vector<16xi32> to vector<16x1xi32>
      %gather3A_52 = vector.shape_cast %broadcast_in_dim3A_51 : vector<16x1xi32> to vector<16xi32>
      %gather3A_53 = tpu.dynamic_gather %get3A_30[%gather3A_52] in [0] : vector<16xi32>, vector<16xi32> -> vector<16xi32>
      %slice3A = vector.extract_strided_slice %gather3A_40 {offsets = [0], sizes = [1], strides = [1]} : vector<16xi32> to vector<1xi32>
      %squeeze3A = vector.extract %slice3A[0] : i32 from vector<1xi32>
      %and3A_54 = arith.constant -128 : i32
      %and3A_55 = arith.andi %squeeze3A, %and3A_54 : i32
      %multiple_of3A = tpu.assume_multiple %and3A_55, 128 : i32
      %dma_start3A = arith.constant 0 : i32
      %dma_start3A_56 = arith.constant 0 : i32
      %dma_start3A_57 = arith.constant 0 : i32
      %dma_start3A_58 = tpu.memref_slice %arg11[%dma_start3A, %dma_start3A_56, %dma_start3A_57] : memref<8x32x128xf32, #tpu.memory_space<vmem>> -> memref<1x32x128xf32, #tpu.memory_space<vmem>>
      %dma_start3A_59 = tpu.memref_squeeze %dma_start3A_58 : memref<1x32x128xf32, #tpu.memory_space<vmem>> -> memref<32x128xf32, #tpu.memory_space<vmem>>
      %dma_start3A_60 = arith.constant 0 : i32
      %dma_start3A_61 = tpu.memref_slice %arg4[%dma_start3A_60, %multiple_of3A] : memref<32x1000000xf32, #tpu.memory_space<hbm>> -> memref<32x128xf32, #tpu.memory_space<hbm>>
      %dma_start3A_62 = arith.constant 0 : i32
      %dma_start3A_63 = arith.constant 0 : i32
      %dma_start3A_64 = tpu.memref_slice %arg11[%dma_start3A, %dma_start3A_62, %dma_start3A_63] : memref<8x32x128xf32, #tpu.memory_space<vmem>> -> memref<1x32x128xf32, #tpu.memory_space<vmem>>
      %dma_start3A_65 = tpu.memref_squeeze %dma_start3A_64 : memref<1x32x128xf32, #tpu.memory_space<vmem>> -> memref<32x128xf32, #tpu.memory_space<vmem>>
      %dma_start3A_66 = arith.constant 0 : i32
      %dma_start3A_67 = tpu.memref_slice %arg4[%dma_start3A_66, %multiple_of3A] : memref<32x1000000xf32, #tpu.memory_space<hbm>> -> memref<32x128xf32, #tpu.memory_space<hbm>>
      tpu.enqueue_dma source(%dma_start3A_67 : memref<32x128xf32, #tpu.memory_space<hbm>>) target(%dma_start3A_65 : memref<32x128xf32, #tpu.memory_space<vmem>>) target_semaphore(%arg16 : memref<!tpu.dma_semaphore, #tpu.memory_space<semaphore_mem>>)
      %slice3A_68 = vector.extract_strided_slice %gather3A_40 {offsets = [1], sizes = [1], strides = [1]} : vector<16xi32> to vector<1xi32>
      %squeeze3A_69 = vector.extract %slice3A_68[0] : i32 from vector<1xi32>
      %and3A_70 = arith.constant -128 : i32
      %and3A_71 = arith.andi %squeeze3A_69, %and3A_70 : i32
      %multiple_of3A_72 = tpu.assume_multiple %and3A_71, 128 : i32
      %dma_start3A_73 = arith.constant 1 : i32
      %dma_start3A_74 = arith.constant 0 : i32
      %dma_start3A_75 = arith.constant 0 : i32
      %dma_start3A_76 = tpu.memref_slice %arg11[%dma_start3A_73, %dma_start3A_74, %dma_start3A_75] : memref<8x32x128xf32, #tpu.memory_space<vmem>> -> memref<1x32x128xf32, #tpu.memory_space<vmem>>
      %dma_start3A_77 = tpu.memref_squeeze %dma_start3A_76 : memref<1x32x128xf32, #tpu.memory_space<vmem>> -> memref<32x128xf32, #tpu.memory_space<vmem>>
      %dma_start3A_78 = arith.constant 0 : i32
      %dma_start3A_79 = tpu.memref_slice %arg4[%dma_start3A_78, %multiple_of3A_72] : memref<32x1000000xf32, #tpu.memory_space<hbm>> -> memref<32x128xf32, #tpu.memory_space<hbm>>
      %dma_start3A_80 = arith.constant 0 : i32
      %dma_start3A_81 = arith.constant 0 : i32
      %dma_start3A_82 = tpu.memref_slice %arg11[%dma_start3A_73, %dma_start3A_80, %dma_start3A_81] : memref<8x32x128xf32, #tpu.memory_space<vmem>> -> memref<1x32x128xf32, #tpu.memory_space<vmem>>
      %dma_start3A_83 = tpu.memref_squeeze %dma_start3A_82 : memref<1x32x128xf32, #tpu.memory_space<vmem>> -> memref<32x128xf32, #tpu.memory_space<vmem>>
      %dma_start3A_84 = arith.constant 0 : i32
      %dma_start3A_85 = tpu.memref_slice %arg4[%dma_start3A_84, %multiple_of3A_72] : memref<32x1000000xf32, #tpu.memory_space<hbm>> -> memref<32x128xf32, #tpu.memory_space<hbm>>
      tpu.enqueue_dma source(%dma_start3A_85 : memref<32x128xf32, #tpu.memory_space<hbm>>) target(%dma_start3A_83 : memref<32x128xf32, #tpu.memory_space<vmem>>) target_semaphore(%arg16 : memref<!tpu.dma_semaphore, #tpu.memory_space<semaphore_mem>>)
      %slice3A_86 = vector.extract_strided_slice %gather3A_40 {offsets = [2], sizes = [1], strides = [1]} : vector<16xi32> to vector<1xi32>
      %squeeze3A_87 = vector.extract %slice3A_86[0] : i32 from vector<1xi32>
      %and3A_88 = arith.constant -128 : i32
      %and3A_89 = arith.andi %squeeze3A_87, %and3A_88 : i32
      %multiple_of3A_90 = tpu.assume_multiple %and3A_89, 128 : i32
      %dma_start3A_91 = arith.constant 2 : i32
      %dma_start3A_92 = arith.constant 0 : i32
      %dma_start3A_93 = arith.constant 0 : i32
      %dma_start3A_94 = tpu.memref_slice %arg11[%dma_start3A_91, %dma_start3A_92, %dma_start3A_93] : memref<8x32x128xf32, #tpu.memory_space<vmem>> -> memref<1x32x128xf32, #tpu.memory_space<vmem>>
      %dma_start3A_95 = tpu.memref_squeeze %dma_start3A_94 : memref<1x32x128xf32, #tpu.memory_space<vmem>> -> memref<32x128xf32, #tpu.memory_space<vmem>>
      %dma_start3A_96 = arith.constant 0 : i32
      %dma_start3A_97 = tpu.memref_slice %arg4[%dma_start3A_96, %multiple_of3A_90] : memref<32x1000000xf32, #tpu.memory_space<hbm>> -> memref<32x128xf32, #tpu.memory_space<hbm>>
      %dma_start3A_98 = arith.constant 0 : i32
      %dma_start3A_99 = arith.constant 0 : i32
      %dma_start3A_100 = tpu.memref_slice %arg11[%dma_start3A_91, %dma_start3A_98, %dma_start3A_99] : memref<8x32x128xf32, #tpu.memory_space<vmem>> -> memref<1x32x128xf32, #tpu.memory_space<vmem>>
      %dma_start3A_101 = tpu.memref_squeeze %dma_start3A_100 : memref<1x32x128xf32, #tpu.memory_space<vmem>> -> memref<32x128xf32, #tpu.memory_space<vmem>>
      %dma_start3A_102 = arith.constant 0 : i32
      %dma_start3A_103 = tpu.memref_slice %arg4[%dma_start3A_102, %multiple_of3A_90] : memref<32x1000000xf32, #tpu.memory_space<hbm>> -> memref<32x128xf32, #tpu.memory_space<hbm>>
      tpu.enqueue_dma source(%dma_start3A_103 : memref<32x128xf32, #tpu.memory_space<hbm>>) target(%dma_start3A_101 : memref<32x128xf32, #tpu.memory_space<vmem>>) target_semaphore(%arg16 : memref<!tpu.dma_semaphore, #tpu.memory_space<semaphore_mem>>)
      %slice3A_104 = vector.extract_strided_slice %gather3A_40 {offsets = [3], sizes = [1], strides = [1]} : vector<16xi32> to vector<1xi32>
      %squeeze3A_105 = vector.extract %slice3A_104[0] : i32 from vector<1xi32>
      %and3A_106 = arith.constant -128 : i32
      %and3A_107 = arith.andi %squeeze3A_105, %and3A_106 : i32
      %multiple_of3A_108 = tpu.assume_multiple %and3A_107, 128 : i32
      %dma_start3A_109 = arith.constant 3 : i32
      %dma_start3A_110 = arith.constant 0 : i32
      %dma_start3A_111 = arith.constant 0 : i32
      %dma_start3A_112 = tpu.memref_slice %arg11[%dma_start3A_109, %dma_start3A_110, %dma_start3A_111] : memref<8x32x128xf32, #tpu.memory_space<vmem>> -> memref<1x32x128xf32, #tpu.memory_space<vmem>>
      %dma_start3A_113 = tpu.memref_squeeze %dma_start3A_112 : memref<1x32x128xf32, #tpu.memory_space<vmem>> -> memref<32x128xf32, #tpu.memory_space<vmem>>
      %dma_start3A_114 = arith.constant 0 : i32
      %dma_start3A_115 = tpu.memref_slice %arg4[%dma_start3A_114, %multiple_of3A_108] : memref<32x1000000xf32, #tpu.memory_space<hbm>> -> memref<32x128xf32, #tpu.memory_space<hbm>>
      %dma_start3A_116 = arith.constant 0 : i32
      %dma_start3A_117 = arith.constant 0 : i32
      %dma_start3A_118 = tpu.memref_slice %arg11[%dma_start3A_109, %dma_start3A_116, %dma_start3A_117] : memref<8x32x128xf32, #tpu.memory_space<vmem>> -> memref<1x32x128xf32, #tpu.memory_space<vmem>>
      %dma_start3A_119 = tpu.memref_squeeze %dma_start3A_118 : memref<1x32x128xf32, #tpu.memory_space<vmem>> -> memref<32x128xf32, #tpu.memory_space<vmem>>
      %dma_start3A_120 = arith.constant 0 : i32
      %dma_start3A_121 = tpu.memref_slice %arg4[%dma_start3A_120, %multiple_of3A_108] : memref<32x1000000xf32, #tpu.memory_space<hbm>> -> memref<32x128xf32, #tpu.memory_space<hbm>>
      tpu.enqueue_dma source(%dma_start3A_121 : memref<32x128xf32, #tpu.memory_space<hbm>>) target(%dma_start3A_119 : memref<32x128xf32, #tpu.memory_space<vmem>>) target_semaphore(%arg16 : memref<!tpu.dma_semaphore, #tpu.memory_space<semaphore_mem>>)
      %slice3A_122 = vector.extract_strided_slice %gather3A_40 {offsets = [4], sizes = [1], strides = [1]} : vector<16xi32> to vector<1xi32>
      %squeeze3A_123 = vector.extract %slice3A_122[0] : i32 from vector<1xi32>
      %and3A_124 = arith.constant -128 : i32
      %and3A_125 = arith.andi %squeeze3A_123, %and3A_124 : i32
      %multiple_of3A_126 = tpu.assume_multiple %and3A_125, 128 : i32
      %dma_start3A_127 = arith.constant 4 : i32
      %dma_start3A_128 = arith.constant 0 : i32
      %dma_start3A_129 = arith.constant 0 : i32
      %dma_start3A_130 = tpu.memref_slice %arg11[%dma_start3A_127, %dma_start3A_128, %dma_start3A_129] : memref<8x32x128xf32, #tpu.memory_space<vmem>> -> memref<1x32x128xf32, #tpu.memory_space<vmem>>
      %dma_start3A_131 = tpu.memref_squeeze %dma_start3A_130 : memref<1x32x128xf32, #tpu.memory_space<vmem>> -> memref<32x128xf32, #tpu.memory_space<vmem>>
      %dma_start3A_132 = arith.constant 0 : i32
      %dma_start3A_133 = tpu.memref_slice %arg4[%dma_start3A_132, %multiple_of3A_126] : memref<32x1000000xf32, #tpu.memory_space<hbm>> -> memref<32x128xf32, #tpu.memory_space<hbm>>
      %dma_start3A_134 = arith.constant 0 : i32
      %dma_start3A_135 = arith.constant 0 : i32
      %dma_start3A_136 = tpu.memref_slice %arg11[%dma_start3A_127, %dma_start3A_134, %dma_start3A_135] : memref<8x32x128xf32, #tpu.memory_space<vmem>> -> memref<1x32x128xf32, #tpu.memory_space<vmem>>
      %dma_start3A_137 = tpu.memref_squeeze %dma_start3A_136 : memref<1x32x128xf32, #tpu.memory_space<vmem>> -> memref<32x128xf32, #tpu.memory_space<vmem>>
      %dma_start3A_138 = arith.constant 0 : i32
      %dma_start3A_139 = tpu.memref_slice %arg4[%dma_start3A_138, %multiple_of3A_126] : memref<32x1000000xf32, #tpu.memory_space<hbm>> -> memref<32x128xf32, #tpu.memory_space<hbm>>
      tpu.enqueue_dma source(%dma_start3A_139 : memref<32x128xf32, #tpu.memory_space<hbm>>) target(%dma_start3A_137 : memref<32x128xf32, #tpu.memory_space<vmem>>) target_semaphore(%arg16 : memref<!tpu.dma_semaphore, #tpu.memory_space<semaphore_mem>>)
      %slice3A_140 = vector.extract_strided_slice %gather3A_40 {offsets = [5], sizes = [1], strides = [1]} : vector<16xi32> to vector<1xi32>
      %squeeze3A_141 = vector.extract %slice3A_140[0] : i32 from vector<1xi32>
      %and3A_142 = arith.constant -128 : i32
      %and3A_143 = arith.andi %squeeze3A_141, %and3A_142 : i32
      %multiple_of3A_144 = tpu.assume_multiple %and3A_143, 128 : i32
      %dma_start3A_145 = arith.constant 5 : i32
      %dma_start3A_146 = arith.constant 0 : i32
      %dma_start3A_147 = arith.constant 0 : i32
      %dma_start3A_148 = tpu.memref_slice %arg11[%dma_start3A_145, %dma_start3A_146, %dma_start3A_147] : memref<8x32x128xf32, #tpu.memory_space<vmem>> -> memref<1x32x128xf32, #tpu.memory_space<vmem>>
      %dma_start3A_149 = tpu.memref_squeeze %dma_start3A_148 : memref<1x32x128xf32, #tpu.memory_space<vmem>> -> memref<32x128xf32, #tpu.memory_space<vmem>>
      %dma_start3A_150 = arith.constant 0 : i32
      %dma_start3A_151 = tpu.memref_slice %arg4[%dma_start3A_150, %multiple_of3A_144] : memref<32x1000000xf32, #tpu.memory_space<hbm>> -> memref<32x128xf32, #tpu.memory_space<hbm>>
      %dma_start3A_152 = arith.constant 0 : i32
      %dma_start3A_153 = arith.constant 0 : i32
      %dma_start3A_154 = tpu.memref_slice %arg11[%dma_start3A_145, %dma_start3A_152, %dma_start3A_153] : memref<8x32x128xf32, #tpu.memory_space<vmem>> -> memref<1x32x128xf32, #tpu.memory_space<vmem>>
      %dma_start3A_155 = tpu.memref_squeeze %dma_start3A_154 : memref<1x32x128xf32, #tpu.memory_space<vmem>> -> memref<32x128xf32, #tpu.memory_space<vmem>>
      %dma_start3A_156 = arith.constant 0 : i32
      %dma_start3A_157 = tpu.memref_slice %arg4[%dma_start3A_156, %multiple_of3A_144] : memref<32x1000000xf32, #tpu.memory_space<hbm>> -> memref<32x128xf32, #tpu.memory_space<hbm>>
      tpu.enqueue_dma source(%dma_start3A_157 : memref<32x128xf32, #tpu.memory_space<hbm>>) target(%dma_start3A_155 : memref<32x128xf32, #tpu.memory_space<vmem>>) target_semaphore(%arg16 : memref<!tpu.dma_semaphore, #tpu.memory_space<semaphore_mem>>)
      %slice3A_158 = vector.extract_strided_slice %gather3A_40 {offsets = [6], sizes = [1], strides = [1]} : vector<16xi32> to vector<1xi32>
      %squeeze3A_159 = vector.extract %slice3A_158[0] : i32 from vector<1xi32>
      %and3A_160 = arith.constant -128 : i32
      %and3A_161 = arith.andi %squeeze3A_159, %and3A_160 : i32
      %multiple_of3A_162 = tpu.assume_multiple %and3A_161, 128 : i32
      %dma_start3A_163 = arith.constant 6 : i32
      %dma_start3A_164 = arith.constant 0 : i32
      %dma_start3A_165 = arith.constant 0 : i32
      %dma_start3A_166 = tpu.memref_slice %arg11[%dma_start3A_163, %dma_start3A_164, %dma_start3A_165] : memref<8x32x128xf32, #tpu.memory_space<vmem>> -> memref<1x32x128xf32, #tpu.memory_space<vmem>>
      %dma_start3A_167 = tpu.memref_squeeze %dma_start3A_166 : memref<1x32x128xf32, #tpu.memory_space<vmem>> -> memref<32x128xf32, #tpu.memory_space<vmem>>
      %dma_start3A_168 = arith.constant 0 : i32
      %dma_start3A_169 = tpu.memref_slice %arg4[%dma_start3A_168, %multiple_of3A_162] : memref<32x1000000xf32, #tpu.memory_space<hbm>> -> memref<32x128xf32, #tpu.memory_space<hbm>>
      %dma_start3A_170 = arith.constant 0 : i32
      %dma_start3A_171 = arith.constant 0 : i32
      %dma_start3A_172 = tpu.memref_slice %arg11[%dma_start3A_163, %dma_start3A_170, %dma_start3A_171] : memref<8x32x128xf32, #tpu.memory_space<vmem>> -> memref<1x32x128xf32, #tpu.memory_space<vmem>>
      %dma_start3A_173 = tpu.memref_squeeze %dma_start3A_172 : memref<1x32x128xf32, #tpu.memory_space<vmem>> -> memref<32x128xf32, #tpu.memory_space<vmem>>
      %dma_start3A_174 = arith.constant 0 : i32
      %dma_start3A_175 = tpu.memref_slice %arg4[%dma_start3A_174, %multiple_of3A_162] : memref<32x1000000xf32, #tpu.memory_space<hbm>> -> memref<32x128xf32, #tpu.memory_space<hbm>>
      tpu.enqueue_dma source(%dma_start3A_175 : memref<32x128xf32, #tpu.memory_space<hbm>>) target(%dma_start3A_173 : memref<32x128xf32, #tpu.memory_space<vmem>>) target_semaphore(%arg16 : memref<!tpu.dma_semaphore, #tpu.memory_space<semaphore_mem>>)
      %slice3A_176 = vector.extract_strided_slice %gather3A_40 {offsets = [7], sizes = [1], strides = [1]} : vector<16xi32> to vector<1xi32>
      %squeeze3A_177 = vector.extract %slice3A_176[0] : i32 from vector<1xi32>
      %and3A_178 = arith.constant -128 : i32
      %and3A_179 = arith.andi %squeeze3A_177, %and3A_178 : i32
      %multiple_of3A_180 = tpu.assume_multiple %and3A_179, 128 : i32
      %dma_start3A_181 = arith.constant 7 : i32
      %dma_start3A_182 = arith.constant 0 : i32
      %dma_start3A_183 = arith.constant 0 : i32
      %dma_start3A_184 = tpu.memref_slice %arg11[%dma_start3A_181, %dma_start3A_182, %dma_start3A_183] : memref<8x32x128xf32, #tpu.memory_space<vmem>> -> memref<1x32x128xf32, #tpu.memory_space<vmem>>
      %dma_start3A_185 = tpu.memref_squeeze %dma_start3A_184 : memref<1x32x128xf32, #tpu.memory_space<vmem>> -> memref<32x128xf32, #tpu.memory_space<vmem>>
      %dma_start3A_186 = arith.constant 0 : i32
      %dma_start3A_187 = tpu.memref_slice %arg4[%dma_start3A_186, %multiple_of3A_180] : memref<32x1000000xf32, #tpu.memory_space<hbm>> -> memref<32x128xf32, #tpu.memory_space<hbm>>
      %dma_start3A_188 = arith.constant 0 : i32
      %dma_start3A_189 = arith.constant 0 : i32
      %dma_start3A_190 = tpu.memref_slice %arg11[%dma_start3A_181, %dma_start3A_188, %dma_start3A_189] : memref<8x32x128xf32, #tpu.memory_space<vmem>> -> memref<1x32x128xf32, #tpu.memory_space<vmem>>
      %dma_start3A_191 = tpu.memref_squeeze %dma_start3A_190 : memref<1x32x128xf32, #tpu.memory_space<vmem>> -> memref<32x128xf32, #tpu.memory_space<vmem>>
      %dma_start3A_192 = arith.constant 0 : i32
      %dma_start3A_193 = tpu.memref_slice %arg4[%dma_start3A_192, %multiple_of3A_180] : memref<32x1000000xf32, #tpu.memory_space<hbm>> -> memref<32x128xf32, #tpu.memory_space<hbm>>
      tpu.enqueue_dma source(%dma_start3A_193 : memref<32x128xf32, #tpu.memory_space<hbm>>) target(%dma_start3A_191 : memref<32x128xf32, #tpu.memory_space<vmem>>) target_semaphore(%arg16 : memref<!tpu.dma_semaphore, #tpu.memory_space<semaphore_mem>>)
      %and3A_194 = arith.andi %gather3A_40, %broadcast_in_dim3A_8 : vector<16xi32>
      %slice3A_195 = vector.extract_strided_slice %gather3A_53 {offsets = [0], sizes = [1], strides = [1]} : vector<16xi32> to vector<1xi32>
      %squeeze3A_196 = vector.extract %slice3A_195[0] : i32 from vector<1xi32>
      %and3A_197 = arith.constant -128 : i32
      %and3A_198 = arith.andi %squeeze3A_196, %and3A_197 : i32
      %multiple_of3A_199 = tpu.assume_multiple %and3A_198, 128 : i32
      %dma_start3A_200 = arith.constant 0 : i32
      %dma_start3A_201 = arith.constant 0 : i32
      %dma_start3A_202 = arith.constant 0 : i32
      %dma_start3A_203 = tpu.memref_slice %arg12[%dma_start3A_200, %dma_start3A_201, %dma_start3A_202] : memref<8x32x128xf32, #tpu.memory_space<vmem>> -> memref<1x32x128xf32, #tpu.memory_space<vmem>>
      %dma_start3A_204 = tpu.memref_squeeze %dma_start3A_203 : memref<1x32x128xf32, #tpu.memory_space<vmem>> -> memref<32x128xf32, #tpu.memory_space<vmem>>
      %dma_start3A_205 = arith.constant 0 : i32
      %dma_start3A_206 = tpu.memref_slice %arg5[%dma_start3A_205, %multiple_of3A_199] : memref<32x1000000xf32, #tpu.memory_space<hbm>> -> memref<32x128xf32, #tpu.memory_space<hbm>>
      %dma_start3A_207 = arith.constant 0 : i32
      %dma_start3A_208 = arith.constant 0 : i32
      %dma_start3A_209 = tpu.memref_slice %arg12[%dma_start3A_200, %dma_start3A_207, %dma_start3A_208] : memref<8x32x128xf32, #tpu.memory_space<vmem>> -> memref<1x32x128xf32, #tpu.memory_space<vmem>>
      %dma_start3A_210 = tpu.memref_squeeze %dma_start3A_209 : memref<1x32x128xf32, #tpu.memory_space<vmem>> -> memref<32x128xf32, #tpu.memory_space<vmem>>
      %dma_start3A_211 = arith.constant 0 : i32
      %dma_start3A_212 = tpu.memref_slice %arg5[%dma_start3A_211, %multiple_of3A_199] : memref<32x1000000xf32, #tpu.memory_space<hbm>> -> memref<32x128xf32, #tpu.memory_space<hbm>>
      tpu.enqueue_dma source(%dma_start3A_212 : memref<32x128xf32, #tpu.memory_space<hbm>>) target(%dma_start3A_210 : memref<32x128xf32, #tpu.memory_space<vmem>>) target_semaphore(%arg16 : memref<!tpu.dma_semaphore, #tpu.memory_space<semaphore_mem>>)
      %slice3A_213 = vector.extract_strided_slice %gather3A_53 {offsets = [1], sizes = [1], strides = [1]} : vector<16xi32> to vector<1xi32>
      %squeeze3A_214 = vector.extract %slice3A_213[0] : i32 from vector<1xi32>
      %and3A_215 = arith.constant -128 : i32
      %and3A_216 = arith.andi %squeeze3A_214, %and3A_215 : i32
      %multiple_of3A_217 = tpu.assume_multiple %and3A_216, 128 : i32
      %dma_start3A_218 = arith.constant 1 : i32
      %dma_start3A_219 = arith.constant 0 : i32
      %dma_start3A_220 = arith.constant 0 : i32
      %dma_start3A_221 = tpu.memref_slice %arg12[%dma_start3A_218, %dma_start3A_219, %dma_start3A_220] : memref<8x32x128xf32, #tpu.memory_space<vmem>> -> memref<1x32x128xf32, #tpu.memory_space<vmem>>
      %dma_start3A_222 = tpu.memref_squeeze %dma_start3A_221 : memref<1x32x128xf32, #tpu.memory_space<vmem>> -> memref<32x128xf32, #tpu.memory_space<vmem>>
      %dma_start3A_223 = arith.constant 0 : i32
      %dma_start3A_224 = tpu.memref_slice %arg5[%dma_start3A_223, %multiple_of3A_217] : memref<32x1000000xf32, #tpu.memory_space<hbm>> -> memref<32x128xf32, #tpu.memory_space<hbm>>
      %dma_start3A_225 = arith.constant 0 : i32
      %dma_start3A_226 = arith.constant 0 : i32
      %dma_start3A_227 = tpu.memref_slice %arg12[%dma_start3A_218, %dma_start3A_225, %dma_start3A_226] : memref<8x32x128xf32, #tpu.memory_space<vmem>> -> memref<1x32x128xf32, #tpu.memory_space<vmem>>
      %dma_start3A_228 = tpu.memref_squeeze %dma_start3A_227 : memref<1x32x128xf32, #tpu.memory_space<vmem>> -> memref<32x128xf32, #tpu.memory_space<vmem>>
      %dma_start3A_229 = arith.constant 0 : i32
      %dma_start3A_230 = tpu.memref_slice %arg5[%dma_start3A_229, %multiple_of3A_217] : memref<32x1000000xf32, #tpu.memory_space<hbm>> -> memref<32x128xf32, #tpu.memory_space<hbm>>
      tpu.enqueue_dma source(%dma_start3A_230 : memref<32x128xf32, #tpu.memory_space<hbm>>) target(%dma_start3A_228 : memref<32x128xf32, #tpu.memory_space<vmem>>) target_semaphore(%arg16 : memref<!tpu.dma_semaphore, #tpu.memory_space<semaphore_mem>>)
      %slice3A_231 = vector.extract_strided_slice %gather3A_53 {offsets = [2], sizes = [1], strides = [1]} : vector<16xi32> to vector<1xi32>
      %squeeze3A_232 = vector.extract %slice3A_231[0] : i32 from vector<1xi32>
      %and3A_233 = arith.constant -128 : i32
      %and3A_234 = arith.andi %squeeze3A_232, %and3A_233 : i32
      %multiple_of3A_235 = tpu.assume_multiple %and3A_234, 128 : i32
      %dma_start3A_236 = arith.constant 2 : i32
      %dma_start3A_237 = arith.constant 0 : i32
      %dma_start3A_238 = arith.constant 0 : i32
      %dma_start3A_239 = tpu.memref_slice %arg12[%dma_start3A_236, %dma_start3A_237, %dma_start3A_238] : memref<8x32x128xf32, #tpu.memory_space<vmem>> -> memref<1x32x128xf32, #tpu.memory_space<vmem>>
      %dma_start3A_240 = tpu.memref_squeeze %dma_start3A_239 : memref<1x32x128xf32, #tpu.memory_space<vmem>> -> memref<32x128xf32, #tpu.memory_space<vmem>>
      %dma_start3A_241 = arith.constant 0 : i32
      %dma_start3A_242 = tpu.memref_slice %arg5[%dma_start3A_241, %multiple_of3A_235] : memref<32x1000000xf32, #tpu.memory_space<hbm>> -> memref<32x128xf32, #tpu.memory_space<hbm>>
      %dma_start3A_243 = arith.constant 0 : i32
      %dma_start3A_244 = arith.constant 0 : i32
      %dma_start3A_245 = tpu.memref_slice %arg12[%dma_start3A_236, %dma_start3A_243, %dma_start3A_244] : memref<8x32x128xf32, #tpu.memory_space<vmem>> -> memref<1x32x128xf32, #tpu.memory_space<vmem>>
      %dma_start3A_246 = tpu.memref_squeeze %dma_start3A_245 : memref<1x32x128xf32, #tpu.memory_space<vmem>> -> memref<32x128xf32, #tpu.memory_space<vmem>>
      %dma_start3A_247 = arith.constant 0 : i32
      %dma_start3A_248 = tpu.memref_slice %arg5[%dma_start3A_247, %multiple_of3A_235] : memref<32x1000000xf32, #tpu.memory_space<hbm>> -> memref<32x128xf32, #tpu.memory_space<hbm>>
      tpu.enqueue_dma source(%dma_start3A_248 : memref<32x128xf32, #tpu.memory_space<hbm>>) target(%dma_start3A_246 : memref<32x128xf32, #tpu.memory_space<vmem>>) target_semaphore(%arg16 : memref<!tpu.dma_semaphore, #tpu.memory_space<semaphore_mem>>)
      %slice3A_249 = vector.extract_strided_slice %gather3A_53 {offsets = [3], sizes = [1], strides = [1]} : vector<16xi32> to vector<1xi32>
      %squeeze3A_250 = vector.extract %slice3A_249[0] : i32 from vector<1xi32>
      %and3A_251 = arith.constant -128 : i32
      %and3A_252 = arith.andi %squeeze3A_250, %and3A_251 : i32
      %multiple_of3A_253 = tpu.assume_multiple %and3A_252, 128 : i32
      %dma_start3A_254 = arith.constant 3 : i32
      %dma_start3A_255 = arith.constant 0 : i32
      %dma_start3A_256 = arith.constant 0 : i32
      %dma_start3A_257 = tpu.memref_slice %arg12[%dma_start3A_254, %dma_start3A_255, %dma_start3A_256] : memref<8x32x128xf32, #tpu.memory_space<vmem>> -> memref<1x32x128xf32, #tpu.memory_space<vmem>>
      %dma_start3A_258 = tpu.memref_squeeze %dma_start3A_257 : memref<1x32x128xf32, #tpu.memory_space<vmem>> -> memref<32x128xf32, #tpu.memory_space<vmem>>
      %dma_start3A_259 = arith.constant 0 : i32
      %dma_start3A_260 = tpu.memref_slice %arg5[%dma_start3A_259, %multiple_of3A_253] : memref<32x1000000xf32, #tpu.memory_space<hbm>> -> memref<32x128xf32, #tpu.memory_space<hbm>>
      %dma_start3A_261 = arith.constant 0 : i32
      %dma_start3A_262 = arith.constant 0 : i32
      %dma_start3A_263 = tpu.memref_slice %arg12[%dma_start3A_254, %dma_start3A_261, %dma_start3A_262] : memref<8x32x128xf32, #tpu.memory_space<vmem>> -> memref<1x32x128xf32, #tpu.memory_space<vmem>>
      %dma_start3A_264 = tpu.memref_squeeze %dma_start3A_263 : memref<1x32x128xf32, #tpu.memory_space<vmem>> -> memref<32x128xf32, #tpu.memory_space<vmem>>
      %dma_start3A_265 = arith.constant 0 : i32
      %dma_start3A_266 = tpu.memref_slice %arg5[%dma_start3A_265, %multiple_of3A_253] : memref<32x1000000xf32, #tpu.memory_space<hbm>> -> memref<32x128xf32, #tpu.memory_space<hbm>>
      tpu.enqueue_dma source(%dma_start3A_266 : memref<32x128xf32, #tpu.memory_space<hbm>>) target(%dma_start3A_264 : memref<32x128xf32, #tpu.memory_space<vmem>>) target_semaphore(%arg16 : memref<!tpu.dma_semaphore, #tpu.memory_space<semaphore_mem>>)
      %slice3A_267 = vector.extract_strided_slice %gather3A_53 {offsets = [4], sizes = [1], strides = [1]} : vector<16xi32> to vector<1xi32>
      %squeeze3A_268 = vector.extract %slice3A_267[0] : i32 from vector<1xi32>
      %and3A_269 = arith.constant -128 : i32
      %and3A_270 = arith.andi %squeeze3A_268, %and3A_269 : i32
      %multiple_of3A_271 = tpu.assume_multiple %and3A_270, 128 : i32
      %dma_start3A_272 = arith.constant 4 : i32
      %dma_start3A_273 = arith.constant 0 : i32
      %dma_start3A_274 = arith.constant 0 : i32
      %dma_start3A_275 = tpu.memref_slice %arg12[%dma_start3A_272, %dma_start3A_273, %dma_start3A_274] : memref<8x32x128xf32, #tpu.memory_space<vmem>> -> memref<1x32x128xf32, #tpu.memory_space<vmem>>
      %dma_start3A_276 = tpu.memref_squeeze %dma_start3A_275 : memref<1x32x128xf32, #tpu.memory_space<vmem>> -> memref<32x128xf32, #tpu.memory_space<vmem>>
      %dma_start3A_277 = arith.constant 0 : i32
      %dma_start3A_278 = tpu.memref_slice %arg5[%dma_start3A_277, %multiple_of3A_271] : memref<32x1000000xf32, #tpu.memory_space<hbm>> -> memref<32x128xf32, #tpu.memory_space<hbm>>
      %dma_start3A_279 = arith.constant 0 : i32
      %dma_start3A_280 = arith.constant 0 : i32
      %dma_start3A_281 = tpu.memref_slice %arg12[%dma_start3A_272, %dma_start3A_279, %dma_start3A_280] : memref<8x32x128xf32, #tpu.memory_space<vmem>> -> memref<1x32x128xf32, #tpu.memory_space<vmem>>
      %dma_start3A_282 = tpu.memref_squeeze %dma_start3A_281 : memref<1x32x128xf32, #tpu.memory_space<vmem>> -> memref<32x128xf32, #tpu.memory_space<vmem>>
      %dma_start3A_283 = arith.constant 0 : i32
      %dma_start3A_284 = tpu.memref_slice %arg5[%dma_start3A_283, %multiple_of3A_271] : memref<32x1000000xf32, #tpu.memory_space<hbm>> -> memref<32x128xf32, #tpu.memory_space<hbm>>
      tpu.enqueue_dma source(%dma_start3A_284 : memref<32x128xf32, #tpu.memory_space<hbm>>) target(%dma_start3A_282 : memref<32x128xf32, #tpu.memory_space<vmem>>) target_semaphore(%arg16 : memref<!tpu.dma_semaphore, #tpu.memory_space<semaphore_mem>>)
      %slice3A_285 = vector.extract_strided_slice %gather3A_53 {offsets = [5], sizes = [1], strides = [1]} : vector<16xi32> to vector<1xi32>
      %squeeze3A_286 = vector.extract %slice3A_285[0] : i32 from vector<1xi32>
      %and3A_287 = arith.constant -128 : i32
      %and3A_288 = arith.andi %squeeze3A_286, %and3A_287 : i32
      %multiple_of3A_289 = tpu.assume_multiple %and3A_288, 128 : i32
      %dma_start3A_290 = arith.constant 5 : i32
      %dma_start3A_291 = arith.constant 0 : i32
      %dma_start3A_292 = arith.constant 0 : i32
      %dma_start3A_293 = tpu.memref_slice %arg12[%dma_start3A_290, %dma_start3A_291, %dma_start3A_292] : memref<8x32x128xf32, #tpu.memory_space<vmem>> -> memref<1x32x128xf32, #tpu.memory_space<vmem>>
      %dma_start3A_294 = tpu.memref_squeeze %dma_start3A_293 : memref<1x32x128xf32, #tpu.memory_space<vmem>> -> memref<32x128xf32, #tpu.memory_space<vmem>>
      %dma_start3A_295 = arith.constant 0 : i32
      %dma_start3A_296 = tpu.memref_slice %arg5[%dma_start3A_295, %multiple_of3A_289] : memref<32x1000000xf32, #tpu.memory_space<hbm>> -> memref<32x128xf32, #tpu.memory_space<hbm>>
      %dma_start3A_297 = arith.constant 0 : i32
      %dma_start3A_298 = arith.constant 0 : i32
      %dma_start3A_299 = tpu.memref_slice %arg12[%dma_start3A_290, %dma_start3A_297, %dma_start3A_298] : memref<8x32x128xf32, #tpu.memory_space<vmem>> -> memref<1x32x128xf32, #tpu.memory_space<vmem>>
      %dma_start3A_300 = tpu.memref_squeeze %dma_start3A_299 : memref<1x32x128xf32, #tpu.memory_space<vmem>> -> memref<32x128xf32, #tpu.memory_space<vmem>>
      %dma_start3A_301 = arith.constant 0 : i32
      %dma_start3A_302 = tpu.memref_slice %arg5[%dma_start3A_301, %multiple_of3A_289] : memref<32x1000000xf32, #tpu.memory_space<hbm>> -> memref<32x128xf32, #tpu.memory_space<hbm>>
      tpu.enqueue_dma source(%dma_start3A_302 : memref<32x128xf32, #tpu.memory_space<hbm>>) target(%dma_start3A_300 : memref<32x128xf32, #tpu.memory_space<vmem>>) target_semaphore(%arg16 : memref<!tpu.dma_semaphore, #tpu.memory_space<semaphore_mem>>)
      %slice3A_303 = vector.extract_strided_slice %gather3A_53 {offsets = [6], sizes = [1], strides = [1]} : vector<16xi32> to vector<1xi32>
      %squeeze3A_304 = vector.extract %slice3A_303[0] : i32 from vector<1xi32>
      %and3A_305 = arith.constant -128 : i32
      %and3A_306 = arith.andi %squeeze3A_304, %and3A_305 : i32
      %multiple_of3A_307 = tpu.assume_multiple %and3A_306, 128 : i32
      %dma_start3A_308 = arith.constant 6 : i32
      %dma_start3A_309 = arith.constant 0 : i32
      %dma_start3A_310 = arith.constant 0 : i32
      %dma_start3A_311 = tpu.memref_slice %arg12[%dma_start3A_308, %dma_start3A_309, %dma_start3A_310] : memref<8x32x128xf32, #tpu.memory_space<vmem>> -> memref<1x32x128xf32, #tpu.memory_space<vmem>>
      %dma_start3A_312 = tpu.memref_squeeze %dma_start3A_311 : memref<1x32x128xf32, #tpu.memory_space<vmem>> -> memref<32x128xf32, #tpu.memory_space<vmem>>
      %dma_start3A_313 = arith.constant 0 : i32
      %dma_start3A_314 = tpu.memref_slice %arg5[%dma_start3A_313, %multiple_of3A_307] : memref<32x1000000xf32, #tpu.memory_space<hbm>> -> memref<32x128xf32, #tpu.memory_space<hbm>>
      %dma_start3A_315 = arith.constant 0 : i32
      %dma_start3A_316 = arith.constant 0 : i32
      %dma_start3A_317 = tpu.memref_slice %arg12[%dma_start3A_308, %dma_start3A_315, %dma_start3A_316] : memref<8x32x128xf32, #tpu.memory_space<vmem>> -> memref<1x32x128xf32, #tpu.memory_space<vmem>>
      %dma_start3A_318 = tpu.memref_squeeze %dma_start3A_317 : memref<1x32x128xf32, #tpu.memory_space<vmem>> -> memref<32x128xf32, #tpu.memory_space<vmem>>
      %dma_start3A_319 = arith.constant 0 : i32
      %dma_start3A_320 = tpu.memref_slice %arg5[%dma_start3A_319, %multiple_of3A_307] : memref<32x1000000xf32, #tpu.memory_space<hbm>> -> memref<32x128xf32, #tpu.memory_space<hbm>>
      tpu.enqueue_dma source(%dma_start3A_320 : memref<32x128xf32, #tpu.memory_space<hbm>>) target(%dma_start3A_318 : memref<32x128xf32, #tpu.memory_space<vmem>>) target_semaphore(%arg16 : memref<!tpu.dma_semaphore, #tpu.memory_space<semaphore_mem>>)
      %slice3A_321 = vector.extract_strided_slice %gather3A_53 {offsets = [7], sizes = [1], strides = [1]} : vector<16xi32> to vector<1xi32>
      %squeeze3A_322 = vector.extract %slice3A_321[0] : i32 from vector<1xi32>
      %and3A_323 = arith.constant -128 : i32
      %and3A_324 = arith.andi %squeeze3A_322, %and3A_323 : i32
      %multiple_of3A_325 = tpu.assume_multiple %and3A_324, 128 : i32
      %dma_start3A_326 = arith.constant 7 : i32
      %dma_start3A_327 = arith.constant 0 : i32
      %dma_start3A_328 = arith.constant 0 : i32
      %dma_start3A_329 = tpu.memref_slice %arg12[%dma_start3A_326, %dma_start3A_327, %dma_start3A_328] : memref<8x32x128xf32, #tpu.memory_space<vmem>> -> memref<1x32x128xf32, #tpu.memory_space<vmem>>
      %dma_start3A_330 = tpu.memref_squeeze %dma_start3A_329 : memref<1x32x128xf32, #tpu.memory_space<vmem>> -> memref<32x128xf32, #tpu.memory_space<vmem>>
      %dma_start3A_331 = arith.constant 0 : i32
      %dma_start3A_332 = tpu.memref_slice %arg5[%dma_start3A_331, %multiple_of3A_325] : memref<32x1000000xf32, #tpu.memory_space<hbm>> -> memref<32x128xf32, #tpu.memory_space<hbm>>
      %dma_start3A_333 = arith.constant 0 : i32
      %dma_start3A_334 = arith.constant 0 : i32
      %dma_start3A_335 = tpu.memref_slice %arg12[%dma_start3A_326, %dma_start3A_333, %dma_start3A_334] : memref<8x32x128xf32, #tpu.memory_space<vmem>> -> memref<1x32x128xf32, #tpu.memory_space<vmem>>
      %dma_start3A_336 = tpu.memref_squeeze %dma_start3A_335 : memref<1x32x128xf32, #tpu.memory_space<vmem>> -> memref<32x128xf32, #tpu.memory_space<vmem>>
      %dma_start3A_337 = arith.constant 0 : i32
      %dma_start3A_338 = tpu.memref_slice %arg5[%dma_start3A_337, %multiple_of3A_325] : memref<32x1000000xf32, #tpu.memory_space<hbm>> -> memref<32x128xf32, #tpu.memory_space<hbm>>
      tpu.enqueue_dma source(%dma_start3A_338 : memref<32x128xf32, #tpu.memory_space<hbm>>) target(%dma_start3A_336 : memref<32x128xf32, #tpu.memory_space<vmem>>) target_semaphore(%arg16 : memref<!tpu.dma_semaphore, #tpu.memory_space<semaphore_mem>>)
      %and3A_339 = arith.andi %gather3A_53, %broadcast_in_dim3A_8 : vector<16xi32>
      %dma_wait3A = arith.constant 0 : i32
      %dma_wait3A_340 = arith.constant 0 : i32
      %dma_wait3A_341 = arith.constant 0 : i32
      %dma_wait3A_342 = tpu.memref_slice %arg11[%dma_wait3A, %dma_wait3A_340, %dma_wait3A_341] : memref<8x32x128xf32, #tpu.memory_space<vmem>> -> memref<1x32x128xf32, #tpu.memory_space<vmem>>
      %dma_wait3A_343 = tpu.memref_squeeze %dma_wait3A_342 : memref<1x32x128xf32, #tpu.memory_space<vmem>> -> memref<32x128xf32, #tpu.memory_space<vmem>>
      %dma_wait3A_344 = arith.constant 0 : i32
      %dma_wait3A_345 = tpu.memref_slice %arg4[%dma_wait3A_344, %multiple_of3A] : memref<32x1000000xf32, #tpu.memory_space<hbm>> -> memref<32x128xf32, #tpu.memory_space<hbm>>
      %dma_wait3A_346 = arith.constant 0 : i32
      %dma_wait3A_347 = arith.constant 0 : i32
      %dma_wait3A_348 = tpu.memref_slice %arg11[%dma_wait3A, %dma_wait3A_346, %dma_wait3A_347] : memref<8x32x128xf32, #tpu.memory_space<vmem>> -> memref<1x32x128xf32, #tpu.memory_space<vmem>>
      %dma_wait3A_349 = tpu.memref_squeeze %dma_wait3A_348 : memref<1x32x128xf32, #tpu.memory_space<vmem>> -> memref<32x128xf32, #tpu.memory_space<vmem>>
      %dma_wait3A_350 = arith.constant 0 : i32
      %dma_wait3A_351 = tpu.memref_slice %arg4[%dma_wait3A_350, %multiple_of3A] : memref<32x1000000xf32, #tpu.memory_space<hbm>> -> memref<32x128xf32, #tpu.memory_space<hbm>>
      tpu.wait_dma2 semaphore(%arg16 : memref<!tpu.dma_semaphore, #tpu.memory_space<semaphore_mem>>) src(%dma_wait3A_351 : memref<32x128xf32, #tpu.memory_space<hbm>>) dst(%dma_wait3A_349 : memref<32x128xf32, #tpu.memory_space<vmem>>)
      %dma_wait3A_352 = arith.constant 1 : i32
      %dma_wait3A_353 = arith.constant 0 : i32
      %dma_wait3A_354 = arith.constant 0 : i32
      %dma_wait3A_355 = tpu.memref_slice %arg11[%dma_wait3A_352, %dma_wait3A_353, %dma_wait3A_354] : memref<8x32x128xf32, #tpu.memory_space<vmem>> -> memref<1x32x128xf32, #tpu.memory_space<vmem>>
      %dma_wait3A_356 = tpu.memref_squeeze %dma_wait3A_355 : memref<1x32x128xf32, #tpu.memory_space<vmem>> -> memref<32x128xf32, #tpu.memory_space<vmem>>
      %dma_wait3A_357 = arith.constant 0 : i32
      %dma_wait3A_358 = tpu.memref_slice %arg4[%dma_wait3A_357, %multiple_of3A_72] : memref<32x1000000xf32, #tpu.memory_space<hbm>> -> memref<32x128xf32, #tpu.memory_space<hbm>>
      %dma_wait3A_359 = arith.constant 0 : i32
      %dma_wait3A_360 = arith.constant 0 : i32
      %dma_wait3A_361 = tpu.memref_slice %arg11[%dma_wait3A_352, %dma_wait3A_359, %dma_wait3A_360] : memref<8x32x128xf32, #tpu.memory_space<vmem>> -> memref<1x32x128xf32, #tpu.memory_space<vmem>>
      %dma_wait3A_362 = tpu.memref_squeeze %dma_wait3A_361 : memref<1x32x128xf32, #tpu.memory_space<vmem>> -> memref<32x128xf32, #tpu.memory_space<vmem>>
      %dma_wait3A_363 = arith.constant 0 : i32
      %dma_wait3A_364 = tpu.memref_slice %arg4[%dma_wait3A_363, %multiple_of3A_72] : memref<32x1000000xf32, #tpu.memory_space<hbm>> -> memref<32x128xf32, #tpu.memory_space<hbm>>
      tpu.wait_dma2 semaphore(%arg16 : memref<!tpu.dma_semaphore, #tpu.memory_space<semaphore_mem>>) src(%dma_wait3A_364 : memref<32x128xf32, #tpu.memory_space<hbm>>) dst(%dma_wait3A_362 : memref<32x128xf32, #tpu.memory_space<vmem>>)
      %dma_wait3A_365 = arith.constant 2 : i32
      %dma_wait3A_366 = arith.constant 0 : i32
      %dma_wait3A_367 = arith.constant 0 : i32
      %dma_wait3A_368 = tpu.memref_slice %arg11[%dma_wait3A_365, %dma_wait3A_366, %dma_wait3A_367] : memref<8x32x128xf32, #tpu.memory_space<vmem>> -> memref<1x32x128xf32, #tpu.memory_space<vmem>>
      %dma_wait3A_369 = tpu.memref_squeeze %dma_wait3A_368 : memref<1x32x128xf32, #tpu.memory_space<vmem>> -> memref<32x128xf32, #tpu.memory_space<vmem>>
      %dma_wait3A_370 = arith.constant 0 : i32
      %dma_wait3A_371 = tpu.memref_slice %arg4[%dma_wait3A_370, %multiple_of3A_90] : memref<32x1000000xf32, #tpu.memory_space<hbm>> -> memref<32x128xf32, #tpu.memory_space<hbm>>
      %dma_wait3A_372 = arith.constant 0 : i32
      %dma_wait3A_373 = arith.constant 0 : i32
      %dma_wait3A_374 = tpu.memref_slice %arg11[%dma_wait3A_365, %dma_wait3A_372, %dma_wait3A_373] : memref<8x32x128xf32, #tpu.memory_space<vmem>> -> memref<1x32x128xf32, #tpu.memory_space<vmem>>
      %dma_wait3A_375 = tpu.memref_squeeze %dma_wait3A_374 : memref<1x32x128xf32, #tpu.memory_space<vmem>> -> memref<32x128xf32, #tpu.memory_space<vmem>>
      %dma_wait3A_376 = arith.constant 0 : i32
      %dma_wait3A_377 = tpu.memref_slice %arg4[%dma_wait3A_376, %multiple_of3A_90] : memref<32x1000000xf32, #tpu.memory_space<hbm>> -> memref<32x128xf32, #tpu.memory_space<hbm>>
      tpu.wait_dma2 semaphore(%arg16 : memref<!tpu.dma_semaphore, #tpu.memory_space<semaphore_mem>>) src(%dma_wait3A_377 : memref<32x128xf32, #tpu.memory_space<hbm>>) dst(%dma_wait3A_375 : memref<32x128xf32, #tpu.memory_space<vmem>>)
      %dma_wait3A_378 = arith.constant 3 : i32
      %dma_wait3A_379 = arith.constant 0 : i32
      %dma_wait3A_380 = arith.constant 0 : i32
      %dma_wait3A_381 = tpu.memref_slice %arg11[%dma_wait3A_378, %dma_wait3A_379, %dma_wait3A_380] : memref<8x32x128xf32, #tpu.memory_space<vmem>> -> memref<1x32x128xf32, #tpu.memory_space<vmem>>
      %dma_wait3A_382 = tpu.memref_squeeze %dma_wait3A_381 : memref<1x32x128xf32, #tpu.memory_space<vmem>> -> memref<32x128xf32, #tpu.memory_space<vmem>>
      %dma_wait3A_383 = arith.constant 0 : i32
      %dma_wait3A_384 = tpu.memref_slice %arg4[%dma_wait3A_383, %multiple_of3A_108] : memref<32x1000000xf32, #tpu.memory_space<hbm>> -> memref<32x128xf32, #tpu.memory_space<hbm>>
      %dma_wait3A_385 = arith.constant 0 : i32
      %dma_wait3A_386 = arith.constant 0 : i32
      %dma_wait3A_387 = tpu.memref_slice %arg11[%dma_wait3A_378, %dma_wait3A_385, %dma_wait3A_386] : memref<8x32x128xf32, #tpu.memory_space<vmem>> -> memref<1x32x128xf32, #tpu.memory_space<vmem>>
      %dma_wait3A_388 = tpu.memref_squeeze %dma_wait3A_387 : memref<1x32x128xf32, #tpu.memory_space<vmem>> -> memref<32x128xf32, #tpu.memory_space<vmem>>
      %dma_wait3A_389 = arith.constant 0 : i32
      %dma_wait3A_390 = tpu.memref_slice %arg4[%dma_wait3A_389, %multiple_of3A_108] : memref<32x1000000xf32, #tpu.memory_space<hbm>> -> memref<32x128xf32, #tpu.memory_space<hbm>>
      tpu.wait_dma2 semaphore(%arg16 : memref<!tpu.dma_semaphore, #tpu.memory_space<semaphore_mem>>) src(%dma_wait3A_390 : memref<32x128xf32, #tpu.memory_space<hbm>>) dst(%dma_wait3A_388 : memref<32x128xf32, #tpu.memory_space<vmem>>)
      %dma_wait3A_391 = arith.constant 4 : i32
      %dma_wait3A_392 = arith.constant 0 : i32
      %dma_wait3A_393 = arith.constant 0 : i32
      %dma_wait3A_394 = tpu.memref_slice %arg11[%dma_wait3A_391, %dma_wait3A_392, %dma_wait3A_393] : memref<8x32x128xf32, #tpu.memory_space<vmem>> -> memref<1x32x128xf32, #tpu.memory_space<vmem>>
      %dma_wait3A_395 = tpu.memref_squeeze %dma_wait3A_394 : memref<1x32x128xf32, #tpu.memory_space<vmem>> -> memref<32x128xf32, #tpu.memory_space<vmem>>
      %dma_wait3A_396 = arith.constant 0 : i32
      %dma_wait3A_397 = tpu.memref_slice %arg4[%dma_wait3A_396, %multiple_of3A_126] : memref<32x1000000xf32, #tpu.memory_space<hbm>> -> memref<32x128xf32, #tpu.memory_space<hbm>>
      %dma_wait3A_398 = arith.constant 0 : i32
      %dma_wait3A_399 = arith.constant 0 : i32
      %dma_wait3A_400 = tpu.memref_slice %arg11[%dma_wait3A_391, %dma_wait3A_398, %dma_wait3A_399] : memref<8x32x128xf32, #tpu.memory_space<vmem>> -> memref<1x32x128xf32, #tpu.memory_space<vmem>>
      %dma_wait3A_401 = tpu.memref_squeeze %dma_wait3A_400 : memref<1x32x128xf32, #tpu.memory_space<vmem>> -> memref<32x128xf32, #tpu.memory_space<vmem>>
      %dma_wait3A_402 = arith.constant 0 : i32
      %dma_wait3A_403 = tpu.memref_slice %arg4[%dma_wait3A_402, %multiple_of3A_126] : memref<32x1000000xf32, #tpu.memory_space<hbm>> -> memref<32x128xf32, #tpu.memory_space<hbm>>
      tpu.wait_dma2 semaphore(%arg16 : memref<!tpu.dma_semaphore, #tpu.memory_space<semaphore_mem>>) src(%dma_wait3A_403 : memref<32x128xf32, #tpu.memory_space<hbm>>) dst(%dma_wait3A_401 : memref<32x128xf32, #tpu.memory_space<vmem>>)
      %dma_wait3A_404 = arith.constant 5 : i32
      %dma_wait3A_405 = arith.constant 0 : i32
      %dma_wait3A_406 = arith.constant 0 : i32
      %dma_wait3A_407 = tpu.memref_slice %arg11[%dma_wait3A_404, %dma_wait3A_405, %dma_wait3A_406] : memref<8x32x128xf32, #tpu.memory_space<vmem>> -> memref<1x32x128xf32, #tpu.memory_space<vmem>>
      %dma_wait3A_408 = tpu.memref_squeeze %dma_wait3A_407 : memref<1x32x128xf32, #tpu.memory_space<vmem>> -> memref<32x128xf32, #tpu.memory_space<vmem>>
      %dma_wait3A_409 = arith.constant 0 : i32
      %dma_wait3A_410 = tpu.memref_slice %arg4[%dma_wait3A_409, %multiple_of3A_144] : memref<32x1000000xf32, #tpu.memory_space<hbm>> -> memref<32x128xf32, #tpu.memory_space<hbm>>
      %dma_wait3A_411 = arith.constant 0 : i32
      %dma_wait3A_412 = arith.constant 0 : i32
      %dma_wait3A_413 = tpu.memref_slice %arg11[%dma_wait3A_404, %dma_wait3A_411, %dma_wait3A_412] : memref<8x32x128xf32, #tpu.memory_space<vmem>> -> memref<1x32x128xf32, #tpu.memory_space<vmem>>
      %dma_wait3A_414 = tpu.memref_squeeze %dma_wait3A_413 : memref<1x32x128xf32, #tpu.memory_space<vmem>> -> memref<32x128xf32, #tpu.memory_space<vmem>>
      %dma_wait3A_415 = arith.constant 0 : i32
      %dma_wait3A_416 = tpu.memref_slice %arg4[%dma_wait3A_415, %multiple_of3A_144] : memref<32x1000000xf32, #tpu.memory_space<hbm>> -> memref<32x128xf32, #tpu.memory_space<hbm>>
      tpu.wait_dma2 semaphore(%arg16 : memref<!tpu.dma_semaphore, #tpu.memory_space<semaphore_mem>>) src(%dma_wait3A_416 : memref<32x128xf32, #tpu.memory_space<hbm>>) dst(%dma_wait3A_414 : memref<32x128xf32, #tpu.memory_space<vmem>>)
      %dma_wait3A_417 = arith.constant 6 : i32
      %dma_wait3A_418 = arith.constant 0 : i32
      %dma_wait3A_419 = arith.constant 0 : i32
      %dma_wait3A_420 = tpu.memref_slice %arg11[%dma_wait3A_417, %dma_wait3A_418, %dma_wait3A_419] : memref<8x32x128xf32, #tpu.memory_space<vmem>> -> memref<1x32x128xf32, #tpu.memory_space<vmem>>
      %dma_wait3A_421 = tpu.memref_squeeze %dma_wait3A_420 : memref<1x32x128xf32, #tpu.memory_space<vmem>> -> memref<32x128xf32, #tpu.memory_space<vmem>>
      %dma_wait3A_422 = arith.constant 0 : i32
      %dma_wait3A_423 = tpu.memref_slice %arg4[%dma_wait3A_422, %multiple_of3A_162] : memref<32x1000000xf32, #tpu.memory_space<hbm>> -> memref<32x128xf32, #tpu.memory_space<hbm>>
      %dma_wait3A_424 = arith.constant 0 : i32
      %dma_wait3A_425 = arith.constant 0 : i32
      %dma_wait3A_426 = tpu.memref_slice %arg11[%dma_wait3A_417, %dma_wait3A_424, %dma_wait3A_425] : memref<8x32x128xf32, #tpu.memory_space<vmem>> -> memref<1x32x128xf32, #tpu.memory_space<vmem>>
      %dma_wait3A_427 = tpu.memref_squeeze %dma_wait3A_426 : memref<1x32x128xf32, #tpu.memory_space<vmem>> -> memref<32x128xf32, #tpu.memory_space<vmem>>
      %dma_wait3A_428 = arith.constant 0 : i32
      %dma_wait3A_429 = tpu.memref_slice %arg4[%dma_wait3A_428, %multiple_of3A_162] : memref<32x1000000xf32, #tpu.memory_space<hbm>> -> memref<32x128xf32, #tpu.memory_space<hbm>>
      tpu.wait_dma2 semaphore(%arg16 : memref<!tpu.dma_semaphore, #tpu.memory_space<semaphore_mem>>) src(%dma_wait3A_429 : memref<32x128xf32, #tpu.memory_space<hbm>>) dst(%dma_wait3A_427 : memref<32x128xf32, #tpu.memory_space<vmem>>)
      %dma_wait3A_430 = arith.constant 7 : i32
      %dma_wait3A_431 = arith.constant 0 : i32
      %dma_wait3A_432 = arith.constant 0 : i32
      %dma_wait3A_433 = tpu.memref_slice %arg11[%dma_wait3A_430, %dma_wait3A_431, %dma_wait3A_432] : memref<8x32x128xf32, #tpu.memory_space<vmem>> -> memref<1x32x128xf32, #tpu.memory_space<vmem>>
      %dma_wait3A_434 = tpu.memref_squeeze %dma_wait3A_433 : memref<1x32x128xf32, #tpu.memory_space<vmem>> -> memref<32x128xf32, #tpu.memory_space<vmem>>
      %dma_wait3A_435 = arith.constant 0 : i32
      %dma_wait3A_436 = tpu.memref_slice %arg4[%dma_wait3A_435, %multiple_of3A_180] : memref<32x1000000xf32, #tpu.memory_space<hbm>> -> memref<32x128xf32, #tpu.memory_space<hbm>>
      %dma_wait3A_437 = arith.constant 0 : i32
      %dma_wait3A_438 = arith.constant 0 : i32
      %dma_wait3A_439 = tpu.memref_slice %arg11[%dma_wait3A_430, %dma_wait3A_437, %dma_wait3A_438] : memref<8x32x128xf32, #tpu.memory_space<vmem>> -> memref<1x32x128xf32, #tpu.memory_space<vmem>>
      %dma_wait3A_440 = tpu.memref_squeeze %dma_wait3A_439 : memref<1x32x128xf32, #tpu.memory_space<vmem>> -> memref<32x128xf32, #tpu.memory_space<vmem>>
      %dma_wait3A_441 = arith.constant 0 : i32
      %dma_wait3A_442 = tpu.memref_slice %arg4[%dma_wait3A_441, %multiple_of3A_180] : memref<32x1000000xf32, #tpu.memory_space<hbm>> -> memref<32x128xf32, #tpu.memory_space<hbm>>
      tpu.wait_dma2 semaphore(%arg16 : memref<!tpu.dma_semaphore, #tpu.memory_space<semaphore_mem>>) src(%dma_wait3A_442 : memref<32x128xf32, #tpu.memory_space<hbm>>) dst(%dma_wait3A_440 : memref<32x128xf32, #tpu.memory_space<vmem>>)
      %dma_wait3A_443 = arith.constant 0 : i32
      %dma_wait3A_444 = arith.constant 0 : i32
      %dma_wait3A_445 = arith.constant 0 : i32
      %dma_wait3A_446 = tpu.memref_slice %arg12[%dma_wait3A_443, %dma_wait3A_444, %dma_wait3A_445] : memref<8x32x128xf32, #tpu.memory_space<vmem>> -> memref<1x32x128xf32, #tpu.memory_space<vmem>>
      %dma_wait3A_447 = tpu.memref_squeeze %dma_wait3A_446 : memref<1x32x128xf32, #tpu.memory_space<vmem>> -> memref<32x128xf32, #tpu.memory_space<vmem>>
      %dma_wait3A_448 = arith.constant 0 : i32
      %dma_wait3A_449 = tpu.memref_slice %arg5[%dma_wait3A_448, %multiple_of3A_199] : memref<32x1000000xf32, #tpu.memory_space<hbm>> -> memref<32x128xf32, #tpu.memory_space<hbm>>
      %dma_wait3A_450 = arith.constant 0 : i32
      %dma_wait3A_451 = arith.constant 0 : i32
      %dma_wait3A_452 = tpu.memref_slice %arg12[%dma_wait3A_443, %dma_wait3A_450, %dma_wait3A_451] : memref<8x32x128xf32, #tpu.memory_space<vmem>> -> memref<1x32x128xf32, #tpu.memory_space<vmem>>
      %dma_wait3A_453 = tpu.memref_squeeze %dma_wait3A_452 : memref<1x32x128xf32, #tpu.memory_space<vmem>> -> memref<32x128xf32, #tpu.memory_space<vmem>>
      %dma_wait3A_454 = arith.constant 0 : i32
      %dma_wait3A_455 = tpu.memref_slice %arg5[%dma_wait3A_454, %multiple_of3A_199] : memref<32x1000000xf32, #tpu.memory_space<hbm>> -> memref<32x128xf32, #tpu.memory_space<hbm>>
      tpu.wait_dma2 semaphore(%arg16 : memref<!tpu.dma_semaphore, #tpu.memory_space<semaphore_mem>>) src(%dma_wait3A_455 : memref<32x128xf32, #tpu.memory_space<hbm>>) dst(%dma_wait3A_453 : memref<32x128xf32, #tpu.memory_space<vmem>>)
      %dma_wait3A_456 = arith.constant 1 : i32
      %dma_wait3A_457 = arith.constant 0 : i32
      %dma_wait3A_458 = arith.constant 0 : i32
      %dma_wait3A_459 = tpu.memref_slice %arg12[%dma_wait3A_456, %dma_wait3A_457, %dma_wait3A_458] : memref<8x32x128xf32, #tpu.memory_space<vmem>> -> memref<1x32x128xf32, #tpu.memory_space<vmem>>
      %dma_wait3A_460 = tpu.memref_squeeze %dma_wait3A_459 : memref<1x32x128xf32, #tpu.memory_space<vmem>> -> memref<32x128xf32, #tpu.memory_space<vmem>>
      %dma_wait3A_461 = arith.constant 0 : i32
      %dma_wait3A_462 = tpu.memref_slice %arg5[%dma_wait3A_461, %multiple_of3A_217] : memref<32x1000000xf32, #tpu.memory_space<hbm>> -> memref<32x128xf32, #tpu.memory_space<hbm>>
      %dma_wait3A_463 = arith.constant 0 : i32
      %dma_wait3A_464 = arith.constant 0 : i32
      %dma_wait3A_465 = tpu.memref_slice %arg12[%dma_wait3A_456, %dma_wait3A_463, %dma_wait3A_464] : memref<8x32x128xf32, #tpu.memory_space<vmem>> -> memref<1x32x128xf32, #tpu.memory_space<vmem>>
      %dma_wait3A_466 = tpu.memref_squeeze %dma_wait3A_465 : memref<1x32x128xf32, #tpu.memory_space<vmem>> -> memref<32x128xf32, #tpu.memory_space<vmem>>
      %dma_wait3A_467 = arith.constant 0 : i32
      %dma_wait3A_468 = tpu.memref_slice %arg5[%dma_wait3A_467, %multiple_of3A_217] : memref<32x1000000xf32, #tpu.memory_space<hbm>> -> memref<32x128xf32, #tpu.memory_space<hbm>>
      tpu.wait_dma2 semaphore(%arg16 : memref<!tpu.dma_semaphore, #tpu.memory_space<semaphore_mem>>) src(%dma_wait3A_468 : memref<32x128xf32, #tpu.memory_space<hbm>>) dst(%dma_wait3A_466 : memref<32x128xf32, #tpu.memory_space<vmem>>)
      %dma_wait3A_469 = arith.constant 2 : i32
      %dma_wait3A_470 = arith.constant 0 : i32
      %dma_wait3A_471 = arith.constant 0 : i32
      %dma_wait3A_472 = tpu.memref_slice %arg12[%dma_wait3A_469, %dma_wait3A_470, %dma_wait3A_471] : memref<8x32x128xf32, #tpu.memory_space<vmem>> -> memref<1x32x128xf32, #tpu.memory_space<vmem>>
      %dma_wait3A_473 = tpu.memref_squeeze %dma_wait3A_472 : memref<1x32x128xf32, #tpu.memory_space<vmem>> -> memref<32x128xf32, #tpu.memory_space<vmem>>
      %dma_wait3A_474 = arith.constant 0 : i32
      %dma_wait3A_475 = tpu.memref_slice %arg5[%dma_wait3A_474, %multiple_of3A_235] : memref<32x1000000xf32, #tpu.memory_space<hbm>> -> memref<32x128xf32, #tpu.memory_space<hbm>>
      %dma_wait3A_476 = arith.constant 0 : i32
      %dma_wait3A_477 = arith.constant 0 : i32
      %dma_wait3A_478 = tpu.memref_slice %arg12[%dma_wait3A_469, %dma_wait3A_476, %dma_wait3A_477] : memref<8x32x128xf32, #tpu.memory_space<vmem>> -> memref<1x32x128xf32, #tpu.memory_space<vmem>>
      %dma_wait3A_479 = tpu.memref_squeeze %dma_wait3A_478 : memref<1x32x128xf32, #tpu.memory_space<vmem>> -> memref<32x128xf32, #tpu.memory_space<vmem>>
      %dma_wait3A_480 = arith.constant 0 : i32
      %dma_wait3A_481 = tpu.memref_slice %arg5[%dma_wait3A_480, %multiple_of3A_235] : memref<32x1000000xf32, #tpu.memory_space<hbm>> -> memref<32x128xf32, #tpu.memory_space<hbm>>
      tpu.wait_dma2 semaphore(%arg16 : memref<!tpu.dma_semaphore, #tpu.memory_space<semaphore_mem>>) src(%dma_wait3A_481 : memref<32x128xf32, #tpu.memory_space<hbm>>) dst(%dma_wait3A_479 : memref<32x128xf32, #tpu.memory_space<vmem>>)
      %dma_wait3A_482 = arith.constant 3 : i32
      %dma_wait3A_483 = arith.constant 0 : i32
      %dma_wait3A_484 = arith.constant 0 : i32
      %dma_wait3A_485 = tpu.memref_slice %arg12[%dma_wait3A_482, %dma_wait3A_483, %dma_wait3A_484] : memref<8x32x128xf32, #tpu.memory_space<vmem>> -> memref<1x32x128xf32, #tpu.memory_space<vmem>>
      %dma_wait3A_486 = tpu.memref_squeeze %dma_wait3A_485 : memref<1x32x128xf32, #tpu.memory_space<vmem>> -> memref<32x128xf32, #tpu.memory_space<vmem>>
      %dma_wait3A_487 = arith.constant 0 : i32
      %dma_wait3A_488 = tpu.memref_slice %arg5[%dma_wait3A_487, %multiple_of3A_253] : memref<32x1000000xf32, #tpu.memory_space<hbm>> -> memref<32x128xf32, #tpu.memory_space<hbm>>
      %dma_wait3A_489 = arith.constant 0 : i32
      %dma_wait3A_490 = arith.constant 0 : i32
      %dma_wait3A_491 = tpu.memref_slice %arg12[%dma_wait3A_482, %dma_wait3A_489, %dma_wait3A_490] : memref<8x32x128xf32, #tpu.memory_space<vmem>> -> memref<1x32x128xf32, #tpu.memory_space<vmem>>
      %dma_wait3A_492 = tpu.memref_squeeze %dma_wait3A_491 : memref<1x32x128xf32, #tpu.memory_space<vmem>> -> memref<32x128xf32, #tpu.memory_space<vmem>>
      %dma_wait3A_493 = arith.constant 0 : i32
      %dma_wait3A_494 = tpu.memref_slice %arg5[%dma_wait3A_493, %multiple_of3A_253] : memref<32x1000000xf32, #tpu.memory_space<hbm>> -> memref<32x128xf32, #tpu.memory_space<hbm>>
      tpu.wait_dma2 semaphore(%arg16 : memref<!tpu.dma_semaphore, #tpu.memory_space<semaphore_mem>>) src(%dma_wait3A_494 : memref<32x128xf32, #tpu.memory_space<hbm>>) dst(%dma_wait3A_492 : memref<32x128xf32, #tpu.memory_space<vmem>>)
      %dma_wait3A_495 = arith.constant 4 : i32
      %dma_wait3A_496 = arith.constant 0 : i32
      %dma_wait3A_497 = arith.constant 0 : i32
      %dma_wait3A_498 = tpu.memref_slice %arg12[%dma_wait3A_495, %dma_wait3A_496, %dma_wait3A_497] : memref<8x32x128xf32, #tpu.memory_space<vmem>> -> memref<1x32x128xf32, #tpu.memory_space<vmem>>
      %dma_wait3A_499 = tpu.memref_squeeze %dma_wait3A_498 : memref<1x32x128xf32, #tpu.memory_space<vmem>> -> memref<32x128xf32, #tpu.memory_space<vmem>>
      %dma_wait3A_500 = arith.constant 0 : i32
      %dma_wait3A_501 = tpu.memref_slice %arg5[%dma_wait3A_500, %multiple_of3A_271] : memref<32x1000000xf32, #tpu.memory_space<hbm>> -> memref<32x128xf32, #tpu.memory_space<hbm>>
      %dma_wait3A_502 = arith.constant 0 : i32
      %dma_wait3A_503 = arith.constant 0 : i32
      %dma_wait3A_504 = tpu.memref_slice %arg12[%dma_wait3A_495, %dma_wait3A_502, %dma_wait3A_503] : memref<8x32x128xf32, #tpu.memory_space<vmem>> -> memref<1x32x128xf32, #tpu.memory_space<vmem>>
      %dma_wait3A_505 = tpu.memref_squeeze %dma_wait3A_504 : memref<1x32x128xf32, #tpu.memory_space<vmem>> -> memref<32x128xf32, #tpu.memory_space<vmem>>
      %dma_wait3A_506 = arith.constant 0 : i32
      %dma_wait3A_507 = tpu.memref_slice %arg5[%dma_wait3A_506, %multiple_of3A_271] : memref<32x1000000xf32, #tpu.memory_space<hbm>> -> memref<32x128xf32, #tpu.memory_space<hbm>>
      tpu.wait_dma2 semaphore(%arg16 : memref<!tpu.dma_semaphore, #tpu.memory_space<semaphore_mem>>) src(%dma_wait3A_507 : memref<32x128xf32, #tpu.memory_space<hbm>>) dst(%dma_wait3A_505 : memref<32x128xf32, #tpu.memory_space<vmem>>)
      %dma_wait3A_508 = arith.constant 5 : i32
      %dma_wait3A_509 = arith.constant 0 : i32
      %dma_wait3A_510 = arith.constant 0 : i32
      %dma_wait3A_511 = tpu.memref_slice %arg12[%dma_wait3A_508, %dma_wait3A_509, %dma_wait3A_510] : memref<8x32x128xf32, #tpu.memory_space<vmem>> -> memref<1x32x128xf32, #tpu.memory_space<vmem>>
      %dma_wait3A_512 = tpu.memref_squeeze %dma_wait3A_511 : memref<1x32x128xf32, #tpu.memory_space<vmem>> -> memref<32x128xf32, #tpu.memory_space<vmem>>
      %dma_wait3A_513 = arith.constant 0 : i32
      %dma_wait3A_514 = tpu.memref_slice %arg5[%dma_wait3A_513, %multiple_of3A_289] : memref<32x1000000xf32, #tpu.memory_space<hbm>> -> memref<32x128xf32, #tpu.memory_space<hbm>>
      %dma_wait3A_515 = arith.constant 0 : i32
      %dma_wait3A_516 = arith.constant 0 : i32
      %dma_wait3A_517 = tpu.memref_slice %arg12[%dma_wait3A_508, %dma_wait3A_515, %dma_wait3A_516] : memref<8x32x128xf32, #tpu.memory_space<vmem>> -> memref<1x32x128xf32, #tpu.memory_space<vmem>>
      %dma_wait3A_518 = tpu.memref_squeeze %dma_wait3A_517 : memref<1x32x128xf32, #tpu.memory_space<vmem>> -> memref<32x128xf32, #tpu.memory_space<vmem>>
      %dma_wait3A_519 = arith.constant 0 : i32
      %dma_wait3A_520 = tpu.memref_slice %arg5[%dma_wait3A_519, %multiple_of3A_289] : memref<32x1000000xf32, #tpu.memory_space<hbm>> -> memref<32x128xf32, #tpu.memory_space<hbm>>
      tpu.wait_dma2 semaphore(%arg16 : memref<!tpu.dma_semaphore, #tpu.memory_space<semaphore_mem>>) src(%dma_wait3A_520 : memref<32x128xf32, #tpu.memory_space<hbm>>) dst(%dma_wait3A_518 : memref<32x128xf32, #tpu.memory_space<vmem>>)
      %dma_wait3A_521 = arith.constant 6 : i32
      %dma_wait3A_522 = arith.constant 0 : i32
      %dma_wait3A_523 = arith.constant 0 : i32
      %dma_wait3A_524 = tpu.memref_slice %arg12[%dma_wait3A_521, %dma_wait3A_522, %dma_wait3A_523] : memref<8x32x128xf32, #tpu.memory_space<vmem>> -> memref<1x32x128xf32, #tpu.memory_space<vmem>>
      %dma_wait3A_525 = tpu.memref_squeeze %dma_wait3A_524 : memref<1x32x128xf32, #tpu.memory_space<vmem>> -> memref<32x128xf32, #tpu.memory_space<vmem>>
      %dma_wait3A_526 = arith.constant 0 : i32
      %dma_wait3A_527 = tpu.memref_slice %arg5[%dma_wait3A_526, %multiple_of3A_307] : memref<32x1000000xf32, #tpu.memory_space<hbm>> -> memref<32x128xf32, #tpu.memory_space<hbm>>
      %dma_wait3A_528 = arith.constant 0 : i32
      %dma_wait3A_529 = arith.constant 0 : i32
      %dma_wait3A_530 = tpu.memref_slice %arg12[%dma_wait3A_521, %dma_wait3A_528, %dma_wait3A_529] : memref<8x32x128xf32, #tpu.memory_space<vmem>> -> memref<1x32x128xf32, #tpu.memory_space<vmem>>
      %dma_wait3A_531 = tpu.memref_squeeze %dma_wait3A_530 : memref<1x32x128xf32, #tpu.memory_space<vmem>> -> memref<32x128xf32, #tpu.memory_space<vmem>>
      %dma_wait3A_532 = arith.constant 0 : i32
      %dma_wait3A_533 = tpu.memref_slice %arg5[%dma_wait3A_532, %multiple_of3A_307] : memref<32x1000000xf32, #tpu.memory_space<hbm>> -> memref<32x128xf32, #tpu.memory_space<hbm>>
      tpu.wait_dma2 semaphore(%arg16 : memref<!tpu.dma_semaphore, #tpu.memory_space<semaphore_mem>>) src(%dma_wait3A_533 : memref<32x128xf32, #tpu.memory_space<hbm>>) dst(%dma_wait3A_531 : memref<32x128xf32, #tpu.memory_space<vmem>>)
      %dma_wait3A_534 = arith.constant 7 : i32
      %dma_wait3A_535 = arith.constant 0 : i32
      %dma_wait3A_536 = arith.constant 0 : i32
      %dma_wait3A_537 = tpu.memref_slice %arg12[%dma_wait3A_534, %dma_wait3A_535, %dma_wait3A_536] : memref<8x32x128xf32, #tpu.memory_space<vmem>> -> memref<1x32x128xf32, #tpu.memory_space<vmem>>
      %dma_wait3A_538 = tpu.memref_squeeze %dma_wait3A_537 : memref<1x32x128xf32, #tpu.memory_space<vmem>> -> memref<32x128xf32, #tpu.memory_space<vmem>>
      %dma_wait3A_539 = arith.constant 0 : i32
      %dma_wait3A_540 = tpu.memref_slice %arg5[%dma_wait3A_539, %multiple_of3A_325] : memref<32x1000000xf32, #tpu.memory_space<hbm>> -> memref<32x128xf32, #tpu.memory_space<hbm>>
      %dma_wait3A_541 = arith.constant 0 : i32
      %dma_wait3A_542 = arith.constant 0 : i32
      %dma_wait3A_543 = tpu.memref_slice %arg12[%dma_wait3A_534, %dma_wait3A_541, %dma_wait3A_542] : memref<8x32x128xf32, #tpu.memory_space<vmem>> -> memref<1x32x128xf32, #tpu.memory_space<vmem>>
      %dma_wait3A_544 = tpu.memref_squeeze %dma_wait3A_543 : memref<1x32x128xf32, #tpu.memory_space<vmem>> -> memref<32x128xf32, #tpu.memory_space<vmem>>
      %dma_wait3A_545 = arith.constant 0 : i32
      %dma_wait3A_546 = tpu.memref_slice %arg5[%dma_wait3A_545, %multiple_of3A_325] : memref<32x1000000xf32, #tpu.memory_space<hbm>> -> memref<32x128xf32, #tpu.memory_space<hbm>>
      tpu.wait_dma2 semaphore(%arg16 : memref<!tpu.dma_semaphore, #tpu.memory_space<semaphore_mem>>) src(%dma_wait3A_546 : memref<32x128xf32, #tpu.memory_space<hbm>>) dst(%dma_wait3A_544 : memref<32x128xf32, #tpu.memory_space<vmem>>)
      %broadcast_in_dim3A_547 = arith.constant 0.000000e+00 : f32
      %broadcast_in_dim3A_548 = vector.broadcast %broadcast_in_dim3A_547 : f32 to vector<16xf32>
      %add3A_549 = arith.constant 0 : i32
      %add3A_550 = vector.broadcast %add3A_549 : i32 to vector<16xi32>
      %add3A_551 = arith.addi %add3A_550, %shift_right_logical3A_14 : vector<16xi32>
      %gather3A_552 = tpu.vector_load_idx %arg11[%and3A, %add3A_551, %and3A_194] : memref<8x32x128xf32, #tpu.memory_space<vmem>>[vector<16xi32>, vector<16xi32>, vector<16xi32>], vector<16xf32>,
      %gather3A_553 = tpu.vector_load_idx %arg12[%and3A, %add3A_551, %and3A_339] : memref<8x32x128xf32, #tpu.memory_space<vmem>>[vector<16xi32>, vector<16xi32>, vector<16xi32>], vector<16xf32>,
      %slice3A_554 = vector.extract_strided_slice %get3A_5 {offsets = [0], sizes = [1], strides = [1]} : vector<16xf32> to vector<1xf32>
      %squeeze3A_555 = vector.extract %slice3A_554[0] : f32 from vector<1xf32>
      %slice3A_556 = vector.extract_strided_slice %get3A_5 {offsets = [1], sizes = [1], strides = [1]} : vector<16xf32> to vector<1xf32>
      %squeeze3A_557 = vector.extract %slice3A_556[0] : f32 from vector<1xf32>
      %eq3A = arith.constant 0 : i32
      %eq3A_558 = vector.broadcast %eq3A : i32 to vector<16xi32>
      %eq3A_559 = arith.cmpi eq, %shift_right_logical3A_14, %eq3A_558 : vector<16xi32>
      %broadcast_in_dim3A_560 = vector.broadcast %squeeze3A_555 : f32 to vector<16xf32>
      %broadcast_in_dim3A_561 = vector.broadcast %squeeze3A_557 : f32 to vector<16xf32>
      %select_n3A_562 = arith.select %eq3A_559, %broadcast_in_dim3A_560, %broadcast_in_dim3A_561 : vector<16xi1>, vector<16xf32>
      %mul3A_563 = arith.mulf %gather3A_552, %gather3A_553 : vector<16xf32>
      %mul3A_564 = arith.mulf %mul3A_563, %select_n3A_562 : vector<16xf32>
      %add3A_565 = arith.addf %broadcast_in_dim3A_548, %mul3A_564 : vector<16xf32>
      %add3A_566 = arith.constant 2 : i32
      %add3A_567 = vector.broadcast %add3A_566 : i32 to vector<16xi32>
      %add3A_568 = arith.addi %add3A_567, %shift_right_logical3A_14 : vector<16xi32>
      %gather3A_569 = tpu.vector_load_idx %arg11[%and3A, %add3A_568, %and3A_194] : memref<8x32x128xf32, #tpu.memory_space<vmem>>[vector<16xi32>, vector<16xi32>, vector<16xi32>], vector<16xf32>,
      %gather3A_570 = tpu.vector_load_idx %arg12[%and3A, %add3A_568, %and3A_339] : memref<8x32x128xf32, #tpu.memory_space<vmem>>[vector<16xi32>, vector<16xi32>, vector<16xi32>], vector<16xf32>,
      %slice3A_571 = vector.extract_strided_slice %get3A_5 {offsets = [2], sizes = [1], strides = [1]} : vector<16xf32> to vector<1xf32>
      %squeeze3A_572 = vector.extract %slice3A_571[0] : f32 from vector<1xf32>
      %slice3A_573 = vector.extract_strided_slice %get3A_5 {offsets = [3], sizes = [1], strides = [1]} : vector<16xf32> to vector<1xf32>
      %squeeze3A_574 = vector.extract %slice3A_573[0] : f32 from vector<1xf32>
      %eq3A_575 = arith.constant 0 : i32
      %eq3A_576 = vector.broadcast %eq3A_575 : i32 to vector<16xi32>
      %eq3A_577 = arith.cmpi eq, %shift_right_logical3A_14, %eq3A_576 : vector<16xi32>
      %broadcast_in_dim3A_578 = vector.broadcast %squeeze3A_572 : f32 to vector<16xf32>
      %broadcast_in_dim3A_579 = vector.broadcast %squeeze3A_574 : f32 to vector<16xf32>
      %select_n3A_580 = arith.select %eq3A_577, %broadcast_in_dim3A_578, %broadcast_in_dim3A_579 : vector<16xi1>, vector<16xf32>
      %mul3A_581 = arith.mulf %gather3A_569, %gather3A_570 : vector<16xf32>
      %mul3A_582 = arith.mulf %mul3A_581, %select_n3A_580 : vector<16xf32>
      %add3A_583 = arith.addf %add3A_565, %mul3A_582 : vector<16xf32>
      %add3A_584 = arith.constant 4 : i32
      %add3A_585 = vector.broadcast %add3A_584 : i32 to vector<16xi32>
      %add3A_586 = arith.addi %add3A_585, %shift_right_logical3A_14 : vector<16xi32>
      %gather3A_587 = tpu.vector_load_idx %arg11[%and3A, %add3A_586, %and3A_194] : memref<8x32x128xf32, #tpu.memory_space<vmem>>[vector<16xi32>, vector<16xi32>, vector<16xi32>], vector<16xf32>,
      %gather3A_588 = tpu.vector_load_idx %arg12[%and3A, %add3A_586, %and3A_339] : memref<8x32x128xf32, #tpu.memory_space<vmem>>[vector<16xi32>, vector<16xi32>, vector<16xi32>], vector<16xf32>,
      %slice3A_589 = vector.extract_strided_slice %get3A_5 {offsets = [4], sizes = [1], strides = [1]} : vector<16xf32> to vector<1xf32>
      %squeeze3A_590 = vector.extract %slice3A_589[0] : f32 from vector<1xf32>
      %slice3A_591 = vector.extract_strided_slice %get3A_5 {offsets = [5], sizes = [1], strides = [1]} : vector<16xf32> to vector<1xf32>
      %squeeze3A_592 = vector.extract %slice3A_591[0] : f32 from vector<1xf32>
      %eq3A_593 = arith.constant 0 : i32
      %eq3A_594 = vector.broadcast %eq3A_593 : i32 to vector<16xi32>
      %eq3A_595 = arith.cmpi eq, %shift_right_logical3A_14, %eq3A_594 : vector<16xi32>
      %broadcast_in_dim3A_596 = vector.broadcast %squeeze3A_590 : f32 to vector<16xf32>
      %broadcast_in_dim3A_597 = vector.broadcast %squeeze3A_592 : f32 to vector<16xf32>
      %select_n3A_598 = arith.select %eq3A_595, %broadcast_in_dim3A_596, %broadcast_in_dim3A_597 : vector<16xi1>, vector<16xf32>
      %mul3A_599 = arith.mulf %gather3A_587, %gather3A_588 : vector<16xf32>
      %mul3A_600 = arith.mulf %mul3A_599, %select_n3A_598 : vector<16xf32>
      %add3A_601 = arith.addf %add3A_583, %mul3A_600 : vector<16xf32>
      %add3A_602 = arith.constant 6 : i32
      %add3A_603 = vector.broadcast %add3A_602 : i32 to vector<16xi32>
      %add3A_604 = arith.addi %add3A_603, %shift_right_logical3A_14 : vector<16xi32>
      %gather3A_605 = tpu.vector_load_idx %arg11[%and3A, %add3A_604, %and3A_194] : memref<8x32x128xf32, #tpu.memory_space<vmem>>[vector<16xi32>, vector<16xi32>, vector<16xi32>], vector<16xf32>,
      %gather3A_606 = tpu.vector_load_idx %arg12[%and3A, %add3A_604, %and3A_339] : memref<8x32x128xf32, #tpu.memory_space<vmem>>[vector<16xi32>, vector<16xi32>, vector<16xi32>], vector<16xf32>,
      %slice3A_607 = vector.extract_strided_slice %get3A_5 {offsets = [6], sizes = [1], strides = [1]} : vector<16xf32> to vector<1xf32>
      %squeeze3A_608 = vector.extract %slice3A_607[0] : f32 from vector<1xf32>
      %slice3A_609 = vector.extract_strided_slice %get3A_5 {offsets = [7], sizes = [1], strides = [1]} : vector<16xf32> to vector<1xf32>
      %squeeze3A_610 = vector.extract %slice3A_609[0] : f32 from vector<1xf32>
      %eq3A_611 = arith.constant 0 : i32
      %eq3A_612 = vector.broadcast %eq3A_611 : i32 to vector<16xi32>
      %eq3A_613 = arith.cmpi eq, %shift_right_logical3A_14, %eq3A_612 : vector<16xi32>
      %broadcast_in_dim3A_614 = vector.broadcast %squeeze3A_608 : f32 to vector<16xf32>
      %broadcast_in_dim3A_615 = vector.broadcast %squeeze3A_610 : f32 to vector<16xf32>
      %select_n3A_616 = arith.select %eq3A_613, %broadcast_in_dim3A_614, %broadcast_in_dim3A_615 : vector<16xi1>, vector<16xf32>
      %mul3A_617 = arith.mulf %gather3A_605, %gather3A_606 : vector<16xf32>
      %mul3A_618 = arith.mulf %mul3A_617, %select_n3A_616 : vector<16xf32>
      %add3A_619 = arith.addf %add3A_601, %mul3A_618 : vector<16xf32>
      %add3A_620 = arith.constant 8 : i32
      %add3A_621 = vector.broadcast %add3A_620 : i32 to vector<16xi32>
      %add3A_622 = arith.addi %add3A_621, %shift_right_logical3A_14 : vector<16xi32>
      %gather3A_623 = tpu.vector_load_idx %arg11[%and3A, %add3A_622, %and3A_194] : memref<8x32x128xf32, #tpu.memory_space<vmem>>[vector<16xi32>, vector<16xi32>, vector<16xi32>], vector<16xf32>,
      %gather3A_624 = tpu.vector_load_idx %arg12[%and3A, %add3A_622, %and3A_339] : memref<8x32x128xf32, #tpu.memory_space<vmem>>[vector<16xi32>, vector<16xi32>, vector<16xi32>], vector<16xf32>,
      %slice3A_625 = vector.extract_strided_slice %get3A_5 {offsets = [8], sizes = [1], strides = [1]} : vector<16xf32> to vector<1xf32>
      %squeeze3A_626 = vector.extract %slice3A_625[0] : f32 from vector<1xf32>
      %slice3A_627 = vector.extract_strided_slice %get3A_5 {offsets = [9], sizes = [1], strides = [1]} : vector<16xf32> to vector<1xf32>
      %squeeze3A_628 = vector.extract %slice3A_627[0] : f32 from vector<1xf32>
      %eq3A_629 = arith.constant 0 : i32
      %eq3A_630 = vector.broadcast %eq3A_629 : i32 to vector<16xi32>
      %eq3A_631 = arith.cmpi eq, %shift_right_logical3A_14, %eq3A_630 : vector<16xi32>
      %broadcast_in_dim3A_632 = vector.broadcast %squeeze3A_626 : f32 to vector<16xf32>
      %broadcast_in_dim3A_633 = vector.broadcast %squeeze3A_628 : f32 to vector<16xf32>
      %select_n3A_634 = arith.select %eq3A_631, %broadcast_in_dim3A_632, %broadcast_in_dim3A_633 : vector<16xi1>, vector<16xf32>
      %mul3A_635 = arith.mulf %gather3A_623, %gather3A_624 : vector<16xf32>
      %mul3A_636 = arith.mulf %mul3A_635, %select_n3A_634 : vector<16xf32>
      %add3A_637 = arith.addf %add3A_619, %mul3A_636 : vector<16xf32>
      %add3A_638 = arith.constant 10 : i32
      %add3A_639 = vector.broadcast %add3A_638 : i32 to vector<16xi32>
      %add3A_640 = arith.addi %add3A_639, %shift_right_logical3A_14 : vector<16xi32>
      %gather3A_641 = tpu.vector_load_idx %arg11[%and3A, %add3A_640, %and3A_194] : memref<8x32x128xf32, #tpu.memory_space<vmem>>[vector<16xi32>, vector<16xi32>, vector<16xi32>], vector<16xf32>,
      %gather3A_642 = tpu.vector_load_idx %arg12[%and3A, %add3A_640, %and3A_339] : memref<8x32x128xf32, #tpu.memory_space<vmem>>[vector<16xi32>, vector<16xi32>, vector<16xi32>], vector<16xf32>,
      %slice3A_643 = vector.extract_strided_slice %get3A_5 {offsets = [10], sizes = [1], strides = [1]} : vector<16xf32> to vector<1xf32>
      %squeeze3A_644 = vector.extract %slice3A_643[0] : f32 from vector<1xf32>
      %slice3A_645 = vector.extract_strided_slice %get3A_5 {offsets = [11], sizes = [1], strides = [1]} : vector<16xf32> to vector<1xf32>
      %squeeze3A_646 = vector.extract %slice3A_645[0] : f32 from vector<1xf32>
      %eq3A_647 = arith.constant 0 : i32
      %eq3A_648 = vector.broadcast %eq3A_647 : i32 to vector<16xi32>
      %eq3A_649 = arith.cmpi eq, %shift_right_logical3A_14, %eq3A_648 : vector<16xi32>
      %broadcast_in_dim3A_650 = vector.broadcast %squeeze3A_644 : f32 to vector<16xf32>
      %broadcast_in_dim3A_651 = vector.broadcast %squeeze3A_646 : f32 to vector<16xf32>
      %select_n3A_652 = arith.select %eq3A_649, %broadcast_in_dim3A_650, %broadcast_in_dim3A_651 : vector<16xi1>, vector<16xf32>
      %mul3A_653 = arith.mulf %gather3A_641, %gather3A_642 : vector<16xf32>
      %mul3A_654 = arith.mulf %mul3A_653, %select_n3A_652 : vector<16xf32>
      %add3A_655 = arith.addf %add3A_637, %mul3A_654 : vector<16xf32>
      %add3A_656 = arith.constant 12 : i32
      %add3A_657 = vector.broadcast %add3A_656 : i32 to vector<16xi32>
      %add3A_658 = arith.addi %add3A_657, %shift_right_logical3A_14 : vector<16xi32>
      %gather3A_659 = tpu.vector_load_idx %arg11[%and3A, %add3A_658, %and3A_194] : memref<8x32x128xf32, #tpu.memory_space<vmem>>[vector<16xi32>, vector<16xi32>, vector<16xi32>], vector<16xf32>,
      %gather3A_660 = tpu.vector_load_idx %arg12[%and3A, %add3A_658, %and3A_339] : memref<8x32x128xf32, #tpu.memory_space<vmem>>[vector<16xi32>, vector<16xi32>, vector<16xi32>], vector<16xf32>,
      %slice3A_661 = vector.extract_strided_slice %get3A_5 {offsets = [12], sizes = [1], strides = [1]} : vector<16xf32> to vector<1xf32>
      %squeeze3A_662 = vector.extract %slice3A_661[0] : f32 from vector<1xf32>
      %slice3A_663 = vector.extract_strided_slice %get3A_5 {offsets = [13], sizes = [1], strides = [1]} : vector<16xf32> to vector<1xf32>
      %squeeze3A_664 = vector.extract %slice3A_663[0] : f32 from vector<1xf32>
      %eq3A_665 = arith.constant 0 : i32
      %eq3A_666 = vector.broadcast %eq3A_665 : i32 to vector<16xi32>
      %eq3A_667 = arith.cmpi eq, %shift_right_logical3A_14, %eq3A_666 : vector<16xi32>
      %broadcast_in_dim3A_668 = vector.broadcast %squeeze3A_662 : f32 to vector<16xf32>
      %broadcast_in_dim3A_669 = vector.broadcast %squeeze3A_664 : f32 to vector<16xf32>
      %select_n3A_670 = arith.select %eq3A_667, %broadcast_in_dim3A_668, %broadcast_in_dim3A_669 : vector<16xi1>, vector<16xf32>
      %mul3A_671 = arith.mulf %gather3A_659, %gather3A_660 : vector<16xf32>
      %mul3A_672 = arith.mulf %mul3A_671, %select_n3A_670 : vector<16xf32>
      %add3A_673 = arith.addf %add3A_655, %mul3A_672 : vector<16xf32>
      %add3A_674 = arith.constant 14 : i32
      %add3A_675 = vector.broadcast %add3A_674 : i32 to vector<16xi32>
      %add3A_676 = arith.addi %add3A_675, %shift_right_logical3A_14 : vector<16xi32>
      %gather3A_677 = tpu.vector_load_idx %arg11[%and3A, %add3A_676, %and3A_194] : memref<8x32x128xf32, #tpu.memory_space<vmem>>[vector<16xi32>, vector<16xi32>, vector<16xi32>], vector<16xf32>,
      %gather3A_678 = tpu.vector_load_idx %arg12[%and3A, %add3A_676, %and3A_339] : memref<8x32x128xf32, #tpu.memory_space<vmem>>[vector<16xi32>, vector<16xi32>, vector<16xi32>], vector<16xf32>,
      %slice3A_679 = vector.extract_strided_slice %get3A_5 {offsets = [14], sizes = [1], strides = [1]} : vector<16xf32> to vector<1xf32>
      %squeeze3A_680 = vector.extract %slice3A_679[0] : f32 from vector<1xf32>
      %slice3A_681 = vector.extract_strided_slice %get3A_5 {offsets = [15], sizes = [1], strides = [1]} : vector<16xf32> to vector<1xf32>
      %squeeze3A_682 = vector.extract %slice3A_681[0] : f32 from vector<1xf32>
      %eq3A_683 = arith.constant 0 : i32
      %eq3A_684 = vector.broadcast %eq3A_683 : i32 to vector<16xi32>
      %eq3A_685 = arith.cmpi eq, %shift_right_logical3A_14, %eq3A_684 : vector<16xi32>
      %broadcast_in_dim3A_686 = vector.broadcast %squeeze3A_680 : f32 to vector<16xf32>
      %broadcast_in_dim3A_687 = vector.broadcast %squeeze3A_682 : f32 to vector<16xf32>
      %select_n3A_688 = arith.select %eq3A_685, %broadcast_in_dim3A_686, %broadcast_in_dim3A_687 : vector<16xi1>, vector<16xf32>
      %mul3A_689 = arith.mulf %gather3A_677, %gather3A_678 : vector<16xf32>
      %mul3A_690 = arith.mulf %mul3A_689, %select_n3A_688 : vector<16xf32>
      %add3A_691 = arith.addf %add3A_673, %mul3A_690 : vector<16xf32>
      %add3A_692 = arith.constant 16 : i32
      %add3A_693 = vector.broadcast %add3A_692 : i32 to vector<16xi32>
      %add3A_694 = arith.addi %add3A_693, %shift_right_logical3A_14 : vector<16xi32>
      %gather3A_695 = tpu.vector_load_idx %arg11[%and3A, %add3A_694, %and3A_194] : memref<8x32x128xf32, #tpu.memory_space<vmem>>[vector<16xi32>, vector<16xi32>, vector<16xi32>], vector<16xf32>,
      %gather3A_696 = tpu.vector_load_idx %arg12[%and3A, %add3A_694, %and3A_339] : memref<8x32x128xf32, #tpu.memory_space<vmem>>[vector<16xi32>, vector<16xi32>, vector<16xi32>], vector<16xf32>,
      %slice3A_697 = vector.extract_strided_slice %get3A_7 {offsets = [0], sizes = [1], strides = [1]} : vector<16xf32> to vector<1xf32>
      %squeeze3A_698 = vector.extract %slice3A_697[0] : f32 from vector<1xf32>
      %slice3A_699 = vector.extract_strided_slice %get3A_7 {offsets = [1], sizes = [1], strides = [1]} : vector<16xf32> to vector<1xf32>
      %squeeze3A_700 = vector.extract %slice3A_699[0] : f32 from vector<1xf32>
      %eq3A_701 = arith.constant 0 : i32
      %eq3A_702 = vector.broadcast %eq3A_701 : i32 to vector<16xi32>
      %eq3A_703 = arith.cmpi eq, %shift_right_logical3A_14, %eq3A_702 : vector<16xi32>
      %broadcast_in_dim3A_704 = vector.broadcast %squeeze3A_698 : f32 to vector<16xf32>
      %broadcast_in_dim3A_705 = vector.broadcast %squeeze3A_700 : f32 to vector<16xf32>
      %select_n3A_706 = arith.select %eq3A_703, %broadcast_in_dim3A_704, %broadcast_in_dim3A_705 : vector<16xi1>, vector<16xf32>
      %mul3A_707 = arith.mulf %gather3A_695, %gather3A_696 : vector<16xf32>
      %mul3A_708 = arith.mulf %mul3A_707, %select_n3A_706 : vector<16xf32>
      %add3A_709 = arith.addf %add3A_691, %mul3A_708 : vector<16xf32>
      %add3A_710 = arith.constant 18 : i32
      %add3A_711 = vector.broadcast %add3A_710 : i32 to vector<16xi32>
      %add3A_712 = arith.addi %add3A_711, %shift_right_logical3A_14 : vector<16xi32>
      %gather3A_713 = tpu.vector_load_idx %arg11[%and3A, %add3A_712, %and3A_194] : memref<8x32x128xf32, #tpu.memory_space<vmem>>[vector<16xi32>, vector<16xi32>, vector<16xi32>], vector<16xf32>,
      %gather3A_714 = tpu.vector_load_idx %arg12[%and3A, %add3A_712, %and3A_339] : memref<8x32x128xf32, #tpu.memory_space<vmem>>[vector<16xi32>, vector<16xi32>, vector<16xi32>], vector<16xf32>,
      %slice3A_715 = vector.extract_strided_slice %get3A_7 {offsets = [2], sizes = [1], strides = [1]} : vector<16xf32> to vector<1xf32>
      %squeeze3A_716 = vector.extract %slice3A_715[0] : f32 from vector<1xf32>
      %slice3A_717 = vector.extract_strided_slice %get3A_7 {offsets = [3], sizes = [1], strides = [1]} : vector<16xf32> to vector<1xf32>
      %squeeze3A_718 = vector.extract %slice3A_717[0] : f32 from vector<1xf32>
      %eq3A_719 = arith.constant 0 : i32
      %eq3A_720 = vector.broadcast %eq3A_719 : i32 to vector<16xi32>
      %eq3A_721 = arith.cmpi eq, %shift_right_logical3A_14, %eq3A_720 : vector<16xi32>
      %broadcast_in_dim3A_722 = vector.broadcast %squeeze3A_716 : f32 to vector<16xf32>
      %broadcast_in_dim3A_723 = vector.broadcast %squeeze3A_718 : f32 to vector<16xf32>
      %select_n3A_724 = arith.select %eq3A_721, %broadcast_in_dim3A_722, %broadcast_in_dim3A_723 : vector<16xi1>, vector<16xf32>
      %mul3A_725 = arith.mulf %gather3A_713, %gather3A_714 : vector<16xf32>
      %mul3A_726 = arith.mulf %mul3A_725, %select_n3A_724 : vector<16xf32>
      %add3A_727 = arith.addf %add3A_709, %mul3A_726 : vector<16xf32>
      %add3A_728 = arith.constant 20 : i32
      %add3A_729 = vector.broadcast %add3A_728 : i32 to vector<16xi32>
      %add3A_730 = arith.addi %add3A_729, %shift_right_logical3A_14 : vector<16xi32>
      %gather3A_731 = tpu.vector_load_idx %arg11[%and3A, %add3A_730, %and3A_194] : memref<8x32x128xf32, #tpu.memory_space<vmem>>[vector<16xi32>, vector<16xi32>, vector<16xi32>], vector<16xf32>,
      %gather3A_732 = tpu.vector_load_idx %arg12[%and3A, %add3A_730, %and3A_339] : memref<8x32x128xf32, #tpu.memory_space<vmem>>[vector<16xi32>, vector<16xi32>, vector<16xi32>], vector<16xf32>,
      %slice3A_733 = vector.extract_strided_slice %get3A_7 {offsets = [4], sizes = [1], strides = [1]} : vector<16xf32> to vector<1xf32>
      %squeeze3A_734 = vector.extract %slice3A_733[0] : f32 from vector<1xf32>
      %slice3A_735 = vector.extract_strided_slice %get3A_7 {offsets = [5], sizes = [1], strides = [1]} : vector<16xf32> to vector<1xf32>
      %squeeze3A_736 = vector.extract %slice3A_735[0] : f32 from vector<1xf32>
      %eq3A_737 = arith.constant 0 : i32
      %eq3A_738 = vector.broadcast %eq3A_737 : i32 to vector<16xi32>
      %eq3A_739 = arith.cmpi eq, %shift_right_logical3A_14, %eq3A_738 : vector<16xi32>
      %broadcast_in_dim3A_740 = vector.broadcast %squeeze3A_734 : f32 to vector<16xf32>
      %broadcast_in_dim3A_741 = vector.broadcast %squeeze3A_736 : f32 to vector<16xf32>
      %select_n3A_742 = arith.select %eq3A_739, %broadcast_in_dim3A_740, %broadcast_in_dim3A_741 : vector<16xi1>, vector<16xf32>
      %mul3A_743 = arith.mulf %gather3A_731, %gather3A_732 : vector<16xf32>
      %mul3A_744 = arith.mulf %mul3A_743, %select_n3A_742 : vector<16xf32>
      %add3A_745 = arith.addf %add3A_727, %mul3A_744 : vector<16xf32>
      %add3A_746 = arith.constant 22 : i32
      %add3A_747 = vector.broadcast %add3A_746 : i32 to vector<16xi32>
      %add3A_748 = arith.addi %add3A_747, %shift_right_logical3A_14 : vector<16xi32>
      %gather3A_749 = tpu.vector_load_idx %arg11[%and3A, %add3A_748, %and3A_194] : memref<8x32x128xf32, #tpu.memory_space<vmem>>[vector<16xi32>, vector<16xi32>, vector<16xi32>], vector<16xf32>,
      %gather3A_750 = tpu.vector_load_idx %arg12[%and3A, %add3A_748, %and3A_339] : memref<8x32x128xf32, #tpu.memory_space<vmem>>[vector<16xi32>, vector<16xi32>, vector<16xi32>], vector<16xf32>,
      %slice3A_751 = vector.extract_strided_slice %get3A_7 {offsets = [6], sizes = [1], strides = [1]} : vector<16xf32> to vector<1xf32>
      %squeeze3A_752 = vector.extract %slice3A_751[0] : f32 from vector<1xf32>
      %slice3A_753 = vector.extract_strided_slice %get3A_7 {offsets = [7], sizes = [1], strides = [1]} : vector<16xf32> to vector<1xf32>
      %squeeze3A_754 = vector.extract %slice3A_753[0] : f32 from vector<1xf32>
      %eq3A_755 = arith.constant 0 : i32
      %eq3A_756 = vector.broadcast %eq3A_755 : i32 to vector<16xi32>
      %eq3A_757 = arith.cmpi eq, %shift_right_logical3A_14, %eq3A_756 : vector<16xi32>
      %broadcast_in_dim3A_758 = vector.broadcast %squeeze3A_752 : f32 to vector<16xf32>
      %broadcast_in_dim3A_759 = vector.broadcast %squeeze3A_754 : f32 to vector<16xf32>
      %select_n3A_760 = arith.select %eq3A_757, %broadcast_in_dim3A_758, %broadcast_in_dim3A_759 : vector<16xi1>, vector<16xf32>
      %mul3A_761 = arith.mulf %gather3A_749, %gather3A_750 : vector<16xf32>
      %mul3A_762 = arith.mulf %mul3A_761, %select_n3A_760 : vector<16xf32>
      %add3A_763 = arith.addf %add3A_745, %mul3A_762 : vector<16xf32>
      %add3A_764 = arith.constant 24 : i32
      %add3A_765 = vector.broadcast %add3A_764 : i32 to vector<16xi32>
      %add3A_766 = arith.addi %add3A_765, %shift_right_logical3A_14 : vector<16xi32>
      %gather3A_767 = tpu.vector_load_idx %arg11[%and3A, %add3A_766, %and3A_194] : memref<8x32x128xf32, #tpu.memory_space<vmem>>[vector<16xi32>, vector<16xi32>, vector<16xi32>], vector<16xf32>,
      %gather3A_768 = tpu.vector_load_idx %arg12[%and3A, %add3A_766, %and3A_339] : memref<8x32x128xf32, #tpu.memory_space<vmem>>[vector<16xi32>, vector<16xi32>, vector<16xi32>], vector<16xf32>,
      %slice3A_769 = vector.extract_strided_slice %get3A_7 {offsets = [8], sizes = [1], strides = [1]} : vector<16xf32> to vector<1xf32>
      %squeeze3A_770 = vector.extract %slice3A_769[0] : f32 from vector<1xf32>
      %slice3A_771 = vector.extract_strided_slice %get3A_7 {offsets = [9], sizes = [1], strides = [1]} : vector<16xf32> to vector<1xf32>
      %squeeze3A_772 = vector.extract %slice3A_771[0] : f32 from vector<1xf32>
      %eq3A_773 = arith.constant 0 : i32
      %eq3A_774 = vector.broadcast %eq3A_773 : i32 to vector<16xi32>
      %eq3A_775 = arith.cmpi eq, %shift_right_logical3A_14, %eq3A_774 : vector<16xi32>
      %broadcast_in_dim3A_776 = vector.broadcast %squeeze3A_770 : f32 to vector<16xf32>
      %broadcast_in_dim3A_777 = vector.broadcast %squeeze3A_772 : f32 to vector<16xf32>
      %select_n3A_778 = arith.select %eq3A_775, %broadcast_in_dim3A_776, %broadcast_in_dim3A_777 : vector<16xi1>, vector<16xf32>
      %mul3A_779 = arith.mulf %gather3A_767, %gather3A_768 : vector<16xf32>
      %mul3A_780 = arith.mulf %mul3A_779, %select_n3A_778 : vector<16xf32>
      %add3A_781 = arith.addf %add3A_763, %mul3A_780 : vector<16xf32>
      %add3A_782 = arith.constant 26 : i32
      %add3A_783 = vector.broadcast %add3A_782 : i32 to vector<16xi32>
      %add3A_784 = arith.addi %add3A_783, %shift_right_logical3A_14 : vector<16xi32>
      %gather3A_785 = tpu.vector_load_idx %arg11[%and3A, %add3A_784, %and3A_194] : memref<8x32x128xf32, #tpu.memory_space<vmem>>[vector<16xi32>, vector<16xi32>, vector<16xi32>], vector<16xf32>,
      %gather3A_786 = tpu.vector_load_idx %arg12[%and3A, %add3A_784, %and3A_339] : memref<8x32x128xf32, #tpu.memory_space<vmem>>[vector<16xi32>, vector<16xi32>, vector<16xi32>], vector<16xf32>,
      %slice3A_787 = vector.extract_strided_slice %get3A_7 {offsets = [10], sizes = [1], strides = [1]} : vector<16xf32> to vector<1xf32>
      %squeeze3A_788 = vector.extract %slice3A_787[0] : f32 from vector<1xf32>
      %slice3A_789 = vector.extract_strided_slice %get3A_7 {offsets = [11], sizes = [1], strides = [1]} : vector<16xf32> to vector<1xf32>
      %squeeze3A_790 = vector.extract %slice3A_789[0] : f32 from vector<1xf32>
      %eq3A_791 = arith.constant 0 : i32
      %eq3A_792 = vector.broadcast %eq3A_791 : i32 to vector<16xi32>
      %eq3A_793 = arith.cmpi eq, %shift_right_logical3A_14, %eq3A_792 : vector<16xi32>
      %broadcast_in_dim3A_794 = vector.broadcast %squeeze3A_788 : f32 to vector<16xf32>
      %broadcast_in_dim3A_795 = vector.broadcast %squeeze3A_790 : f32 to vector<16xf32>
      %select_n3A_796 = arith.select %eq3A_793, %broadcast_in_dim3A_794, %broadcast_in_dim3A_795 : vector<16xi1>, vector<16xf32>
      %mul3A_797 = arith.mulf %gather3A_785, %gather3A_786 : vector<16xf32>
      %mul3A_798 = arith.mulf %mul3A_797, %select_n3A_796 : vector<16xf32>
      %add3A_799 = arith.addf %add3A_781, %mul3A_798 : vector<16xf32>
      %add3A_800 = arith.constant 28 : i32
      %add3A_801 = vector.broadcast %add3A_800 : i32 to vector<16xi32>
      %add3A_802 = arith.addi %add3A_801, %shift_right_logical3A_14 : vector<16xi32>
      %gather3A_803 = tpu.vector_load_idx %arg11[%and3A, %add3A_802, %and3A_194] : memref<8x32x128xf32, #tpu.memory_space<vmem>>[vector<16xi32>, vector<16xi32>, vector<16xi32>], vector<16xf32>,
      %gather3A_804 = tpu.vector_load_idx %arg12[%and3A, %add3A_802, %and3A_339] : memref<8x32x128xf32, #tpu.memory_space<vmem>>[vector<16xi32>, vector<16xi32>, vector<16xi32>], vector<16xf32>,
      %slice3A_805 = vector.extract_strided_slice %get3A_7 {offsets = [12], sizes = [1], strides = [1]} : vector<16xf32> to vector<1xf32>
      %squeeze3A_806 = vector.extract %slice3A_805[0] : f32 from vector<1xf32>
      %slice3A_807 = vector.extract_strided_slice %get3A_7 {offsets = [13], sizes = [1], strides = [1]} : vector<16xf32> to vector<1xf32>
      %squeeze3A_808 = vector.extract %slice3A_807[0] : f32 from vector<1xf32>
      %eq3A_809 = arith.constant 0 : i32
      %eq3A_810 = vector.broadcast %eq3A_809 : i32 to vector<16xi32>
      %eq3A_811 = arith.cmpi eq, %shift_right_logical3A_14, %eq3A_810 : vector<16xi32>
      %broadcast_in_dim3A_812 = vector.broadcast %squeeze3A_806 : f32 to vector<16xf32>
      %broadcast_in_dim3A_813 = vector.broadcast %squeeze3A_808 : f32 to vector<16xf32>
      %select_n3A_814 = arith.select %eq3A_811, %broadcast_in_dim3A_812, %broadcast_in_dim3A_813 : vector<16xi1>, vector<16xf32>
      %mul3A_815 = arith.mulf %gather3A_803, %gather3A_804 : vector<16xf32>
      %mul3A_816 = arith.mulf %mul3A_815, %select_n3A_814 : vector<16xf32>
      %add3A_817 = arith.addf %add3A_799, %mul3A_816 : vector<16xf32>
      %add3A_818 = arith.constant 30 : i32
      %add3A_819 = vector.broadcast %add3A_818 : i32 to vector<16xi32>
      %add3A_820 = arith.addi %add3A_819, %shift_right_logical3A_14 : vector<16xi32>
      %gather3A_821 = tpu.vector_load_idx %arg11[%and3A, %add3A_820, %and3A_194] : memref<8x32x128xf32, #tpu.memory_space<vmem>>[vector<16xi32>, vector<16xi32>, vector<16xi32>], vector<16xf32>,
      %gather3A_822 = tpu.vector_load_idx %arg12[%and3A, %add3A_820, %and3A_339] : memref<8x32x128xf32, #tpu.memory_space<vmem>>[vector<16xi32>, vector<16xi32>, vector<16xi32>], vector<16xf32>,
      %slice3A_823 = vector.extract_strided_slice %get3A_7 {offsets = [14], sizes = [1], strides = [1]} : vector<16xf32> to vector<1xf32>
      %squeeze3A_824 = vector.extract %slice3A_823[0] : f32 from vector<1xf32>
      %slice3A_825 = vector.extract_strided_slice %get3A_7 {offsets = [15], sizes = [1], strides = [1]} : vector<16xf32> to vector<1xf32>
      %squeeze3A_826 = vector.extract %slice3A_825[0] : f32 from vector<1xf32>
      %eq3A_827 = arith.constant 0 : i32
      %eq3A_828 = vector.broadcast %eq3A_827 : i32 to vector<16xi32>
      %eq3A_829 = arith.cmpi eq, %shift_right_logical3A_14, %eq3A_828 : vector<16xi32>
      %broadcast_in_dim3A_830 = vector.broadcast %squeeze3A_824 : f32 to vector<16xf32>
      %broadcast_in_dim3A_831 = vector.broadcast %squeeze3A_826 : f32 to vector<16xf32>
      %select_n3A_832 = arith.select %eq3A_829, %broadcast_in_dim3A_830, %broadcast_in_dim3A_831 : vector<16xi1>, vector<16xf32>
      %mul3A_833 = arith.mulf %gather3A_821, %gather3A_822 : vector<16xf32>
      %mul3A_834 = arith.mulf %mul3A_833, %select_n3A_832 : vector<16xf32>
      %add3A_835 = arith.addf %add3A_817, %mul3A_834 : vector<16xf32>
      %broadcast_in_dim3A_836 = arith.constant 8 : i32
      %broadcast_in_dim3A_837 = vector.broadcast %broadcast_in_dim3A_836 : i32 to vector<16xi32>
      %xor3A = arith.xori %iota3A, %broadcast_in_dim3A_837 : vector<16xi32>
      %lt3A_838 = arith.constant 0 : i32
      %lt3A_839 = vector.broadcast %lt3A_838 : i32 to vector<16xi32>
      %lt3A_840 = arith.cmpi slt, %xor3A, %lt3A_839 : vector<16xi32>
      %add3A_841 = arith.constant 16 : i32
      %add3A_842 = vector.broadcast %add3A_841 : i32 to vector<16xi32>
      %add3A_843 = arith.addi %xor3A, %add3A_842 : vector<16xi32>
      %select_n3A_844 = arith.select %lt3A_840, %add3A_843, %xor3A : vector<16xi1>, vector<16xi32>
      %broadcast_in_dim3A_845 = vector.shape_cast %select_n3A_844 : vector<16xi32> to vector<16x1xi32>
      %gather3A_846 = vector.shape_cast %broadcast_in_dim3A_845 : vector<16x1xi32> to vector<16xi32>
      %gather3A_847 = tpu.dynamic_gather %add3A_835[%gather3A_846] in [0] : vector<16xf32>, vector<16xi32> -> vector<16xf32>
      %add3A_848 = arith.addf %add3A_835, %gather3A_847 : vector<16xf32>
      %add3A_849 = arith.constant 8 : i32
      %add3A_850 = vector.broadcast %add3A_849 : i32 to vector<16xi32>
      %add3A_851 = arith.addi %and3A, %add3A_850 : vector<16xi32>
      %lt3A_852 = arith.constant 0 : i32
      %lt3A_853 = vector.broadcast %lt3A_852 : i32 to vector<16xi32>
      %lt3A_854 = arith.cmpi slt, %add3A_851, %lt3A_853 : vector<16xi32>
      %add3A_855 = arith.constant 16 : i32
      %add3A_856 = vector.broadcast %add3A_855 : i32 to vector<16xi32>
      %add3A_857 = arith.addi %add3A_851, %add3A_856 : vector<16xi32>
      %select_n3A_858 = arith.select %lt3A_854, %add3A_857, %add3A_851 : vector<16xi1>, vector<16xi32>
      %broadcast_in_dim3A_859 = vector.shape_cast %select_n3A_858 : vector<16xi32> to vector<16x1xi32>
      %gather3A_860 = vector.shape_cast %broadcast_in_dim3A_859 : vector<16x1xi32> to vector<16xi32>
      %gather3A_861 = tpu.dynamic_gather %get3A_26[%gather3A_860] in [0] : vector<16xi32>, vector<16xi32> -> vector<16xi32>
      %add3A_862 = arith.constant 8 : i32
      %add3A_863 = vector.broadcast %add3A_862 : i32 to vector<16xi32>
      %add3A_864 = arith.addi %and3A, %add3A_863 : vector<16xi32>
      %lt3A_865 = arith.constant 0 : i32
      %lt3A_866 = vector.broadcast %lt3A_865 : i32 to vector<16xi32>
      %lt3A_867 = arith.cmpi slt, %add3A_864, %lt3A_866 : vector<16xi32>
      %add3A_868 = arith.constant 16 : i32
      %add3A_869 = vector.broadcast %add3A_868 : i32 to vector<16xi32>
      %add3A_870 = arith.addi %add3A_864, %add3A_869 : vector<16xi32>
      %select_n3A_871 = arith.select %lt3A_867, %add3A_870, %add3A_864 : vector<16xi1>, vector<16xi32>
      %broadcast_in_dim3A_872 = vector.shape_cast %select_n3A_871 : vector<16xi32> to vector<16x1xi32>
      %gather3A_873 = vector.shape_cast %broadcast_in_dim3A_872 : vector<16x1xi32> to vector<16xi32>
      %gather3A_874 = tpu.dynamic_gather %get3A_30[%gather3A_873] in [0] : vector<16xi32>, vector<16xi32> -> vector<16xi32>
      %slice3A_875 = vector.extract_strided_slice %gather3A_861 {offsets = [0], sizes = [1], strides = [1]} : vector<16xi32> to vector<1xi32>
      %squeeze3A_876 = vector.extract %slice3A_875[0] : i32 from vector<1xi32>
      %and3A_877 = arith.constant -128 : i32
      %and3A_878 = arith.andi %squeeze3A_876, %and3A_877 : i32
      %multiple_of3A_879 = tpu.assume_multiple %and3A_878, 128 : i32
      %dma_start3A_880 = arith.constant 0 : i32
      %dma_start3A_881 = arith.constant 0 : i32
      %dma_start3A_882 = arith.constant 0 : i32
      %dma_start3A_883 = tpu.memref_slice %arg11[%dma_start3A_880, %dma_start3A_881, %dma_start3A_882] : memref<8x32x128xf32, #tpu.memory_space<vmem>> -> memref<1x32x128xf32, #tpu.memory_space<vmem>>
      %dma_start3A_884 = tpu.memref_squeeze %dma_start3A_883 : memref<1x32x128xf32, #tpu.memory_space<vmem>> -> memref<32x128xf32, #tpu.memory_space<vmem>>
      %dma_start3A_885 = arith.constant 0 : i32
      %dma_start3A_886 = tpu.memref_slice %arg4[%dma_start3A_885, %multiple_of3A_879] : memref<32x1000000xf32, #tpu.memory_space<hbm>> -> memref<32x128xf32, #tpu.memory_space<hbm>>
      %dma_start3A_887 = arith.constant 0 : i32
      %dma_start3A_888 = arith.constant 0 : i32
      %dma_start3A_889 = tpu.memref_slice %arg11[%dma_start3A_880, %dma_start3A_887, %dma_start3A_888] : memref<8x32x128xf32, #tpu.memory_space<vmem>> -> memref<1x32x128xf32, #tpu.memory_space<vmem>>
      %dma_start3A_890 = tpu.memref_squeeze %dma_start3A_889 : memref<1x32x128xf32, #tpu.memory_space<vmem>> -> memref<32x128xf32, #tpu.memory_space<vmem>>
      %dma_start3A_891 = arith.constant 0 : i32
      %dma_start3A_892 = tpu.memref_slice %arg4[%dma_start3A_891, %multiple_of3A_879] : memref<32x1000000xf32, #tpu.memory_space<hbm>> -> memref<32x128xf32, #tpu.memory_space<hbm>>
      tpu.enqueue_dma source(%dma_start3A_892 : memref<32x128xf32, #tpu.memory_space<hbm>>) target(%dma_start3A_890 : memref<32x128xf32, #tpu.memory_space<vmem>>) target_semaphore(%arg16 : memref<!tpu.dma_semaphore, #tpu.memory_space<semaphore_mem>>)
      %slice3A_893 = vector.extract_strided_slice %gather3A_861 {offsets = [1], sizes = [1], strides = [1]} : vector<16xi32> to vector<1xi32>
      %squeeze3A_894 = vector.extract %slice3A_893[0] : i32 from vector<1xi32>
      %and3A_895 = arith.constant -128 : i32
      %and3A_896 = arith.andi %squeeze3A_894, %and3A_895 : i32
      %multiple_of3A_897 = tpu.assume_multiple %and3A_896, 128 : i32
      %dma_start3A_898 = arith.constant 1 : i32
      %dma_start3A_899 = arith.constant 0 : i32
      %dma_start3A_900 = arith.constant 0 : i32
      %dma_start3A_901 = tpu.memref_slice %arg11[%dma_start3A_898, %dma_start3A_899, %dma_start3A_900] : memref<8x32x128xf32, #tpu.memory_space<vmem>> -> memref<1x32x128xf32, #tpu.memory_space<vmem>>
      %dma_start3A_902 = tpu.memref_squeeze %dma_start3A_901 : memref<1x32x128xf32, #tpu.memory_space<vmem>> -> memref<32x128xf32, #tpu.memory_space<vmem>>
      %dma_start3A_903 = arith.constant 0 : i32
      %dma_start3A_904 = tpu.memref_slice %arg4[%dma_start3A_903, %multiple_of3A_897] : memref<32x1000000xf32, #tpu.memory_space<hbm>> -> memref<32x128xf32, #tpu.memory_space<hbm>>
      %dma_start3A_905 = arith.constant 0 : i32
      %dma_start3A_906 = arith.constant 0 : i32
      %dma_start3A_907 = tpu.memref_slice %arg11[%dma_start3A_898, %dma_start3A_905, %dma_start3A_906] : memref<8x32x128xf32, #tpu.memory_space<vmem>> -> memref<1x32x128xf32, #tpu.memory_space<vmem>>
      %dma_start3A_908 = tpu.memref_squeeze %dma_start3A_907 : memref<1x32x128xf32, #tpu.memory_space<vmem>> -> memref<32x128xf32, #tpu.memory_space<vmem>>
      %dma_start3A_909 = arith.constant 0 : i32
      %dma_start3A_910 = tpu.memref_slice %arg4[%dma_start3A_909, %multiple_of3A_897] : memref<32x1000000xf32, #tpu.memory_space<hbm>> -> memref<32x128xf32, #tpu.memory_space<hbm>>
      tpu.enqueue_dma source(%dma_start3A_910 : memref<32x128xf32, #tpu.memory_space<hbm>>) target(%dma_start3A_908 : memref<32x128xf32, #tpu.memory_space<vmem>>) target_semaphore(%arg16 : memref<!tpu.dma_semaphore, #tpu.memory_space<semaphore_mem>>)
      %slice3A_911 = vector.extract_strided_slice %gather3A_861 {offsets = [2], sizes = [1], strides = [1]} : vector<16xi32> to vector<1xi32>
      %squeeze3A_912 = vector.extract %slice3A_911[0] : i32 from vector<1xi32>
      %and3A_913 = arith.constant -128 : i32
      %and3A_914 = arith.andi %squeeze3A_912, %and3A_913 : i32
      %multiple_of3A_915 = tpu.assume_multiple %and3A_914, 128 : i32
      %dma_start3A_916 = arith.constant 2 : i32
      %dma_start3A_917 = arith.constant 0 : i32
      %dma_start3A_918 = arith.constant 0 : i32
      %dma_start3A_919 = tpu.memref_slice %arg11[%dma_start3A_916, %dma_start3A_917, %dma_start3A_918] : memref<8x32x128xf32, #tpu.memory_space<vmem>> -> memref<1x32x128xf32, #tpu.memory_space<vmem>>
      %dma_start3A_920 = tpu.memref_squeeze %dma_start3A_919 : memref<1x32x128xf32, #tpu.memory_space<vmem>> -> memref<32x128xf32, #tpu.memory_space<vmem>>
      %dma_start3A_921 = arith.constant 0 : i32
      %dma_start3A_922 = tpu.memref_slice %arg4[%dma_start3A_921, %multiple_of3A_915] : memref<32x1000000xf32, #tpu.memory_space<hbm>> -> memref<32x128xf32, #tpu.memory_space<hbm>>
      %dma_start3A_923 = arith.constant 0 : i32
      %dma_start3A_924 = arith.constant 0 : i32
      %dma_start3A_925 = tpu.memref_slice %arg11[%dma_start3A_916, %dma_start3A_923, %dma_start3A_924] : memref<8x32x128xf32, #tpu.memory_space<vmem>> -> memref<1x32x128xf32, #tpu.memory_space<vmem>>
      %dma_start3A_926 = tpu.memref_squeeze %dma_start3A_925 : memref<1x32x128xf32, #tpu.memory_space<vmem>> -> memref<32x128xf32, #tpu.memory_space<vmem>>
      %dma_start3A_927 = arith.constant 0 : i32
      %dma_start3A_928 = tpu.memref_slice %arg4[%dma_start3A_927, %multiple_of3A_915] : memref<32x1000000xf32, #tpu.memory_space<hbm>> -> memref<32x128xf32, #tpu.memory_space<hbm>>
      tpu.enqueue_dma source(%dma_start3A_928 : memref<32x128xf32, #tpu.memory_space<hbm>>) target(%dma_start3A_926 : memref<32x128xf32, #tpu.memory_space<vmem>>) target_semaphore(%arg16 : memref<!tpu.dma_semaphore, #tpu.memory_space<semaphore_mem>>)
      %slice3A_929 = vector.extract_strided_slice %gather3A_861 {offsets = [3], sizes = [1], strides = [1]} : vector<16xi32> to vector<1xi32>
      %squeeze3A_930 = vector.extract %slice3A_929[0] : i32 from vector<1xi32>
      %and3A_931 = arith.constant -128 : i32
      %and3A_932 = arith.andi %squeeze3A_930, %and3A_931 : i32
      %multiple_of3A_933 = tpu.assume_multiple %and3A_932, 128 : i32
      %dma_start3A_934 = arith.constant 3 : i32
      %dma_start3A_935 = arith.constant 0 : i32
      %dma_start3A_936 = arith.constant 0 : i32
      %dma_start3A_937 = tpu.memref_slice %arg11[%dma_start3A_934, %dma_start3A_935, %dma_start3A_936] : memref<8x32x128xf32, #tpu.memory_space<vmem>> -> memref<1x32x128xf32, #tpu.memory_space<vmem>>
      %dma_start3A_938 = tpu.memref_squeeze %dma_start3A_937 : memref<1x32x128xf32, #tpu.memory_space<vmem>> -> memref<32x128xf32, #tpu.memory_space<vmem>>
      %dma_start3A_939 = arith.constant 0 : i32
      %dma_start3A_940 = tpu.memref_slice %arg4[%dma_start3A_939, %multiple_of3A_933] : memref<32x1000000xf32, #tpu.memory_space<hbm>> -> memref<32x128xf32, #tpu.memory_space<hbm>>
      %dma_start3A_941 = arith.constant 0 : i32
      %dma_start3A_942 = arith.constant 0 : i32
      %dma_start3A_943 = tpu.memref_slice %arg11[%dma_start3A_934, %dma_start3A_941, %dma_start3A_942] : memref<8x32x128xf32, #tpu.memory_space<vmem>> -> memref<1x32x128xf32, #tpu.memory_space<vmem>>
      %dma_start3A_944 = tpu.memref_squeeze %dma_start3A_943 : memref<1x32x128xf32, #tpu.memory_space<vmem>> -> memref<32x128xf32, #tpu.memory_space<vmem>>
      %dma_start3A_945 = arith.constant 0 : i32
      %dma_start3A_946 = tpu.memref_slice %arg4[%dma_start3A_945, %multiple_of3A_933] : memref<32x1000000xf32, #tpu.memory_space<hbm>> -> memref<32x128xf32, #tpu.memory_space<hbm>>
      tpu.enqueue_dma source(%dma_start3A_946 : memref<32x128xf32, #tpu.memory_space<hbm>>) target(%dma_start3A_944 : memref<32x128xf32, #tpu.memory_space<vmem>>) target_semaphore(%arg16 : memref<!tpu.dma_semaphore, #tpu.memory_space<semaphore_mem>>)
      %slice3A_947 = vector.extract_strided_slice %gather3A_861 {offsets = [4], sizes = [1], strides = [1]} : vector<16xi32> to vector<1xi32>
      %squeeze3A_948 = vector.extract %slice3A_947[0] : i32 from vector<1xi32>
      %and3A_949 = arith.constant -128 : i32
      %and3A_950 = arith.andi %squeeze3A_948, %and3A_949 : i32
      %multiple_of3A_951 = tpu.assume_multiple %and3A_950, 128 : i32
      %dma_start3A_952 = arith.constant 4 : i32
      %dma_start3A_953 = arith.constant 0 : i32
      %dma_start3A_954 = arith.constant 0 : i32
      %dma_start3A_955 = tpu.memref_slice %arg11[%dma_start3A_952, %dma_start3A_953, %dma_start3A_954] : memref<8x32x128xf32, #tpu.memory_space<vmem>> -> memref<1x32x128xf32, #tpu.memory_space<vmem>>
      %dma_start3A_956 = tpu.memref_squeeze %dma_start3A_955 : memref<1x32x128xf32, #tpu.memory_space<vmem>> -> memref<32x128xf32, #tpu.memory_space<vmem>>
      %dma_start3A_957 = arith.constant 0 : i32
      %dma_start3A_958 = tpu.memref_slice %arg4[%dma_start3A_957, %multiple_of3A_951] : memref<32x1000000xf32, #tpu.memory_space<hbm>> -> memref<32x128xf32, #tpu.memory_space<hbm>>
      %dma_start3A_959 = arith.constant 0 : i32
      %dma_start3A_960 = arith.constant 0 : i32
      %dma_start3A_961 = tpu.memref_slice %arg11[%dma_start3A_952, %dma_start3A_959, %dma_start3A_960] : memref<8x32x128xf32, #tpu.memory_space<vmem>> -> memref<1x32x128xf32, #tpu.memory_space<vmem>>
      %dma_start3A_962 = tpu.memref_squeeze %dma_start3A_961 : memref<1x32x128xf32, #tpu.memory_space<vmem>> -> memref<32x128xf32, #tpu.memory_space<vmem>>
      %dma_start3A_963 = arith.constant 0 : i32
      %dma_start3A_964 = tpu.memref_slice %arg4[%dma_start3A_963, %multiple_of3A_951] : memref<32x1000000xf32, #tpu.memory_space<hbm>> -> memref<32x128xf32, #tpu.memory_space<hbm>>
      tpu.enqueue_dma source(%dma_start3A_964 : memref<32x128xf32, #tpu.memory_space<hbm>>) target(%dma_start3A_962 : memref<32x128xf32, #tpu.memory_space<vmem>>) target_semaphore(%arg16 : memref<!tpu.dma_semaphore, #tpu.memory_space<semaphore_mem>>)
      %slice3A_965 = vector.extract_strided_slice %gather3A_861 {offsets = [5], sizes = [1], strides = [1]} : vector<16xi32> to vector<1xi32>
      %squeeze3A_966 = vector.extract %slice3A_965[0] : i32 from vector<1xi32>
      %and3A_967 = arith.constant -128 : i32
      %and3A_968 = arith.andi %squeeze3A_966, %and3A_967 : i32
      %multiple_of3A_969 = tpu.assume_multiple %and3A_968, 128 : i32
      %dma_start3A_970 = arith.constant 5 : i32
      %dma_start3A_971 = arith.constant 0 : i32
      %dma_start3A_972 = arith.constant 0 : i32
      %dma_start3A_973 = tpu.memref_slice %arg11[%dma_start3A_970, %dma_start3A_971, %dma_start3A_972] : memref<8x32x128xf32, #tpu.memory_space<vmem>> -> memref<1x32x128xf32, #tpu.memory_space<vmem>>
      %dma_start3A_974 = tpu.memref_squeeze %dma_start3A_973 : memref<1x32x128xf32, #tpu.memory_space<vmem>> -> memref<32x128xf32, #tpu.memory_space<vmem>>
      %dma_start3A_975 = arith.constant 0 : i32
      %dma_start3A_976 = tpu.memref_slice %arg4[%dma_start3A_975, %multiple_of3A_969] : memref<32x1000000xf32, #tpu.memory_space<hbm>> -> memref<32x128xf32, #tpu.memory_space<hbm>>
      %dma_start3A_977 = arith.constant 0 : i32
      %dma_start3A_978 = arith.constant 0 : i32
      %dma_start3A_979 = tpu.memref_slice %arg11[%dma_start3A_970, %dma_start3A_977, %dma_start3A_978] : memref<8x32x128xf32, #tpu.memory_space<vmem>> -> memref<1x32x128xf32, #tpu.memory_space<vmem>>
      %dma_start3A_980 = tpu.memref_squeeze %dma_start3A_979 : memref<1x32x128xf32, #tpu.memory_space<vmem>> -> memref<32x128xf32, #tpu.memory_space<vmem>>
      %dma_start3A_981 = arith.constant 0 : i32
      %dma_start3A_982 = tpu.memref_slice %arg4[%dma_start3A_981, %multiple_of3A_969] : memref<32x1000000xf32, #tpu.memory_space<hbm>> -> memref<32x128xf32, #tpu.memory_space<hbm>>
      tpu.enqueue_dma source(%dma_start3A_982 : memref<32x128xf32, #tpu.memory_space<hbm>>) target(%dma_start3A_980 : memref<32x128xf32, #tpu.memory_space<vmem>>) target_semaphore(%arg16 : memref<!tpu.dma_semaphore, #tpu.memory_space<semaphore_mem>>)
      %slice3A_983 = vector.extract_strided_slice %gather3A_861 {offsets = [6], sizes = [1], strides = [1]} : vector<16xi32> to vector<1xi32>
      %squeeze3A_984 = vector.extract %slice3A_983[0] : i32 from vector<1xi32>
      %and3A_985 = arith.constant -128 : i32
      %and3A_986 = arith.andi %squeeze3A_984, %and3A_985 : i32
      %multiple_of3A_987 = tpu.assume_multiple %and3A_986, 128 : i32
      %dma_start3A_988 = arith.constant 6 : i32
      %dma_start3A_989 = arith.constant 0 : i32
      %dma_start3A_990 = arith.constant 0 : i32
      %dma_start3A_991 = tpu.memref_slice %arg11[%dma_start3A_988, %dma_start3A_989, %dma_start3A_990] : memref<8x32x128xf32, #tpu.memory_space<vmem>> -> memref<1x32x128xf32, #tpu.memory_space<vmem>>
      %dma_start3A_992 = tpu.memref_squeeze %dma_start3A_991 : memref<1x32x128xf32, #tpu.memory_space<vmem>> -> memref<32x128xf32, #tpu.memory_space<vmem>>
      %dma_start3A_993 = arith.constant 0 : i32
      %dma_start3A_994 = tpu.memref_slice %arg4[%dma_start3A_993, %multiple_of3A_987] : memref<32x1000000xf32, #tpu.memory_space<hbm>> -> memref<32x128xf32, #tpu.memory_space<hbm>>
      %dma_start3A_995 = arith.constant 0 : i32
      %dma_start3A_996 = arith.constant 0 : i32
      %dma_start3A_997 = tpu.memref_slice %arg11[%dma_start3A_988, %dma_start3A_995, %dma_start3A_996] : memref<8x32x128xf32, #tpu.memory_space<vmem>> -> memref<1x32x128xf32, #tpu.memory_space<vmem>>
      %dma_start3A_998 = tpu.memref_squeeze %dma_start3A_997 : memref<1x32x128xf32, #tpu.memory_space<vmem>> -> memref<32x128xf32, #tpu.memory_space<vmem>>
      %dma_start3A_999 = arith.constant 0 : i32
      %dma_start3A_1000 = tpu.memref_slice %arg4[%dma_start3A_999, %multiple_of3A_987] : memref<32x1000000xf32, #tpu.memory_space<hbm>> -> memref<32x128xf32, #tpu.memory_space<hbm>>
      tpu.enqueue_dma source(%dma_start3A_1000 : memref<32x128xf32, #tpu.memory_space<hbm>>) target(%dma_start3A_998 : memref<32x128xf32, #tpu.memory_space<vmem>>) target_semaphore(%arg16 : memref<!tpu.dma_semaphore, #tpu.memory_space<semaphore_mem>>)
      %slice3A_1001 = vector.extract_strided_slice %gather3A_861 {offsets = [7], sizes = [1], strides = [1]} : vector<16xi32> to vector<1xi32>
      %squeeze3A_1002 = vector.extract %slice3A_1001[0] : i32 from vector<1xi32>
      %and3A_1003 = arith.constant -128 : i32
      %and3A_1004 = arith.andi %squeeze3A_1002, %and3A_1003 : i32
      %multiple_of3A_1005 = tpu.assume_multiple %and3A_1004, 128 : i32
      %dma_start3A_1006 = arith.constant 7 : i32
      %dma_start3A_1007 = arith.constant 0 : i32
      %dma_start3A_1008 = arith.constant 0 : i32
      %dma_start3A_1009 = tpu.memref_slice %arg11[%dma_start3A_1006, %dma_start3A_1007, %dma_start3A_1008] : memref<8x32x128xf32, #tpu.memory_space<vmem>> -> memref<1x32x128xf32, #tpu.memory_space<vmem>>
      %dma_start3A_1010 = tpu.memref_squeeze %dma_start3A_1009 : memref<1x32x128xf32, #tpu.memory_space<vmem>> -> memref<32x128xf32, #tpu.memory_space<vmem>>
      %dma_start3A_1011 = arith.constant 0 : i32
      %dma_start3A_1012 = tpu.memref_slice %arg4[%dma_start3A_1011, %multiple_of3A_1005] : memref<32x1000000xf32, #tpu.memory_space<hbm>> -> memref<32x128xf32, #tpu.memory_space<hbm>>
      %dma_start3A_1013 = arith.constant 0 : i32
      %dma_start3A_1014 = arith.constant 0 : i32
      %dma_start3A_1015 = tpu.memref_slice %arg11[%dma_start3A_1006, %dma_start3A_1013, %dma_start3A_1014] : memref<8x32x128xf32, #tpu.memory_space<vmem>> -> memref<1x32x128xf32, #tpu.memory_space<vmem>>
      %dma_start3A_1016 = tpu.memref_squeeze %dma_start3A_1015 : memref<1x32x128xf32, #tpu.memory_space<vmem>> -> memref<32x128xf32, #tpu.memory_space<vmem>>
      %dma_start3A_1017 = arith.constant 0 : i32
      %dma_start3A_1018 = tpu.memref_slice %arg4[%dma_start3A_1017, %multiple_of3A_1005] : memref<32x1000000xf32, #tpu.memory_space<hbm>> -> memref<32x128xf32, #tpu.memory_space<hbm>>
      tpu.enqueue_dma source(%dma_start3A_1018 : memref<32x128xf32, #tpu.memory_space<hbm>>) target(%dma_start3A_1016 : memref<32x128xf32, #tpu.memory_space<vmem>>) target_semaphore(%arg16 : memref<!tpu.dma_semaphore, #tpu.memory_space<semaphore_mem>>)
      %and3A_1019 = arith.andi %gather3A_861, %broadcast_in_dim3A_8 : vector<16xi32>
      %slice3A_1020 = vector.extract_strided_slice %gather3A_874 {offsets = [0], sizes = [1], strides = [1]} : vector<16xi32> to vector<1xi32>
      %squeeze3A_1021 = vector.extract %slice3A_1020[0] : i32 from vector<1xi32>
      %and3A_1022 = arith.constant -128 : i32
      %and3A_1023 = arith.andi %squeeze3A_1021, %and3A_1022 : i32
      %multiple_of3A_1024 = tpu.assume_multiple %and3A_1023, 128 : i32
      %dma_start3A_1025 = arith.constant 0 : i32
      %dma_start3A_1026 = arith.constant 0 : i32
      %dma_start3A_1027 = arith.constant 0 : i32
      %dma_start3A_1028 = tpu.memref_slice %arg12[%dma_start3A_1025, %dma_start3A_1026, %dma_start3A_1027] : memref<8x32x128xf32, #tpu.memory_space<vmem>> -> memref<1x32x128xf32, #tpu.memory_space<vmem>>
      %dma_start3A_1029 = tpu.memref_squeeze %dma_start3A_1028 : memref<1x32x128xf32, #tpu.memory_space<vmem>> -> memref<32x128xf32, #tpu.memory_space<vmem>>
      %dma_start3A_1030 = arith.constant 0 : i32
      %dma_start3A_1031 = tpu.memref_slice %arg5[%dma_start3A_1030, %multiple_of3A_1024] : memref<32x1000000xf32, #tpu.memory_space<hbm>> -> memref<32x128xf32, #tpu.memory_space<hbm>>
      %dma_start3A_1032 = arith.constant 0 : i32
      %dma_start3A_1033 = arith.constant 0 : i32
      %dma_start3A_1034 = tpu.memref_slice %arg12[%dma_start3A_1025, %dma_start3A_1032, %dma_start3A_1033] : memref<8x32x128xf32, #tpu.memory_space<vmem>> -> memref<1x32x128xf32, #tpu.memory_space<vmem>>
      %dma_start3A_1035 = tpu.memref_squeeze %dma_start3A_1034 : memref<1x32x128xf32, #tpu.memory_space<vmem>> -> memref<32x128xf32, #tpu.memory_space<vmem>>
      %dma_start3A_1036 = arith.constant 0 : i32
      %dma_start3A_1037 = tpu.memref_slice %arg5[%dma_start3A_1036, %multiple_of3A_1024] : memref<32x1000000xf32, #tpu.memory_space<hbm>> -> memref<32x128xf32, #tpu.memory_space<hbm>>
      tpu.enqueue_dma source(%dma_start3A_1037 : memref<32x128xf32, #tpu.memory_space<hbm>>) target(%dma_start3A_1035 : memref<32x128xf32, #tpu.memory_space<vmem>>) target_semaphore(%arg16 : memref<!tpu.dma_semaphore, #tpu.memory_space<semaphore_mem>>)
      %slice3A_1038 = vector.extract_strided_slice %gather3A_874 {offsets = [1], sizes = [1], strides = [1]} : vector<16xi32> to vector<1xi32>
      %squeeze3A_1039 = vector.extract %slice3A_1038[0] : i32 from vector<1xi32>
      %and3A_1040 = arith.constant -128 : i32
      %and3A_1041 = arith.andi %squeeze3A_1039, %and3A_1040 : i32
      %multiple_of3A_1042 = tpu.assume_multiple %and3A_1041, 128 : i32
      %dma_start3A_1043 = arith.constant 1 : i32
      %dma_start3A_1044 = arith.constant 0 : i32
      %dma_start3A_1045 = arith.constant 0 : i32
      %dma_start3A_1046 = tpu.memref_slice %arg12[%dma_start3A_1043, %dma_start3A_1044, %dma_start3A_1045] : memref<8x32x128xf32, #tpu.memory_space<vmem>> -> memref<1x32x128xf32, #tpu.memory_space<vmem>>
      %dma_start3A_1047 = tpu.memref_squeeze %dma_start3A_1046 : memref<1x32x128xf32, #tpu.memory_space<vmem>> -> memref<32x128xf32, #tpu.memory_space<vmem>>
      %dma_start3A_1048 = arith.constant 0 : i32
      %dma_start3A_1049 = tpu.memref_slice %arg5[%dma_start3A_1048, %multiple_of3A_1042] : memref<32x1000000xf32, #tpu.memory_space<hbm>> -> memref<32x128xf32, #tpu.memory_space<hbm>>
      %dma_start3A_1050 = arith.constant 0 : i32
      %dma_start3A_1051 = arith.constant 0 : i32
      %dma_start3A_1052 = tpu.memref_slice %arg12[%dma_start3A_1043, %dma_start3A_1050, %dma_start3A_1051] : memref<8x32x128xf32, #tpu.memory_space<vmem>> -> memref<1x32x128xf32, #tpu.memory_space<vmem>>
      %dma_start3A_1053 = tpu.memref_squeeze %dma_start3A_1052 : memref<1x32x128xf32, #tpu.memory_space<vmem>> -> memref<32x128xf32, #tpu.memory_space<vmem>>
      %dma_start3A_1054 = arith.constant 0 : i32
      %dma_start3A_1055 = tpu.memref_slice %arg5[%dma_start3A_1054, %multiple_of3A_1042] : memref<32x1000000xf32, #tpu.memory_space<hbm>> -> memref<32x128xf32, #tpu.memory_space<hbm>>
      tpu.enqueue_dma source(%dma_start3A_1055 : memref<32x128xf32, #tpu.memory_space<hbm>>) target(%dma_start3A_1053 : memref<32x128xf32, #tpu.memory_space<vmem>>) target_semaphore(%arg16 : memref<!tpu.dma_semaphore, #tpu.memory_space<semaphore_mem>>)
      %slice3A_1056 = vector.extract_strided_slice %gather3A_874 {offsets = [2], sizes = [1], strides = [1]} : vector<16xi32> to vector<1xi32>
      %squeeze3A_1057 = vector.extract %slice3A_1056[0] : i32 from vector<1xi32>
      %and3A_1058 = arith.constant -128 : i32
      %and3A_1059 = arith.andi %squeeze3A_1057, %and3A_1058 : i32
      %multiple_of3A_1060 = tpu.assume_multiple %and3A_1059, 128 : i32
      %dma_start3A_1061 = arith.constant 2 : i32
      %dma_start3A_1062 = arith.constant 0 : i32
      %dma_start3A_1063 = arith.constant 0 : i32
      %dma_start3A_1064 = tpu.memref_slice %arg12[%dma_start3A_1061, %dma_start3A_1062, %dma_start3A_1063] : memref<8x32x128xf32, #tpu.memory_space<vmem>> -> memref<1x32x128xf32, #tpu.memory_space<vmem>>
      %dma_start3A_1065 = tpu.memref_squeeze %dma_start3A_1064 : memref<1x32x128xf32, #tpu.memory_space<vmem>> -> memref<32x128xf32, #tpu.memory_space<vmem>>
      %dma_start3A_1066 = arith.constant 0 : i32
      %dma_start3A_1067 = tpu.memref_slice %arg5[%dma_start3A_1066, %multiple_of3A_1060] : memref<32x1000000xf32, #tpu.memory_space<hbm>> -> memref<32x128xf32, #tpu.memory_space<hbm>>
      %dma_start3A_1068 = arith.constant 0 : i32
      %dma_start3A_1069 = arith.constant 0 : i32
      %dma_start3A_1070 = tpu.memref_slice %arg12[%dma_start3A_1061, %dma_start3A_1068, %dma_start3A_1069] : memref<8x32x128xf32, #tpu.memory_space<vmem>> -> memref<1x32x128xf32, #tpu.memory_space<vmem>>
      %dma_start3A_1071 = tpu.memref_squeeze %dma_start3A_1070 : memref<1x32x128xf32, #tpu.memory_space<vmem>> -> memref<32x128xf32, #tpu.memory_space<vmem>>
      %dma_start3A_1072 = arith.constant 0 : i32
      %dma_start3A_1073 = tpu.memref_slice %arg5[%dma_start3A_1072, %multiple_of3A_1060] : memref<32x1000000xf32, #tpu.memory_space<hbm>> -> memref<32x128xf32, #tpu.memory_space<hbm>>
      tpu.enqueue_dma source(%dma_start3A_1073 : memref<32x128xf32, #tpu.memory_space<hbm>>) target(%dma_start3A_1071 : memref<32x128xf32, #tpu.memory_space<vmem>>) target_semaphore(%arg16 : memref<!tpu.dma_semaphore, #tpu.memory_space<semaphore_mem>>)
      %slice3A_1074 = vector.extract_strided_slice %gather3A_874 {offsets = [3], sizes = [1], strides = [1]} : vector<16xi32> to vector<1xi32>
      %squeeze3A_1075 = vector.extract %slice3A_1074[0] : i32 from vector<1xi32>
      %and3A_1076 = arith.constant -128 : i32
      %and3A_1077 = arith.andi %squeeze3A_1075, %and3A_1076 : i32
      %multiple_of3A_1078 = tpu.assume_multiple %and3A_1077, 128 : i32
      %dma_start3A_1079 = arith.constant 3 : i32
      %dma_start3A_1080 = arith.constant 0 : i32
      %dma_start3A_1081 = arith.constant 0 : i32
      %dma_start3A_1082 = tpu.memref_slice %arg12[%dma_start3A_1079, %dma_start3A_1080, %dma_start3A_1081] : memref<8x32x128xf32, #tpu.memory_space<vmem>> -> memref<1x32x128xf32, #tpu.memory_space<vmem>>
      %dma_start3A_1083 = tpu.memref_squeeze %dma_start3A_1082 : memref<1x32x128xf32, #tpu.memory_space<vmem>> -> memref<32x128xf32, #tpu.memory_space<vmem>>
      %dma_start3A_1084 = arith.constant 0 : i32
      %dma_start3A_1085 = tpu.memref_slice %arg5[%dma_start3A_1084, %multiple_of3A_1078] : memref<32x1000000xf32, #tpu.memory_space<hbm>> -> memref<32x128xf32, #tpu.memory_space<hbm>>
      %dma_start3A_1086 = arith.constant 0 : i32
      %dma_start3A_1087 = arith.constant 0 : i32
      %dma_start3A_1088 = tpu.memref_slice %arg12[%dma_start3A_1079, %dma_start3A_1086, %dma_start3A_1087] : memref<8x32x128xf32, #tpu.memory_space<vmem>> -> memref<1x32x128xf32, #tpu.memory_space<vmem>>
      %dma_start3A_1089 = tpu.memref_squeeze %dma_start3A_1088 : memref<1x32x128xf32, #tpu.memory_space<vmem>> -> memref<32x128xf32, #tpu.memory_space<vmem>>
      %dma_start3A_1090 = arith.constant 0 : i32
      %dma_start3A_1091 = tpu.memref_slice %arg5[%dma_start3A_1090, %multiple_of3A_1078] : memref<32x1000000xf32, #tpu.memory_space<hbm>> -> memref<32x128xf32, #tpu.memory_space<hbm>>
      tpu.enqueue_dma source(%dma_start3A_1091 : memref<32x128xf32, #tpu.memory_space<hbm>>) target(%dma_start3A_1089 : memref<32x128xf32, #tpu.memory_space<vmem>>) target_semaphore(%arg16 : memref<!tpu.dma_semaphore, #tpu.memory_space<semaphore_mem>>)
      %slice3A_1092 = vector.extract_strided_slice %gather3A_874 {offsets = [4], sizes = [1], strides = [1]} : vector<16xi32> to vector<1xi32>
      %squeeze3A_1093 = vector.extract %slice3A_1092[0] : i32 from vector<1xi32>
      %and3A_1094 = arith.constant -128 : i32
      %and3A_1095 = arith.andi %squeeze3A_1093, %and3A_1094 : i32
      %multiple_of3A_1096 = tpu.assume_multiple %and3A_1095, 128 : i32
      %dma_start3A_1097 = arith.constant 4 : i32
      %dma_start3A_1098 = arith.constant 0 : i32
      %dma_start3A_1099 = arith.constant 0 : i32
      %dma_start3A_1100 = tpu.memref_slice %arg12[%dma_start3A_1097, %dma_start3A_1098, %dma_start3A_1099] : memref<8x32x128xf32, #tpu.memory_space<vmem>> -> memref<1x32x128xf32, #tpu.memory_space<vmem>>
      %dma_start3A_1101 = tpu.memref_squeeze %dma_start3A_1100 : memref<1x32x128xf32, #tpu.memory_space<vmem>> -> memref<32x128xf32, #tpu.memory_space<vmem>>
      %dma_start3A_1102 = arith.constant 0 : i32
      %dma_start3A_1103 = tpu.memref_slice %arg5[%dma_start3A_1102, %multiple_of3A_1096] : memref<32x1000000xf32, #tpu.memory_space<hbm>> -> memref<32x128xf32, #tpu.memory_space<hbm>>
      %dma_start3A_1104 = arith.constant 0 : i32
      %dma_start3A_1105 = arith.constant 0 : i32
      %dma_start3A_1106 = tpu.memref_slice %arg12[%dma_start3A_1097, %dma_start3A_1104, %dma_start3A_1105] : memref<8x32x128xf32, #tpu.memory_space<vmem>> -> memref<1x32x128xf32, #tpu.memory_space<vmem>>
      %dma_start3A_1107 = tpu.memref_squeeze %dma_start3A_1106 : memref<1x32x128xf32, #tpu.memory_space<vmem>> -> memref<32x128xf32, #tpu.memory_space<vmem>>
      %dma_start3A_1108 = arith.constant 0 : i32
      %dma_start3A_1109 = tpu.memref_slice %arg5[%dma_start3A_1108, %multiple_of3A_1096] : memref<32x1000000xf32, #tpu.memory_space<hbm>> -> memref<32x128xf32, #tpu.memory_space<hbm>>
      tpu.enqueue_dma source(%dma_start3A_1109 : memref<32x128xf32, #tpu.memory_space<hbm>>) target(%dma_start3A_1107 : memref<32x128xf32, #tpu.memory_space<vmem>>) target_semaphore(%arg16 : memref<!tpu.dma_semaphore, #tpu.memory_space<semaphore_mem>>)
      %slice3A_1110 = vector.extract_strided_slice %gather3A_874 {offsets = [5], sizes = [1], strides = [1]} : vector<16xi32> to vector<1xi32>
      %squeeze3A_1111 = vector.extract %slice3A_1110[0] : i32 from vector<1xi32>
      %and3A_1112 = arith.constant -128 : i32
      %and3A_1113 = arith.andi %squeeze3A_1111, %and3A_1112 : i32
      %multiple_of3A_1114 = tpu.assume_multiple %and3A_1113, 128 : i32
      %dma_start3A_1115 = arith.constant 5 : i32
      %dma_start3A_1116 = arith.constant 0 : i32
      %dma_start3A_1117 = arith.constant 0 : i32
      %dma_start3A_1118 = tpu.memref_slice %arg12[%dma_start3A_1115, %dma_start3A_1116, %dma_start3A_1117] : memref<8x32x128xf32, #tpu.memory_space<vmem>> -> memref<1x32x128xf32, #tpu.memory_space<vmem>>
      %dma_start3A_1119 = tpu.memref_squeeze %dma_start3A_1118 : memref<1x32x128xf32, #tpu.memory_space<vmem>> -> memref<32x128xf32, #tpu.memory_space<vmem>>
      %dma_start3A_1120 = arith.constant 0 : i32
      %dma_start3A_1121 = tpu.memref_slice %arg5[%dma_start3A_1120, %multiple_of3A_1114] : memref<32x1000000xf32, #tpu.memory_space<hbm>> -> memref<32x128xf32, #tpu.memory_space<hbm>>
      %dma_start3A_1122 = arith.constant 0 : i32
      %dma_start3A_1123 = arith.constant 0 : i32
      %dma_start3A_1124 = tpu.memref_slice %arg12[%dma_start3A_1115, %dma_start3A_1122, %dma_start3A_1123] : memref<8x32x128xf32, #tpu.memory_space<vmem>> -> memref<1x32x128xf32, #tpu.memory_space<vmem>>
      %dma_start3A_1125 = tpu.memref_squeeze %dma_start3A_1124 : memref<1x32x128xf32, #tpu.memory_space<vmem>> -> memref<32x128xf32, #tpu.memory_space<vmem>>
      %dma_start3A_1126 = arith.constant 0 : i32
      %dma_start3A_1127 = tpu.memref_slice %arg5[%dma_start3A_1126, %multiple_of3A_1114] : memref<32x1000000xf32, #tpu.memory_space<hbm>> -> memref<32x128xf32, #tpu.memory_space<hbm>>
      tpu.enqueue_dma source(%dma_start3A_1127 : memref<32x128xf32, #tpu.memory_space<hbm>>) target(%dma_start3A_1125 : memref<32x128xf32, #tpu.memory_space<vmem>>) target_semaphore(%arg16 : memref<!tpu.dma_semaphore, #tpu.memory_space<semaphore_mem>>)
      %slice3A_1128 = vector.extract_strided_slice %gather3A_874 {offsets = [6], sizes = [1], strides = [1]} : vector<16xi32> to vector<1xi32>
      %squeeze3A_1129 = vector.extract %slice3A_1128[0] : i32 from vector<1xi32>
      %and3A_1130 = arith.constant -128 : i32
      %and3A_1131 = arith.andi %squeeze3A_1129, %and3A_1130 : i32
      %multiple_of3A_1132 = tpu.assume_multiple %and3A_1131, 128 : i32
      %dma_start3A_1133 = arith.constant 6 : i32
      %dma_start3A_1134 = arith.constant 0 : i32
      %dma_start3A_1135 = arith.constant 0 : i32
      %dma_start3A_1136 = tpu.memref_slice %arg12[%dma_start3A_1133, %dma_start3A_1134, %dma_start3A_1135] : memref<8x32x128xf32, #tpu.memory_space<vmem>> -> memref<1x32x128xf32, #tpu.memory_space<vmem>>
      %dma_start3A_1137 = tpu.memref_squeeze %dma_start3A_1136 : memref<1x32x128xf32, #tpu.memory_space<vmem>> -> memref<32x128xf32, #tpu.memory_space<vmem>>
      %dma_start3A_1138 = arith.constant 0 : i32
      %dma_start3A_1139 = tpu.memref_slice %arg5[%dma_start3A_1138, %multiple_of3A_1132] : memref<32x1000000xf32, #tpu.memory_space<hbm>> -> memref<32x128xf32, #tpu.memory_space<hbm>>
      %dma_start3A_1140 = arith.constant 0 : i32
      %dma_start3A_1141 = arith.constant 0 : i32
      %dma_start3A_1142 = tpu.memref_slice %arg12[%dma_start3A_1133, %dma_start3A_1140, %dma_start3A_1141] : memref<8x32x128xf32, #tpu.memory_space<vmem>> -> memref<1x32x128xf32, #tpu.memory_space<vmem>>
      %dma_start3A_1143 = tpu.memref_squeeze %dma_start3A_1142 : memref<1x32x128xf32, #tpu.memory_space<vmem>> -> memref<32x128xf32, #tpu.memory_space<vmem>>
      %dma_start3A_1144 = arith.constant 0 : i32
      %dma_start3A_1145 = tpu.memref_slice %arg5[%dma_start3A_1144, %multiple_of3A_1132] : memref<32x1000000xf32, #tpu.memory_space<hbm>> -> memref<32x128xf32, #tpu.memory_space<hbm>>
      tpu.enqueue_dma source(%dma_start3A_1145 : memref<32x128xf32, #tpu.memory_space<hbm>>) target(%dma_start3A_1143 : memref<32x128xf32, #tpu.memory_space<vmem>>) target_semaphore(%arg16 : memref<!tpu.dma_semaphore, #tpu.memory_space<semaphore_mem>>)
      %slice3A_1146 = vector.extract_strided_slice %gather3A_874 {offsets = [7], sizes = [1], strides = [1]} : vector<16xi32> to vector<1xi32>
      %squeeze3A_1147 = vector.extract %slice3A_1146[0] : i32 from vector<1xi32>
      %and3A_1148 = arith.constant -128 : i32
      %and3A_1149 = arith.andi %squeeze3A_1147, %and3A_1148 : i32
      %multiple_of3A_1150 = tpu.assume_multiple %and3A_1149, 128 : i32
      %dma_start3A_1151 = arith.constant 7 : i32
      %dma_start3A_1152 = arith.constant 0 : i32
      %dma_start3A_1153 = arith.constant 0 : i32
      %dma_start3A_1154 = tpu.memref_slice %arg12[%dma_start3A_1151, %dma_start3A_1152, %dma_start3A_1153] : memref<8x32x128xf32, #tpu.memory_space<vmem>> -> memref<1x32x128xf32, #tpu.memory_space<vmem>>
      %dma_start3A_1155 = tpu.memref_squeeze %dma_start3A_1154 : memref<1x32x128xf32, #tpu.memory_space<vmem>> -> memref<32x128xf32, #tpu.memory_space<vmem>>
      %dma_start3A_1156 = arith.constant 0 : i32
      %dma_start3A_1157 = tpu.memref_slice %arg5[%dma_start3A_1156, %multiple_of3A_1150] : memref<32x1000000xf32, #tpu.memory_space<hbm>> -> memref<32x128xf32, #tpu.memory_space<hbm>>
      %dma_start3A_1158 = arith.constant 0 : i32
      %dma_start3A_1159 = arith.constant 0 : i32
      %dma_start3A_1160 = tpu.memref_slice %arg12[%dma_start3A_1151, %dma_start3A_1158, %dma_start3A_1159] : memref<8x32x128xf32, #tpu.memory_space<vmem>> -> memref<1x32x128xf32, #tpu.memory_space<vmem>>
      %dma_start3A_1161 = tpu.memref_squeeze %dma_start3A_1160 : memref<1x32x128xf32, #tpu.memory_space<vmem>> -> memref<32x128xf32, #tpu.memory_space<vmem>>
      %dma_start3A_1162 = arith.constant 0 : i32
      %dma_start3A_1163 = tpu.memref_slice %arg5[%dma_start3A_1162, %multiple_of3A_1150] : memref<32x1000000xf32, #tpu.memory_space<hbm>> -> memref<32x128xf32, #tpu.memory_space<hbm>>
      tpu.enqueue_dma source(%dma_start3A_1163 : memref<32x128xf32, #tpu.memory_space<hbm>>) target(%dma_start3A_1161 : memref<32x128xf32, #tpu.memory_space<vmem>>) target_semaphore(%arg16 : memref<!tpu.dma_semaphore, #tpu.memory_space<semaphore_mem>>)
      %and3A_1164 = arith.andi %gather3A_874, %broadcast_in_dim3A_8 : vector<16xi32>
      %dma_wait3A_1165 = arith.constant 0 : i32
      %dma_wait3A_1166 = arith.constant 0 : i32
      %dma_wait3A_1167 = arith.constant 0 : i32
      %dma_wait3A_1168 = tpu.memref_slice %arg11[%dma_wait3A_1165, %dma_wait3A_1166, %dma_wait3A_1167] : memref<8x32x128xf32, #tpu.memory_space<vmem>> -> memref<1x32x128xf32, #tpu.memory_space<vmem>>
      %dma_wait3A_1169 = tpu.memref_squeeze %dma_wait3A_1168 : memref<1x32x128xf32, #tpu.memory_space<vmem>> -> memref<32x128xf32, #tpu.memory_space<vmem>>
      %dma_wait3A_1170 = arith.constant 0 : i32
      %dma_wait3A_1171 = tpu.memref_slice %arg4[%dma_wait3A_1170, %multiple_of3A_879] : memref<32x1000000xf32, #tpu.memory_space<hbm>> -> memref<32x128xf32, #tpu.memory_space<hbm>>
      %dma_wait3A_1172 = arith.constant 0 : i32
      %dma_wait3A_1173 = arith.constant 0 : i32
      %dma_wait3A_1174 = tpu.memref_slice %arg11[%dma_wait3A_1165, %dma_wait3A_1172, %dma_wait3A_1173] : memref<8x32x128xf32, #tpu.memory_space<vmem>> -> memref<1x32x128xf32, #tpu.memory_space<vmem>>
      %dma_wait3A_1175 = tpu.memref_squeeze %dma_wait3A_1174 : memref<1x32x128xf32, #tpu.memory_space<vmem>> -> memref<32x128xf32, #tpu.memory_space<vmem>>
      %dma_wait3A_1176 = arith.constant 0 : i32
      %dma_wait3A_1177 = tpu.memref_slice %arg4[%dma_wait3A_1176, %multiple_of3A_879] : memref<32x1000000xf32, #tpu.memory_space<hbm>> -> memref<32x128xf32, #tpu.memory_space<hbm>>
      tpu.wait_dma2 semaphore(%arg16 : memref<!tpu.dma_semaphore, #tpu.memory_space<semaphore_mem>>) src(%dma_wait3A_1177 : memref<32x128xf32, #tpu.memory_space<hbm>>) dst(%dma_wait3A_1175 : memref<32x128xf32, #tpu.memory_space<vmem>>)
      %dma_wait3A_1178 = arith.constant 1 : i32
      %dma_wait3A_1179 = arith.constant 0 : i32
      %dma_wait3A_1180 = arith.constant 0 : i32
      %dma_wait3A_1181 = tpu.memref_slice %arg11[%dma_wait3A_1178, %dma_wait3A_1179, %dma_wait3A_1180] : memref<8x32x128xf32, #tpu.memory_space<vmem>> -> memref<1x32x128xf32, #tpu.memory_space<vmem>>
      %dma_wait3A_1182 = tpu.memref_squeeze %dma_wait3A_1181 : memref<1x32x128xf32, #tpu.memory_space<vmem>> -> memref<32x128xf32, #tpu.memory_space<vmem>>
      %dma_wait3A_1183 = arith.constant 0 : i32
      %dma_wait3A_1184 = tpu.memref_slice %arg4[%dma_wait3A_1183, %multiple_of3A_897] : memref<32x1000000xf32, #tpu.memory_space<hbm>> -> memref<32x128xf32, #tpu.memory_space<hbm>>
      %dma_wait3A_1185 = arith.constant 0 : i32
      %dma_wait3A_1186 = arith.constant 0 : i32
      %dma_wait3A_1187 = tpu.memref_slice %arg11[%dma_wait3A_1178, %dma_wait3A_1185, %dma_wait3A_1186] : memref<8x32x128xf32, #tpu.memory_space<vmem>> -> memref<1x32x128xf32, #tpu.memory_space<vmem>>
      %dma_wait3A_1188 = tpu.memref_squeeze %dma_wait3A_1187 : memref<1x32x128xf32, #tpu.memory_space<vmem>> -> memref<32x128xf32, #tpu.memory_space<vmem>>
      %dma_wait3A_1189 = arith.constant 0 : i32
      %dma_wait3A_1190 = tpu.memref_slice %arg4[%dma_wait3A_1189, %multiple_of3A_897] : memref<32x1000000xf32, #tpu.memory_space<hbm>> -> memref<32x128xf32, #tpu.memory_space<hbm>>
      tpu.wait_dma2 semaphore(%arg16 : memref<!tpu.dma_semaphore, #tpu.memory_space<semaphore_mem>>) src(%dma_wait3A_1190 : memref<32x128xf32, #tpu.memory_space<hbm>>) dst(%dma_wait3A_1188 : memref<32x128xf32, #tpu.memory_space<vmem>>)
      %dma_wait3A_1191 = arith.constant 2 : i32
      %dma_wait3A_1192 = arith.constant 0 : i32
      %dma_wait3A_1193 = arith.constant 0 : i32
      %dma_wait3A_1194 = tpu.memref_slice %arg11[%dma_wait3A_1191, %dma_wait3A_1192, %dma_wait3A_1193] : memref<8x32x128xf32, #tpu.memory_space<vmem>> -> memref<1x32x128xf32, #tpu.memory_space<vmem>>
      %dma_wait3A_1195 = tpu.memref_squeeze %dma_wait3A_1194 : memref<1x32x128xf32, #tpu.memory_space<vmem>> -> memref<32x128xf32, #tpu.memory_space<vmem>>
      %dma_wait3A_1196 = arith.constant 0 : i32
      %dma_wait3A_1197 = tpu.memref_slice %arg4[%dma_wait3A_1196, %multiple_of3A_915] : memref<32x1000000xf32, #tpu.memory_space<hbm>> -> memref<32x128xf32, #tpu.memory_space<hbm>>
      %dma_wait3A_1198 = arith.constant 0 : i32
      %dma_wait3A_1199 = arith.constant 0 : i32
      %dma_wait3A_1200 = tpu.memref_slice %arg11[%dma_wait3A_1191, %dma_wait3A_1198, %dma_wait3A_1199] : memref<8x32x128xf32, #tpu.memory_space<vmem>> -> memref<1x32x128xf32, #tpu.memory_space<vmem>>
      %dma_wait3A_1201 = tpu.memref_squeeze %dma_wait3A_1200 : memref<1x32x128xf32, #tpu.memory_space<vmem>> -> memref<32x128xf32, #tpu.memory_space<vmem>>
      %dma_wait3A_1202 = arith.constant 0 : i32
      %dma_wait3A_1203 = tpu.memref_slice %arg4[%dma_wait3A_1202, %multiple_of3A_915] : memref<32x1000000xf32, #tpu.memory_space<hbm>> -> memref<32x128xf32, #tpu.memory_space<hbm>>
      tpu.wait_dma2 semaphore(%arg16 : memref<!tpu.dma_semaphore, #tpu.memory_space<semaphore_mem>>) src(%dma_wait3A_1203 : memref<32x128xf32, #tpu.memory_space<hbm>>) dst(%dma_wait3A_1201 : memref<32x128xf32, #tpu.memory_space<vmem>>)
      %dma_wait3A_1204 = arith.constant 3 : i32
      %dma_wait3A_1205 = arith.constant 0 : i32
      %dma_wait3A_1206 = arith.constant 0 : i32
      %dma_wait3A_1207 = tpu.memref_slice %arg11[%dma_wait3A_1204, %dma_wait3A_1205, %dma_wait3A_1206] : memref<8x32x128xf32, #tpu.memory_space<vmem>> -> memref<1x32x128xf32, #tpu.memory_space<vmem>>
      %dma_wait3A_1208 = tpu.memref_squeeze %dma_wait3A_1207 : memref<1x32x128xf32, #tpu.memory_space<vmem>> -> memref<32x128xf32, #tpu.memory_space<vmem>>
      %dma_wait3A_1209 = arith.constant 0 : i32
      %dma_wait3A_1210 = tpu.memref_slice %arg4[%dma_wait3A_1209, %multiple_of3A_933] : memref<32x1000000xf32, #tpu.memory_space<hbm>> -> memref<32x128xf32, #tpu.memory_space<hbm>>
      %dma_wait3A_1211 = arith.constant 0 : i32
      %dma_wait3A_1212 = arith.constant 0 : i32
      %dma_wait3A_1213 = tpu.memref_slice %arg11[%dma_wait3A_1204, %dma_wait3A_1211, %dma_wait3A_1212] : memref<8x32x128xf32, #tpu.memory_space<vmem>> -> memref<1x32x128xf32, #tpu.memory_space<vmem>>
      %dma_wait3A_1214 = tpu.memref_squeeze %dma_wait3A_1213 : memref<1x32x128xf32, #tpu.memory_space<vmem>> -> memref<32x128xf32, #tpu.memory_space<vmem>>
      %dma_wait3A_1215 = arith.constant 0 : i32
      %dma_wait3A_1216 = tpu.memref_slice %arg4[%dma_wait3A_1215, %multiple_of3A_933] : memref<32x1000000xf32, #tpu.memory_space<hbm>> -> memref<32x128xf32, #tpu.memory_space<hbm>>
      tpu.wait_dma2 semaphore(%arg16 : memref<!tpu.dma_semaphore, #tpu.memory_space<semaphore_mem>>) src(%dma_wait3A_1216 : memref<32x128xf32, #tpu.memory_space<hbm>>) dst(%dma_wait3A_1214 : memref<32x128xf32, #tpu.memory_space<vmem>>)
      %dma_wait3A_1217 = arith.constant 4 : i32
      %dma_wait3A_1218 = arith.constant 0 : i32
      %dma_wait3A_1219 = arith.constant 0 : i32
      %dma_wait3A_1220 = tpu.memref_slice %arg11[%dma_wait3A_1217, %dma_wait3A_1218, %dma_wait3A_1219] : memref<8x32x128xf32, #tpu.memory_space<vmem>> -> memref<1x32x128xf32, #tpu.memory_space<vmem>>
      %dma_wait3A_1221 = tpu.memref_squeeze %dma_wait3A_1220 : memref<1x32x128xf32, #tpu.memory_space<vmem>> -> memref<32x128xf32, #tpu.memory_space<vmem>>
      %dma_wait3A_1222 = arith.constant 0 : i32
      %dma_wait3A_1223 = tpu.memref_slice %arg4[%dma_wait3A_1222, %multiple_of3A_951] : memref<32x1000000xf32, #tpu.memory_space<hbm>> -> memref<32x128xf32, #tpu.memory_space<hbm>>
      %dma_wait3A_1224 = arith.constant 0 : i32
      %dma_wait3A_1225 = arith.constant 0 : i32
      %dma_wait3A_1226 = tpu.memref_slice %arg11[%dma_wait3A_1217, %dma_wait3A_1224, %dma_wait3A_1225] : memref<8x32x128xf32, #tpu.memory_space<vmem>> -> memref<1x32x128xf32, #tpu.memory_space<vmem>>
      %dma_wait3A_1227 = tpu.memref_squeeze %dma_wait3A_1226 : memref<1x32x128xf32, #tpu.memory_space<vmem>> -> memref<32x128xf32, #tpu.memory_space<vmem>>
      %dma_wait3A_1228 = arith.constant 0 : i32
      %dma_wait3A_1229 = tpu.memref_slice %arg4[%dma_wait3A_1228, %multiple_of3A_951] : memref<32x1000000xf32, #tpu.memory_space<hbm>> -> memref<32x128xf32, #tpu.memory_space<hbm>>
      tpu.wait_dma2 semaphore(%arg16 : memref<!tpu.dma_semaphore, #tpu.memory_space<semaphore_mem>>) src(%dma_wait3A_1229 : memref<32x128xf32, #tpu.memory_space<hbm>>) dst(%dma_wait3A_1227 : memref<32x128xf32, #tpu.memory_space<vmem>>)
      %dma_wait3A_1230 = arith.constant 5 : i32
      %dma_wait3A_1231 = arith.constant 0 : i32
      %dma_wait3A_1232 = arith.constant 0 : i32
      %dma_wait3A_1233 = tpu.memref_slice %arg11[%dma_wait3A_1230, %dma_wait3A_1231, %dma_wait3A_1232] : memref<8x32x128xf32, #tpu.memory_space<vmem>> -> memref<1x32x128xf32, #tpu.memory_space<vmem>>
      %dma_wait3A_1234 = tpu.memref_squeeze %dma_wait3A_1233 : memref<1x32x128xf32, #tpu.memory_space<vmem>> -> memref<32x128xf32, #tpu.memory_space<vmem>>
      %dma_wait3A_1235 = arith.constant 0 : i32
      %dma_wait3A_1236 = tpu.memref_slice %arg4[%dma_wait3A_1235, %multiple_of3A_969] : memref<32x1000000xf32, #tpu.memory_space<hbm>> -> memref<32x128xf32, #tpu.memory_space<hbm>>
      %dma_wait3A_1237 = arith.constant 0 : i32
      %dma_wait3A_1238 = arith.constant 0 : i32
      %dma_wait3A_1239 = tpu.memref_slice %arg11[%dma_wait3A_1230, %dma_wait3A_1237, %dma_wait3A_1238] : memref<8x32x128xf32, #tpu.memory_space<vmem>> -> memref<1x32x128xf32, #tpu.memory_space<vmem>>
      %dma_wait3A_1240 = tpu.memref_squeeze %dma_wait3A_1239 : memref<1x32x128xf32, #tpu.memory_space<vmem>> -> memref<32x128xf32, #tpu.memory_space<vmem>>
      %dma_wait3A_1241 = arith.constant 0 : i32
      %dma_wait3A_1242 = tpu.memref_slice %arg4[%dma_wait3A_1241, %multiple_of3A_969] : memref<32x1000000xf32, #tpu.memory_space<hbm>> -> memref<32x128xf32, #tpu.memory_space<hbm>>
      tpu.wait_dma2 semaphore(%arg16 : memref<!tpu.dma_semaphore, #tpu.memory_space<semaphore_mem>>) src(%dma_wait3A_1242 : memref<32x128xf32, #tpu.memory_space<hbm>>) dst(%dma_wait3A_1240 : memref<32x128xf32, #tpu.memory_space<vmem>>)
      %dma_wait3A_1243 = arith.constant 6 : i32
      %dma_wait3A_1244 = arith.constant 0 : i32
      %dma_wait3A_1245 = arith.constant 0 : i32
      %dma_wait3A_1246 = tpu.memref_slice %arg11[%dma_wait3A_1243, %dma_wait3A_1244, %dma_wait3A_1245] : memref<8x32x128xf32, #tpu.memory_space<vmem>> -> memref<1x32x128xf32, #tpu.memory_space<vmem>>
      %dma_wait3A_1247 = tpu.memref_squeeze %dma_wait3A_1246 : memref<1x32x128xf32, #tpu.memory_space<vmem>> -> memref<32x128xf32, #tpu.memory_space<vmem>>
      %dma_wait3A_1248 = arith.constant 0 : i32
      %dma_wait3A_1249 = tpu.memref_slice %arg4[%dma_wait3A_1248, %multiple_of3A_987] : memref<32x1000000xf32, #tpu.memory_space<hbm>> -> memref<32x128xf32, #tpu.memory_space<hbm>>
      %dma_wait3A_1250 = arith.constant 0 : i32
      %dma_wait3A_1251 = arith.constant 0 : i32
      %dma_wait3A_1252 = tpu.memref_slice %arg11[%dma_wait3A_1243, %dma_wait3A_1250, %dma_wait3A_1251] : memref<8x32x128xf32, #tpu.memory_space<vmem>> -> memref<1x32x128xf32, #tpu.memory_space<vmem>>
      %dma_wait3A_1253 = tpu.memref_squeeze %dma_wait3A_1252 : memref<1x32x128xf32, #tpu.memory_space<vmem>> -> memref<32x128xf32, #tpu.memory_space<vmem>>
      %dma_wait3A_1254 = arith.constant 0 : i32
      %dma_wait3A_1255 = tpu.memref_slice %arg4[%dma_wait3A_1254, %multiple_of3A_987] : memref<32x1000000xf32, #tpu.memory_space<hbm>> -> memref<32x128xf32, #tpu.memory_space<hbm>>
      tpu.wait_dma2 semaphore(%arg16 : memref<!tpu.dma_semaphore, #tpu.memory_space<semaphore_mem>>) src(%dma_wait3A_1255 : memref<32x128xf32, #tpu.memory_space<hbm>>) dst(%dma_wait3A_1253 : memref<32x128xf32, #tpu.memory_space<vmem>>)
      %dma_wait3A_1256 = arith.constant 7 : i32
      %dma_wait3A_1257 = arith.constant 0 : i32
      %dma_wait3A_1258 = arith.constant 0 : i32
      %dma_wait3A_1259 = tpu.memref_slice %arg11[%dma_wait3A_1256, %dma_wait3A_1257, %dma_wait3A_1258] : memref<8x32x128xf32, #tpu.memory_space<vmem>> -> memref<1x32x128xf32, #tpu.memory_space<vmem>>
      %dma_wait3A_1260 = tpu.memref_squeeze %dma_wait3A_1259 : memref<1x32x128xf32, #tpu.memory_space<vmem>> -> memref<32x128xf32, #tpu.memory_space<vmem>>
      %dma_wait3A_1261 = arith.constant 0 : i32
      %dma_wait3A_1262 = tpu.memref_slice %arg4[%dma_wait3A_1261, %multiple_of3A_1005] : memref<32x1000000xf32, #tpu.memory_space<hbm>> -> memref<32x128xf32, #tpu.memory_space<hbm>>
      %dma_wait3A_1263 = arith.constant 0 : i32
      %dma_wait3A_1264 = arith.constant 0 : i32
      %dma_wait3A_1265 = tpu.memref_slice %arg11[%dma_wait3A_1256, %dma_wait3A_1263, %dma_wait3A_1264] : memref<8x32x128xf32, #tpu.memory_space<vmem>> -> memref<1x32x128xf32, #tpu.memory_space<vmem>>
      %dma_wait3A_1266 = tpu.memref_squeeze %dma_wait3A_1265 : memref<1x32x128xf32, #tpu.memory_space<vmem>> -> memref<32x128xf32, #tpu.memory_space<vmem>>
      %dma_wait3A_1267 = arith.constant 0 : i32
      %dma_wait3A_1268 = tpu.memref_slice %arg4[%dma_wait3A_1267, %multiple_of3A_1005] : memref<32x1000000xf32, #tpu.memory_space<hbm>> -> memref<32x128xf32, #tpu.memory_space<hbm>>
      tpu.wait_dma2 semaphore(%arg16 : memref<!tpu.dma_semaphore, #tpu.memory_space<semaphore_mem>>) src(%dma_wait3A_1268 : memref<32x128xf32, #tpu.memory_space<hbm>>) dst(%dma_wait3A_1266 : memref<32x128xf32, #tpu.memory_space<vmem>>)
      %dma_wait3A_1269 = arith.constant 0 : i32
      %dma_wait3A_1270 = arith.constant 0 : i32
      %dma_wait3A_1271 = arith.constant 0 : i32
      %dma_wait3A_1272 = tpu.memref_slice %arg12[%dma_wait3A_1269, %dma_wait3A_1270, %dma_wait3A_1271] : memref<8x32x128xf32, #tpu.memory_space<vmem>> -> memref<1x32x128xf32, #tpu.memory_space<vmem>>
      %dma_wait3A_1273 = tpu.memref_squeeze %dma_wait3A_1272 : memref<1x32x128xf32, #tpu.memory_space<vmem>> -> memref<32x128xf32, #tpu.memory_space<vmem>>
      %dma_wait3A_1274 = arith.constant 0 : i32
      %dma_wait3A_1275 = tpu.memref_slice %arg5[%dma_wait3A_1274, %multiple_of3A_1024] : memref<32x1000000xf32, #tpu.memory_space<hbm>> -> memref<32x128xf32, #tpu.memory_space<hbm>>
      %dma_wait3A_1276 = arith.constant 0 : i32
      %dma_wait3A_1277 = arith.constant 0 : i32
      %dma_wait3A_1278 = tpu.memref_slice %arg12[%dma_wait3A_1269, %dma_wait3A_1276, %dma_wait3A_1277] : memref<8x32x128xf32, #tpu.memory_space<vmem>> -> memref<1x32x128xf32, #tpu.memory_space<vmem>>
      %dma_wait3A_1279 = tpu.memref_squeeze %dma_wait3A_1278 : memref<1x32x128xf32, #tpu.memory_space<vmem>> -> memref<32x128xf32, #tpu.memory_space<vmem>>
      %dma_wait3A_1280 = arith.constant 0 : i32
      %dma_wait3A_1281 = tpu.memref_slice %arg5[%dma_wait3A_1280, %multiple_of3A_1024] : memref<32x1000000xf32, #tpu.memory_space<hbm>> -> memref<32x128xf32, #tpu.memory_space<hbm>>
      tpu.wait_dma2 semaphore(%arg16 : memref<!tpu.dma_semaphore, #tpu.memory_space<semaphore_mem>>) src(%dma_wait3A_1281 : memref<32x128xf32, #tpu.memory_space<hbm>>) dst(%dma_wait3A_1279 : memref<32x128xf32, #tpu.memory_space<vmem>>)
      %dma_wait3A_1282 = arith.constant 1 : i32
      %dma_wait3A_1283 = arith.constant 0 : i32
      %dma_wait3A_1284 = arith.constant 0 : i32
      %dma_wait3A_1285 = tpu.memref_slice %arg12[%dma_wait3A_1282, %dma_wait3A_1283, %dma_wait3A_1284] : memref<8x32x128xf32, #tpu.memory_space<vmem>> -> memref<1x32x128xf32, #tpu.memory_space<vmem>>
      %dma_wait3A_1286 = tpu.memref_squeeze %dma_wait3A_1285 : memref<1x32x128xf32, #tpu.memory_space<vmem>> -> memref<32x128xf32, #tpu.memory_space<vmem>>
      %dma_wait3A_1287 = arith.constant 0 : i32
      %dma_wait3A_1288 = tpu.memref_slice %arg5[%dma_wait3A_1287, %multiple_of3A_1042] : memref<32x1000000xf32, #tpu.memory_space<hbm>> -> memref<32x128xf32, #tpu.memory_space<hbm>>
      %dma_wait3A_1289 = arith.constant 0 : i32
      %dma_wait3A_1290 = arith.constant 0 : i32
      %dma_wait3A_1291 = tpu.memref_slice %arg12[%dma_wait3A_1282, %dma_wait3A_1289, %dma_wait3A_1290] : memref<8x32x128xf32, #tpu.memory_space<vmem>> -> memref<1x32x128xf32, #tpu.memory_space<vmem>>
      %dma_wait3A_1292 = tpu.memref_squeeze %dma_wait3A_1291 : memref<1x32x128xf32, #tpu.memory_space<vmem>> -> memref<32x128xf32, #tpu.memory_space<vmem>>
      %dma_wait3A_1293 = arith.constant 0 : i32
      %dma_wait3A_1294 = tpu.memref_slice %arg5[%dma_wait3A_1293, %multiple_of3A_1042] : memref<32x1000000xf32, #tpu.memory_space<hbm>> -> memref<32x128xf32, #tpu.memory_space<hbm>>
      tpu.wait_dma2 semaphore(%arg16 : memref<!tpu.dma_semaphore, #tpu.memory_space<semaphore_mem>>) src(%dma_wait3A_1294 : memref<32x128xf32, #tpu.memory_space<hbm>>) dst(%dma_wait3A_1292 : memref<32x128xf32, #tpu.memory_space<vmem>>)
      %dma_wait3A_1295 = arith.constant 2 : i32
      %dma_wait3A_1296 = arith.constant 0 : i32
      %dma_wait3A_1297 = arith.constant 0 : i32
      %dma_wait3A_1298 = tpu.memref_slice %arg12[%dma_wait3A_1295, %dma_wait3A_1296, %dma_wait3A_1297] : memref<8x32x128xf32, #tpu.memory_space<vmem>> -> memref<1x32x128xf32, #tpu.memory_space<vmem>>
      %dma_wait3A_1299 = tpu.memref_squeeze %dma_wait3A_1298 : memref<1x32x128xf32, #tpu.memory_space<vmem>> -> memref<32x128xf32, #tpu.memory_space<vmem>>
      %dma_wait3A_1300 = arith.constant 0 : i32
      %dma_wait3A_1301 = tpu.memref_slice %arg5[%dma_wait3A_1300, %multiple_of3A_1060] : memref<32x1000000xf32, #tpu.memory_space<hbm>> -> memref<32x128xf32, #tpu.memory_space<hbm>>
      %dma_wait3A_1302 = arith.constant 0 : i32
      %dma_wait3A_1303 = arith.constant 0 : i32
      %dma_wait3A_1304 = tpu.memref_slice %arg12[%dma_wait3A_1295, %dma_wait3A_1302, %dma_wait3A_1303] : memref<8x32x128xf32, #tpu.memory_space<vmem>> -> memref<1x32x128xf32, #tpu.memory_space<vmem>>
      %dma_wait3A_1305 = tpu.memref_squeeze %dma_wait3A_1304 : memref<1x32x128xf32, #tpu.memory_space<vmem>> -> memref<32x128xf32, #tpu.memory_space<vmem>>
      %dma_wait3A_1306 = arith.constant 0 : i32
      %dma_wait3A_1307 = tpu.memref_slice %arg5[%dma_wait3A_1306, %multiple_of3A_1060] : memref<32x1000000xf32, #tpu.memory_space<hbm>> -> memref<32x128xf32, #tpu.memory_space<hbm>>
      tpu.wait_dma2 semaphore(%arg16 : memref<!tpu.dma_semaphore, #tpu.memory_space<semaphore_mem>>) src(%dma_wait3A_1307 : memref<32x128xf32, #tpu.memory_space<hbm>>) dst(%dma_wait3A_1305 : memref<32x128xf32, #tpu.memory_space<vmem>>)
      %dma_wait3A_1308 = arith.constant 3 : i32
      %dma_wait3A_1309 = arith.constant 0 : i32
      %dma_wait3A_1310 = arith.constant 0 : i32
      %dma_wait3A_1311 = tpu.memref_slice %arg12[%dma_wait3A_1308, %dma_wait3A_1309, %dma_wait3A_1310] : memref<8x32x128xf32, #tpu.memory_space<vmem>> -> memref<1x32x128xf32, #tpu.memory_space<vmem>>
      %dma_wait3A_1312 = tpu.memref_squeeze %dma_wait3A_1311 : memref<1x32x128xf32, #tpu.memory_space<vmem>> -> memref<32x128xf32, #tpu.memory_space<vmem>>
      %dma_wait3A_1313 = arith.constant 0 : i32
      %dma_wait3A_1314 = tpu.memref_slice %arg5[%dma_wait3A_1313, %multiple_of3A_1078] : memref<32x1000000xf32, #tpu.memory_space<hbm>> -> memref<32x128xf32, #tpu.memory_space<hbm>>
      %dma_wait3A_1315 = arith.constant 0 : i32
      %dma_wait3A_1316 = arith.constant 0 : i32
      %dma_wait3A_1317 = tpu.memref_slice %arg12[%dma_wait3A_1308, %dma_wait3A_1315, %dma_wait3A_1316] : memref<8x32x128xf32, #tpu.memory_space<vmem>> -> memref<1x32x128xf32, #tpu.memory_space<vmem>>
      %dma_wait3A_1318 = tpu.memref_squeeze %dma_wait3A_1317 : memref<1x32x128xf32, #tpu.memory_space<vmem>> -> memref<32x128xf32, #tpu.memory_space<vmem>>
      %dma_wait3A_1319 = arith.constant 0 : i32
      %dma_wait3A_1320 = tpu.memref_slice %arg5[%dma_wait3A_1319, %multiple_of3A_1078] : memref<32x1000000xf32, #tpu.memory_space<hbm>> -> memref<32x128xf32, #tpu.memory_space<hbm>>
      tpu.wait_dma2 semaphore(%arg16 : memref<!tpu.dma_semaphore, #tpu.memory_space<semaphore_mem>>) src(%dma_wait3A_1320 : memref<32x128xf32, #tpu.memory_space<hbm>>) dst(%dma_wait3A_1318 : memref<32x128xf32, #tpu.memory_space<vmem>>)
      %dma_wait3A_1321 = arith.constant 4 : i32
      %dma_wait3A_1322 = arith.constant 0 : i32
      %dma_wait3A_1323 = arith.constant 0 : i32
      %dma_wait3A_1324 = tpu.memref_slice %arg12[%dma_wait3A_1321, %dma_wait3A_1322, %dma_wait3A_1323] : memref<8x32x128xf32, #tpu.memory_space<vmem>> -> memref<1x32x128xf32, #tpu.memory_space<vmem>>
      %dma_wait3A_1325 = tpu.memref_squeeze %dma_wait3A_1324 : memref<1x32x128xf32, #tpu.memory_space<vmem>> -> memref<32x128xf32, #tpu.memory_space<vmem>>
      %dma_wait3A_1326 = arith.constant 0 : i32
      %dma_wait3A_1327 = tpu.memref_slice %arg5[%dma_wait3A_1326, %multiple_of3A_1096] : memref<32x1000000xf32, #tpu.memory_space<hbm>> -> memref<32x128xf32, #tpu.memory_space<hbm>>
      %dma_wait3A_1328 = arith.constant 0 : i32
      %dma_wait3A_1329 = arith.constant 0 : i32
      %dma_wait3A_1330 = tpu.memref_slice %arg12[%dma_wait3A_1321, %dma_wait3A_1328, %dma_wait3A_1329] : memref<8x32x128xf32, #tpu.memory_space<vmem>> -> memref<1x32x128xf32, #tpu.memory_space<vmem>>
      %dma_wait3A_1331 = tpu.memref_squeeze %dma_wait3A_1330 : memref<1x32x128xf32, #tpu.memory_space<vmem>> -> memref<32x128xf32, #tpu.memory_space<vmem>>
      %dma_wait3A_1332 = arith.constant 0 : i32
      %dma_wait3A_1333 = tpu.memref_slice %arg5[%dma_wait3A_1332, %multiple_of3A_1096] : memref<32x1000000xf32, #tpu.memory_space<hbm>> -> memref<32x128xf32, #tpu.memory_space<hbm>>
      tpu.wait_dma2 semaphore(%arg16 : memref<!tpu.dma_semaphore, #tpu.memory_space<semaphore_mem>>) src(%dma_wait3A_1333 : memref<32x128xf32, #tpu.memory_space<hbm>>) dst(%dma_wait3A_1331 : memref<32x128xf32, #tpu.memory_space<vmem>>)
      %dma_wait3A_1334 = arith.constant 5 : i32
      %dma_wait3A_1335 = arith.constant 0 : i32
      %dma_wait3A_1336 = arith.constant 0 : i32
      %dma_wait3A_1337 = tpu.memref_slice %arg12[%dma_wait3A_1334, %dma_wait3A_1335, %dma_wait3A_1336] : memref<8x32x128xf32, #tpu.memory_space<vmem>> -> memref<1x32x128xf32, #tpu.memory_space<vmem>>
      %dma_wait3A_1338 = tpu.memref_squeeze %dma_wait3A_1337 : memref<1x32x128xf32, #tpu.memory_space<vmem>> -> memref<32x128xf32, #tpu.memory_space<vmem>>
      %dma_wait3A_1339 = arith.constant 0 : i32
      %dma_wait3A_1340 = tpu.memref_slice %arg5[%dma_wait3A_1339, %multiple_of3A_1114] : memref<32x1000000xf32, #tpu.memory_space<hbm>> -> memref<32x128xf32, #tpu.memory_space<hbm>>
      %dma_wait3A_1341 = arith.constant 0 : i32
      %dma_wait3A_1342 = arith.constant 0 : i32
      %dma_wait3A_1343 = tpu.memref_slice %arg12[%dma_wait3A_1334, %dma_wait3A_1341, %dma_wait3A_1342] : memref<8x32x128xf32, #tpu.memory_space<vmem>> -> memref<1x32x128xf32, #tpu.memory_space<vmem>>
      %dma_wait3A_1344 = tpu.memref_squeeze %dma_wait3A_1343 : memref<1x32x128xf32, #tpu.memory_space<vmem>> -> memref<32x128xf32, #tpu.memory_space<vmem>>
      %dma_wait3A_1345 = arith.constant 0 : i32
      %dma_wait3A_1346 = tpu.memref_slice %arg5[%dma_wait3A_1345, %multiple_of3A_1114] : memref<32x1000000xf32, #tpu.memory_space<hbm>> -> memref<32x128xf32, #tpu.memory_space<hbm>>
      tpu.wait_dma2 semaphore(%arg16 : memref<!tpu.dma_semaphore, #tpu.memory_space<semaphore_mem>>) src(%dma_wait3A_1346 : memref<32x128xf32, #tpu.memory_space<hbm>>) dst(%dma_wait3A_1344 : memref<32x128xf32, #tpu.memory_space<vmem>>)
      %dma_wait3A_1347 = arith.constant 6 : i32
      %dma_wait3A_1348 = arith.constant 0 : i32
      %dma_wait3A_1349 = arith.constant 0 : i32
      %dma_wait3A_1350 = tpu.memref_slice %arg12[%dma_wait3A_1347, %dma_wait3A_1348, %dma_wait3A_1349] : memref<8x32x128xf32, #tpu.memory_space<vmem>> -> memref<1x32x128xf32, #tpu.memory_space<vmem>>
      %dma_wait3A_1351 = tpu.memref_squeeze %dma_wait3A_1350 : memref<1x32x128xf32, #tpu.memory_space<vmem>> -> memref<32x128xf32, #tpu.memory_space<vmem>>
      %dma_wait3A_1352 = arith.constant 0 : i32
      %dma_wait3A_1353 = tpu.memref_slice %arg5[%dma_wait3A_1352, %multiple_of3A_1132] : memref<32x1000000xf32, #tpu.memory_space<hbm>> -> memref<32x128xf32, #tpu.memory_space<hbm>>
      %dma_wait3A_1354 = arith.constant 0 : i32
      %dma_wait3A_1355 = arith.constant 0 : i32
      %dma_wait3A_1356 = tpu.memref_slice %arg12[%dma_wait3A_1347, %dma_wait3A_1354, %dma_wait3A_1355] : memref<8x32x128xf32, #tpu.memory_space<vmem>> -> memref<1x32x128xf32, #tpu.memory_space<vmem>>
      %dma_wait3A_1357 = tpu.memref_squeeze %dma_wait3A_1356 : memref<1x32x128xf32, #tpu.memory_space<vmem>> -> memref<32x128xf32, #tpu.memory_space<vmem>>
      %dma_wait3A_1358 = arith.constant 0 : i32
      %dma_wait3A_1359 = tpu.memref_slice %arg5[%dma_wait3A_1358, %multiple_of3A_1132] : memref<32x1000000xf32, #tpu.memory_space<hbm>> -> memref<32x128xf32, #tpu.memory_space<hbm>>
      tpu.wait_dma2 semaphore(%arg16 : memref<!tpu.dma_semaphore, #tpu.memory_space<semaphore_mem>>) src(%dma_wait3A_1359 : memref<32x128xf32, #tpu.memory_space<hbm>>) dst(%dma_wait3A_1357 : memref<32x128xf32, #tpu.memory_space<vmem>>)
      %dma_wait3A_1360 = arith.constant 7 : i32
      %dma_wait3A_1361 = arith.constant 0 : i32
      %dma_wait3A_1362 = arith.constant 0 : i32
      %dma_wait3A_1363 = tpu.memref_slice %arg12[%dma_wait3A_1360, %dma_wait3A_1361, %dma_wait3A_1362] : memref<8x32x128xf32, #tpu.memory_space<vmem>> -> memref<1x32x128xf32, #tpu.memory_space<vmem>>
      %dma_wait3A_1364 = tpu.memref_squeeze %dma_wait3A_1363 : memref<1x32x128xf32, #tpu.memory_space<vmem>> -> memref<32x128xf32, #tpu.memory_space<vmem>>
      %dma_wait3A_1365 = arith.constant 0 : i32
      %dma_wait3A_1366 = tpu.memref_slice %arg5[%dma_wait3A_1365, %multiple_of3A_1150] : memref<32x1000000xf32, #tpu.memory_space<hbm>> -> memref<32x128xf32, #tpu.memory_space<hbm>>
      %dma_wait3A_1367 = arith.constant 0 : i32
      %dma_wait3A_1368 = arith.constant 0 : i32
      %dma_wait3A_1369 = tpu.memref_slice %arg12[%dma_wait3A_1360, %dma_wait3A_1367, %dma_wait3A_1368] : memref<8x32x128xf32, #tpu.memory_space<vmem>> -> memref<1x32x128xf32, #tpu.memory_space<vmem>>
      %dma_wait3A_1370 = tpu.memref_squeeze %dma_wait3A_1369 : memref<1x32x128xf32, #tpu.memory_space<vmem>> -> memref<32x128xf32, #tpu.memory_space<vmem>>
      %dma_wait3A_1371 = arith.constant 0 : i32
      %dma_wait3A_1372 = tpu.memref_slice %arg5[%dma_wait3A_1371, %multiple_of3A_1150] : memref<32x1000000xf32, #tpu.memory_space<hbm>> -> memref<32x128xf32, #tpu.memory_space<hbm>>
      tpu.wait_dma2 semaphore(%arg16 : memref<!tpu.dma_semaphore, #tpu.memory_space<semaphore_mem>>) src(%dma_wait3A_1372 : memref<32x128xf32, #tpu.memory_space<hbm>>) dst(%dma_wait3A_1370 : memref<32x128xf32, #tpu.memory_space<vmem>>)
      %broadcast_in_dim3A_1373 = arith.constant 0.000000e+00 : f32
      %broadcast_in_dim3A_1374 = vector.broadcast %broadcast_in_dim3A_1373 : f32 to vector<16xf32>
      %add3A_1375 = arith.constant 0 : i32
      %add3A_1376 = vector.broadcast %add3A_1375 : i32 to vector<16xi32>
      %add3A_1377 = arith.addi %add3A_1376, %shift_right_logical3A_14 : vector<16xi32>
      %gather3A_1378 = tpu.vector_load_idx %arg11[%and3A, %add3A_1377, %and3A_1019] : memref<8x32x128xf32, #tpu.memory_space<vmem>>[vector<16xi32>, vector<16xi32>, vector<16xi32>], vector<16xf32>,
      %gather3A_1379 = tpu.vector_load_idx %arg12[%and3A, %add3A_1377, %and3A_1164] : memref<8x32x128xf32, #tpu.memory_space<vmem>>[vector<16xi32>, vector<16xi32>, vector<16xi32>], vector<16xf32>,
      %slice3A_1380 = vector.extract_strided_slice %get3A_5 {offsets = [0], sizes = [1], strides = [1]} : vector<16xf32> to vector<1xf32>
      %squeeze3A_1381 = vector.extract %slice3A_1380[0] : f32 from vector<1xf32>
      %slice3A_1382 = vector.extract_strided_slice %get3A_5 {offsets = [1], sizes = [1], strides = [1]} : vector<16xf32> to vector<1xf32>
      %squeeze3A_1383 = vector.extract %slice3A_1382[0] : f32 from vector<1xf32>
      %eq3A_1384 = arith.constant 0 : i32
      %eq3A_1385 = vector.broadcast %eq3A_1384 : i32 to vector<16xi32>
      %eq3A_1386 = arith.cmpi eq, %shift_right_logical3A_14, %eq3A_1385 : vector<16xi32>
      %broadcast_in_dim3A_1387 = vector.broadcast %squeeze3A_1381 : f32 to vector<16xf32>
      %broadcast_in_dim3A_1388 = vector.broadcast %squeeze3A_1383 : f32 to vector<16xf32>
      %select_n3A_1389 = arith.select %eq3A_1386, %broadcast_in_dim3A_1387, %broadcast_in_dim3A_1388 : vector<16xi1>, vector<16xf32>
      %mul3A_1390 = arith.mulf %gather3A_1378, %gather3A_1379 : vector<16xf32>
      %mul3A_1391 = arith.mulf %mul3A_1390, %select_n3A_1389 : vector<16xf32>
      %add3A_1392 = arith.addf %broadcast_in_dim3A_1374, %mul3A_1391 : vector<16xf32>
      %add3A_1393 = arith.constant 2 : i32
      %add3A_1394 = vector.broadcast %add3A_1393 : i32 to vector<16xi32>
      %add3A_1395 = arith.addi %add3A_1394, %shift_right_logical3A_14 : vector<16xi32>
      %gather3A_1396 = tpu.vector_load_idx %arg11[%and3A, %add3A_1395, %and3A_1019] : memref<8x32x128xf32, #tpu.memory_space<vmem>>[vector<16xi32>, vector<16xi32>, vector<16xi32>], vector<16xf32>,
      %gather3A_1397 = tpu.vector_load_idx %arg12[%and3A, %add3A_1395, %and3A_1164] : memref<8x32x128xf32, #tpu.memory_space<vmem>>[vector<16xi32>, vector<16xi32>, vector<16xi32>], vector<16xf32>,
      %slice3A_1398 = vector.extract_strided_slice %get3A_5 {offsets = [2], sizes = [1], strides = [1]} : vector<16xf32> to vector<1xf32>
      %squeeze3A_1399 = vector.extract %slice3A_1398[0] : f32 from vector<1xf32>
      %slice3A_1400 = vector.extract_strided_slice %get3A_5 {offsets = [3], sizes = [1], strides = [1]} : vector<16xf32> to vector<1xf32>
      %squeeze3A_1401 = vector.extract %slice3A_1400[0] : f32 from vector<1xf32>
      %eq3A_1402 = arith.constant 0 : i32
      %eq3A_1403 = vector.broadcast %eq3A_1402 : i32 to vector<16xi32>
      %eq3A_1404 = arith.cmpi eq, %shift_right_logical3A_14, %eq3A_1403 : vector<16xi32>
      %broadcast_in_dim3A_1405 = vector.broadcast %squeeze3A_1399 : f32 to vector<16xf32>
      %broadcast_in_dim3A_1406 = vector.broadcast %squeeze3A_1401 : f32 to vector<16xf32>
      %select_n3A_1407 = arith.select %eq3A_1404, %broadcast_in_dim3A_1405, %broadcast_in_dim3A_1406 : vector<16xi1>, vector<16xf32>
      %mul3A_1408 = arith.mulf %gather3A_1396, %gather3A_1397 : vector<16xf32>
      %mul3A_1409 = arith.mulf %mul3A_1408, %select_n3A_1407 : vector<16xf32>
      %add3A_1410 = arith.addf %add3A_1392, %mul3A_1409 : vector<16xf32>
      %add3A_1411 = arith.constant 4 : i32
      %add3A_1412 = vector.broadcast %add3A_1411 : i32 to vector<16xi32>
      %add3A_1413 = arith.addi %add3A_1412, %shift_right_logical3A_14 : vector<16xi32>
      %gather3A_1414 = tpu.vector_load_idx %arg11[%and3A, %add3A_1413, %and3A_1019] : memref<8x32x128xf32, #tpu.memory_space<vmem>>[vector<16xi32>, vector<16xi32>, vector<16xi32>], vector<16xf32>,
      %gather3A_1415 = tpu.vector_load_idx %arg12[%and3A, %add3A_1413, %and3A_1164] : memref<8x32x128xf32, #tpu.memory_space<vmem>>[vector<16xi32>, vector<16xi32>, vector<16xi32>], vector<16xf32>,
      %slice3A_1416 = vector.extract_strided_slice %get3A_5 {offsets = [4], sizes = [1], strides = [1]} : vector<16xf32> to vector<1xf32>
      %squeeze3A_1417 = vector.extract %slice3A_1416[0] : f32 from vector<1xf32>
      %slice3A_1418 = vector.extract_strided_slice %get3A_5 {offsets = [5], sizes = [1], strides = [1]} : vector<16xf32> to vector<1xf32>
      %squeeze3A_1419 = vector.extract %slice3A_1418[0] : f32 from vector<1xf32>
      %eq3A_1420 = arith.constant 0 : i32
      %eq3A_1421 = vector.broadcast %eq3A_1420 : i32 to vector<16xi32>
      %eq3A_1422 = arith.cmpi eq, %shift_right_logical3A_14, %eq3A_1421 : vector<16xi32>
      %broadcast_in_dim3A_1423 = vector.broadcast %squeeze3A_1417 : f32 to vector<16xf32>
      %broadcast_in_dim3A_1424 = vector.broadcast %squeeze3A_1419 : f32 to vector<16xf32>
      %select_n3A_1425 = arith.select %eq3A_1422, %broadcast_in_dim3A_1423, %broadcast_in_dim3A_1424 : vector<16xi1>, vector<16xf32>
      %mul3A_1426 = arith.mulf %gather3A_1414, %gather3A_1415 : vector<16xf32>
      %mul3A_1427 = arith.mulf %mul3A_1426, %select_n3A_1425 : vector<16xf32>
      %add3A_1428 = arith.addf %add3A_1410, %mul3A_1427 : vector<16xf32>
      %add3A_1429 = arith.constant 6 : i32
      %add3A_1430 = vector.broadcast %add3A_1429 : i32 to vector<16xi32>
      %add3A_1431 = arith.addi %add3A_1430, %shift_right_logical3A_14 : vector<16xi32>
      %gather3A_1432 = tpu.vector_load_idx %arg11[%and3A, %add3A_1431, %and3A_1019] : memref<8x32x128xf32, #tpu.memory_space<vmem>>[vector<16xi32>, vector<16xi32>, vector<16xi32>], vector<16xf32>,
      %gather3A_1433 = tpu.vector_load_idx %arg12[%and3A, %add3A_1431, %and3A_1164] : memref<8x32x128xf32, #tpu.memory_space<vmem>>[vector<16xi32>, vector<16xi32>, vector<16xi32>], vector<16xf32>,
      %slice3A_1434 = vector.extract_strided_slice %get3A_5 {offsets = [6], sizes = [1], strides = [1]} : vector<16xf32> to vector<1xf32>
      %squeeze3A_1435 = vector.extract %slice3A_1434[0] : f32 from vector<1xf32>
      %slice3A_1436 = vector.extract_strided_slice %get3A_5 {offsets = [7], sizes = [1], strides = [1]} : vector<16xf32> to vector<1xf32>
      %squeeze3A_1437 = vector.extract %slice3A_1436[0] : f32 from vector<1xf32>
      %eq3A_1438 = arith.constant 0 : i32
      %eq3A_1439 = vector.broadcast %eq3A_1438 : i32 to vector<16xi32>
      %eq3A_1440 = arith.cmpi eq, %shift_right_logical3A_14, %eq3A_1439 : vector<16xi32>
      %broadcast_in_dim3A_1441 = vector.broadcast %squeeze3A_1435 : f32 to vector<16xf32>
      %broadcast_in_dim3A_1442 = vector.broadcast %squeeze3A_1437 : f32 to vector<16xf32>
      %select_n3A_1443 = arith.select %eq3A_1440, %broadcast_in_dim3A_1441, %broadcast_in_dim3A_1442 : vector<16xi1>, vector<16xf32>
      %mul3A_1444 = arith.mulf %gather3A_1432, %gather3A_1433 : vector<16xf32>
      %mul3A_1445 = arith.mulf %mul3A_1444, %select_n3A_1443 : vector<16xf32>
      %add3A_1446 = arith.addf %add3A_1428, %mul3A_1445 : vector<16xf32>
      %add3A_1447 = arith.constant 8 : i32
      %add3A_1448 = vector.broadcast %add3A_1447 : i32 to vector<16xi32>
      %add3A_1449 = arith.addi %add3A_1448, %shift_right_logical3A_14 : vector<16xi32>
      %gather3A_1450 = tpu.vector_load_idx %arg11[%and3A, %add3A_1449, %and3A_1019] : memref<8x32x128xf32, #tpu.memory_space<vmem>>[vector<16xi32>, vector<16xi32>, vector<16xi32>], vector<16xf32>,
      %gather3A_1451 = tpu.vector_load_idx %arg12[%and3A, %add3A_1449, %and3A_1164] : memref<8x32x128xf32, #tpu.memory_space<vmem>>[vector<16xi32>, vector<16xi32>, vector<16xi32>], vector<16xf32>,
      %slice3A_1452 = vector.extract_strided_slice %get3A_5 {offsets = [8], sizes = [1], strides = [1]} : vector<16xf32> to vector<1xf32>
      %squeeze3A_1453 = vector.extract %slice3A_1452[0] : f32 from vector<1xf32>
      %slice3A_1454 = vector.extract_strided_slice %get3A_5 {offsets = [9], sizes = [1], strides = [1]} : vector<16xf32> to vector<1xf32>
      %squeeze3A_1455 = vector.extract %slice3A_1454[0] : f32 from vector<1xf32>
      %eq3A_1456 = arith.constant 0 : i32
      %eq3A_1457 = vector.broadcast %eq3A_1456 : i32 to vector<16xi32>
      %eq3A_1458 = arith.cmpi eq, %shift_right_logical3A_14, %eq3A_1457 : vector<16xi32>
      %broadcast_in_dim3A_1459 = vector.broadcast %squeeze3A_1453 : f32 to vector<16xf32>
      %broadcast_in_dim3A_1460 = vector.broadcast %squeeze3A_1455 : f32 to vector<16xf32>
      %select_n3A_1461 = arith.select %eq3A_1458, %broadcast_in_dim3A_1459, %broadcast_in_dim3A_1460 : vector<16xi1>, vector<16xf32>
      %mul3A_1462 = arith.mulf %gather3A_1450, %gather3A_1451 : vector<16xf32>
      %mul3A_1463 = arith.mulf %mul3A_1462, %select_n3A_1461 : vector<16xf32>
      %add3A_1464 = arith.addf %add3A_1446, %mul3A_1463 : vector<16xf32>
      %add3A_1465 = arith.constant 10 : i32
      %add3A_1466 = vector.broadcast %add3A_1465 : i32 to vector<16xi32>
      %add3A_1467 = arith.addi %add3A_1466, %shift_right_logical3A_14 : vector<16xi32>
      %gather3A_1468 = tpu.vector_load_idx %arg11[%and3A, %add3A_1467, %and3A_1019] : memref<8x32x128xf32, #tpu.memory_space<vmem>>[vector<16xi32>, vector<16xi32>, vector<16xi32>], vector<16xf32>,
      %gather3A_1469 = tpu.vector_load_idx %arg12[%and3A, %add3A_1467, %and3A_1164] : memref<8x32x128xf32, #tpu.memory_space<vmem>>[vector<16xi32>, vector<16xi32>, vector<16xi32>], vector<16xf32>,
      %slice3A_1470 = vector.extract_strided_slice %get3A_5 {offsets = [10], sizes = [1], strides = [1]} : vector<16xf32> to vector<1xf32>
      %squeeze3A_1471 = vector.extract %slice3A_1470[0] : f32 from vector<1xf32>
      %slice3A_1472 = vector.extract_strided_slice %get3A_5 {offsets = [11], sizes = [1], strides = [1]} : vector<16xf32> to vector<1xf32>
      %squeeze3A_1473 = vector.extract %slice3A_1472[0] : f32 from vector<1xf32>
      %eq3A_1474 = arith.constant 0 : i32
      %eq3A_1475 = vector.broadcast %eq3A_1474 : i32 to vector<16xi32>
      %eq3A_1476 = arith.cmpi eq, %shift_right_logical3A_14, %eq3A_1475 : vector<16xi32>
      %broadcast_in_dim3A_1477 = vector.broadcast %squeeze3A_1471 : f32 to vector<16xf32>
      %broadcast_in_dim3A_1478 = vector.broadcast %squeeze3A_1473 : f32 to vector<16xf32>
      %select_n3A_1479 = arith.select %eq3A_1476, %broadcast_in_dim3A_1477, %broadcast_in_dim3A_1478 : vector<16xi1>, vector<16xf32>
      %mul3A_1480 = arith.mulf %gather3A_1468, %gather3A_1469 : vector<16xf32>
      %mul3A_1481 = arith.mulf %mul3A_1480, %select_n3A_1479 : vector<16xf32>
      %add3A_1482 = arith.addf %add3A_1464, %mul3A_1481 : vector<16xf32>
      %add3A_1483 = arith.constant 12 : i32
      %add3A_1484 = vector.broadcast %add3A_1483 : i32 to vector<16xi32>
      %add3A_1485 = arith.addi %add3A_1484, %shift_right_logical3A_14 : vector<16xi32>
      %gather3A_1486 = tpu.vector_load_idx %arg11[%and3A, %add3A_1485, %and3A_1019] : memref<8x32x128xf32, #tpu.memory_space<vmem>>[vector<16xi32>, vector<16xi32>, vector<16xi32>], vector<16xf32>,
      %gather3A_1487 = tpu.vector_load_idx %arg12[%and3A, %add3A_1485, %and3A_1164] : memref<8x32x128xf32, #tpu.memory_space<vmem>>[vector<16xi32>, vector<16xi32>, vector<16xi32>], vector<16xf32>,
      %slice3A_1488 = vector.extract_strided_slice %get3A_5 {offsets = [12], sizes = [1], strides = [1]} : vector<16xf32> to vector<1xf32>
      %squeeze3A_1489 = vector.extract %slice3A_1488[0] : f32 from vector<1xf32>
      %slice3A_1490 = vector.extract_strided_slice %get3A_5 {offsets = [13], sizes = [1], strides = [1]} : vector<16xf32> to vector<1xf32>
      %squeeze3A_1491 = vector.extract %slice3A_1490[0] : f32 from vector<1xf32>
      %eq3A_1492 = arith.constant 0 : i32
      %eq3A_1493 = vector.broadcast %eq3A_1492 : i32 to vector<16xi32>
      %eq3A_1494 = arith.cmpi eq, %shift_right_logical3A_14, %eq3A_1493 : vector<16xi32>
      %broadcast_in_dim3A_1495 = vector.broadcast %squeeze3A_1489 : f32 to vector<16xf32>
      %broadcast_in_dim3A_1496 = vector.broadcast %squeeze3A_1491 : f32 to vector<16xf32>
      %select_n3A_1497 = arith.select %eq3A_1494, %broadcast_in_dim3A_1495, %broadcast_in_dim3A_1496 : vector<16xi1>, vector<16xf32>
      %mul3A_1498 = arith.mulf %gather3A_1486, %gather3A_1487 : vector<16xf32>
      %mul3A_1499 = arith.mulf %mul3A_1498, %select_n3A_1497 : vector<16xf32>
      %add3A_1500 = arith.addf %add3A_1482, %mul3A_1499 : vector<16xf32>
      %add3A_1501 = arith.constant 14 : i32
      %add3A_1502 = vector.broadcast %add3A_1501 : i32 to vector<16xi32>
      %add3A_1503 = arith.addi %add3A_1502, %shift_right_logical3A_14 : vector<16xi32>
      %gather3A_1504 = tpu.vector_load_idx %arg11[%and3A, %add3A_1503, %and3A_1019] : memref<8x32x128xf32, #tpu.memory_space<vmem>>[vector<16xi32>, vector<16xi32>, vector<16xi32>], vector<16xf32>,
      %gather3A_1505 = tpu.vector_load_idx %arg12[%and3A, %add3A_1503, %and3A_1164] : memref<8x32x128xf32, #tpu.memory_space<vmem>>[vector<16xi32>, vector<16xi32>, vector<16xi32>], vector<16xf32>,
      %slice3A_1506 = vector.extract_strided_slice %get3A_5 {offsets = [14], sizes = [1], strides = [1]} : vector<16xf32> to vector<1xf32>
      %squeeze3A_1507 = vector.extract %slice3A_1506[0] : f32 from vector<1xf32>
      %slice3A_1508 = vector.extract_strided_slice %get3A_5 {offsets = [15], sizes = [1], strides = [1]} : vector<16xf32> to vector<1xf32>
      %squeeze3A_1509 = vector.extract %slice3A_1508[0] : f32 from vector<1xf32>
      %eq3A_1510 = arith.constant 0 : i32
      %eq3A_1511 = vector.broadcast %eq3A_1510 : i32 to vector<16xi32>
      %eq3A_1512 = arith.cmpi eq, %shift_right_logical3A_14, %eq3A_1511 : vector<16xi32>
      %broadcast_in_dim3A_1513 = vector.broadcast %squeeze3A_1507 : f32 to vector<16xf32>
      %broadcast_in_dim3A_1514 = vector.broadcast %squeeze3A_1509 : f32 to vector<16xf32>
      %select_n3A_1515 = arith.select %eq3A_1512, %broadcast_in_dim3A_1513, %broadcast_in_dim3A_1514 : vector<16xi1>, vector<16xf32>
      %mul3A_1516 = arith.mulf %gather3A_1504, %gather3A_1505 : vector<16xf32>
      %mul3A_1517 = arith.mulf %mul3A_1516, %select_n3A_1515 : vector<16xf32>
      %add3A_1518 = arith.addf %add3A_1500, %mul3A_1517 : vector<16xf32>
      %add3A_1519 = arith.constant 16 : i32
      %add3A_1520 = vector.broadcast %add3A_1519 : i32 to vector<16xi32>
      %add3A_1521 = arith.addi %add3A_1520, %shift_right_logical3A_14 : vector<16xi32>
      %gather3A_1522 = tpu.vector_load_idx %arg11[%and3A, %add3A_1521, %and3A_1019] : memref<8x32x128xf32, #tpu.memory_space<vmem>>[vector<16xi32>, vector<16xi32>, vector<16xi32>], vector<16xf32>,
      %gather3A_1523 = tpu.vector_load_idx %arg12[%and3A, %add3A_1521, %and3A_1164] : memref<8x32x128xf32, #tpu.memory_space<vmem>>[vector<16xi32>, vector<16xi32>, vector<16xi32>], vector<16xf32>,
      %slice3A_1524 = vector.extract_strided_slice %get3A_7 {offsets = [0], sizes = [1], strides = [1]} : vector<16xf32> to vector<1xf32>
      %squeeze3A_1525 = vector.extract %slice3A_1524[0] : f32 from vector<1xf32>
      %slice3A_1526 = vector.extract_strided_slice %get3A_7 {offsets = [1], sizes = [1], strides = [1]} : vector<16xf32> to vector<1xf32>
      %squeeze3A_1527 = vector.extract %slice3A_1526[0] : f32 from vector<1xf32>
      %eq3A_1528 = arith.constant 0 : i32
      %eq3A_1529 = vector.broadcast %eq3A_1528 : i32 to vector<16xi32>
      %eq3A_1530 = arith.cmpi eq, %shift_right_logical3A_14, %eq3A_1529 : vector<16xi32>
      %broadcast_in_dim3A_1531 = vector.broadcast %squeeze3A_1525 : f32 to vector<16xf32>
      %broadcast_in_dim3A_1532 = vector.broadcast %squeeze3A_1527 : f32 to vector<16xf32>
      %select_n3A_1533 = arith.select %eq3A_1530, %broadcast_in_dim3A_1531, %broadcast_in_dim3A_1532 : vector<16xi1>, vector<16xf32>
      %mul3A_1534 = arith.mulf %gather3A_1522, %gather3A_1523 : vector<16xf32>
      %mul3A_1535 = arith.mulf %mul3A_1534, %select_n3A_1533 : vector<16xf32>
      %add3A_1536 = arith.addf %add3A_1518, %mul3A_1535 : vector<16xf32>
      %add3A_1537 = arith.constant 18 : i32
      %add3A_1538 = vector.broadcast %add3A_1537 : i32 to vector<16xi32>
      %add3A_1539 = arith.addi %add3A_1538, %shift_right_logical3A_14 : vector<16xi32>
      %gather3A_1540 = tpu.vector_load_idx %arg11[%and3A, %add3A_1539, %and3A_1019] : memref<8x32x128xf32, #tpu.memory_space<vmem>>[vector<16xi32>, vector<16xi32>, vector<16xi32>], vector<16xf32>,
      %gather3A_1541 = tpu.vector_load_idx %arg12[%and3A, %add3A_1539, %and3A_1164] : memref<8x32x128xf32, #tpu.memory_space<vmem>>[vector<16xi32>, vector<16xi32>, vector<16xi32>], vector<16xf32>,
      %slice3A_1542 = vector.extract_strided_slice %get3A_7 {offsets = [2], sizes = [1], strides = [1]} : vector<16xf32> to vector<1xf32>
      %squeeze3A_1543 = vector.extract %slice3A_1542[0] : f32 from vector<1xf32>
      %slice3A_1544 = vector.extract_strided_slice %get3A_7 {offsets = [3], sizes = [1], strides = [1]} : vector<16xf32> to vector<1xf32>
      %squeeze3A_1545 = vector.extract %slice3A_1544[0] : f32 from vector<1xf32>
      %eq3A_1546 = arith.constant 0 : i32
      %eq3A_1547 = vector.broadcast %eq3A_1546 : i32 to vector<16xi32>
      %eq3A_1548 = arith.cmpi eq, %shift_right_logical3A_14, %eq3A_1547 : vector<16xi32>
      %broadcast_in_dim3A_1549 = vector.broadcast %squeeze3A_1543 : f32 to vector<16xf32>
      %broadcast_in_dim3A_1550 = vector.broadcast %squeeze3A_1545 : f32 to vector<16xf32>
      %select_n3A_1551 = arith.select %eq3A_1548, %broadcast_in_dim3A_1549, %broadcast_in_dim3A_1550 : vector<16xi1>, vector<16xf32>
      %mul3A_1552 = arith.mulf %gather3A_1540, %gather3A_1541 : vector<16xf32>
      %mul3A_1553 = arith.mulf %mul3A_1552, %select_n3A_1551 : vector<16xf32>
      %add3A_1554 = arith.addf %add3A_1536, %mul3A_1553 : vector<16xf32>
      %add3A_1555 = arith.constant 20 : i32
      %add3A_1556 = vector.broadcast %add3A_1555 : i32 to vector<16xi32>
      %add3A_1557 = arith.addi %add3A_1556, %shift_right_logical3A_14 : vector<16xi32>
      %gather3A_1558 = tpu.vector_load_idx %arg11[%and3A, %add3A_1557, %and3A_1019] : memref<8x32x128xf32, #tpu.memory_space<vmem>>[vector<16xi32>, vector<16xi32>, vector<16xi32>], vector<16xf32>,
      %gather3A_1559 = tpu.vector_load_idx %arg12[%and3A, %add3A_1557, %and3A_1164] : memref<8x32x128xf32, #tpu.memory_space<vmem>>[vector<16xi32>, vector<16xi32>, vector<16xi32>], vector<16xf32>,
      %slice3A_1560 = vector.extract_strided_slice %get3A_7 {offsets = [4], sizes = [1], strides = [1]} : vector<16xf32> to vector<1xf32>
      %squeeze3A_1561 = vector.extract %slice3A_1560[0] : f32 from vector<1xf32>
      %slice3A_1562 = vector.extract_strided_slice %get3A_7 {offsets = [5], sizes = [1], strides = [1]} : vector<16xf32> to vector<1xf32>
      %squeeze3A_1563 = vector.extract %slice3A_1562[0] : f32 from vector<1xf32>
      %eq3A_1564 = arith.constant 0 : i32
      %eq3A_1565 = vector.broadcast %eq3A_1564 : i32 to vector<16xi32>
      %eq3A_1566 = arith.cmpi eq, %shift_right_logical3A_14, %eq3A_1565 : vector<16xi32>
      %broadcast_in_dim3A_1567 = vector.broadcast %squeeze3A_1561 : f32 to vector<16xf32>
      %broadcast_in_dim3A_1568 = vector.broadcast %squeeze3A_1563 : f32 to vector<16xf32>
      %select_n3A_1569 = arith.select %eq3A_1566, %broadcast_in_dim3A_1567, %broadcast_in_dim3A_1568 : vector<16xi1>, vector<16xf32>
      %mul3A_1570 = arith.mulf %gather3A_1558, %gather3A_1559 : vector<16xf32>
      %mul3A_1571 = arith.mulf %mul3A_1570, %select_n3A_1569 : vector<16xf32>
      %add3A_1572 = arith.addf %add3A_1554, %mul3A_1571 : vector<16xf32>
      %add3A_1573 = arith.constant 22 : i32
      %add3A_1574 = vector.broadcast %add3A_1573 : i32 to vector<16xi32>
      %add3A_1575 = arith.addi %add3A_1574, %shift_right_logical3A_14 : vector<16xi32>
      %gather3A_1576 = tpu.vector_load_idx %arg11[%and3A, %add3A_1575, %and3A_1019] : memref<8x32x128xf32, #tpu.memory_space<vmem>>[vector<16xi32>, vector<16xi32>, vector<16xi32>], vector<16xf32>,
      %gather3A_1577 = tpu.vector_load_idx %arg12[%and3A, %add3A_1575, %and3A_1164] : memref<8x32x128xf32, #tpu.memory_space<vmem>>[vector<16xi32>, vector<16xi32>, vector<16xi32>], vector<16xf32>,
      %slice3A_1578 = vector.extract_strided_slice %get3A_7 {offsets = [6], sizes = [1], strides = [1]} : vector<16xf32> to vector<1xf32>
      %squeeze3A_1579 = vector.extract %slice3A_1578[0] : f32 from vector<1xf32>
      %slice3A_1580 = vector.extract_strided_slice %get3A_7 {offsets = [7], sizes = [1], strides = [1]} : vector<16xf32> to vector<1xf32>
      %squeeze3A_1581 = vector.extract %slice3A_1580[0] : f32 from vector<1xf32>
      %eq3A_1582 = arith.constant 0 : i32
      %eq3A_1583 = vector.broadcast %eq3A_1582 : i32 to vector<16xi32>
      %eq3A_1584 = arith.cmpi eq, %shift_right_logical3A_14, %eq3A_1583 : vector<16xi32>
      %broadcast_in_dim3A_1585 = vector.broadcast %squeeze3A_1579 : f32 to vector<16xf32>
      %broadcast_in_dim3A_1586 = vector.broadcast %squeeze3A_1581 : f32 to vector<16xf32>
      %select_n3A_1587 = arith.select %eq3A_1584, %broadcast_in_dim3A_1585, %broadcast_in_dim3A_1586 : vector<16xi1>, vector<16xf32>
      %mul3A_1588 = arith.mulf %gather3A_1576, %gather3A_1577 : vector<16xf32>
      %mul3A_1589 = arith.mulf %mul3A_1588, %select_n3A_1587 : vector<16xf32>
      %add3A_1590 = arith.addf %add3A_1572, %mul3A_1589 : vector<16xf32>
      %add3A_1591 = arith.constant 24 : i32
      %add3A_1592 = vector.broadcast %add3A_1591 : i32 to vector<16xi32>
      %add3A_1593 = arith.addi %add3A_1592, %shift_right_logical3A_14 : vector<16xi32>
      %gather3A_1594 = tpu.vector_load_idx %arg11[%and3A, %add3A_1593, %and3A_1019] : memref<8x32x128xf32, #tpu.memory_space<vmem>>[vector<16xi32>, vector<16xi32>, vector<16xi32>], vector<16xf32>,
      %gather3A_1595 = tpu.vector_load_idx %arg12[%and3A, %add3A_1593, %and3A_1164] : memref<8x32x128xf32, #tpu.memory_space<vmem>>[vector<16xi32>, vector<16xi32>, vector<16xi32>], vector<16xf32>,
      %slice3A_1596 = vector.extract_strided_slice %get3A_7 {offsets = [8], sizes = [1], strides = [1]} : vector<16xf32> to vector<1xf32>
      %squeeze3A_1597 = vector.extract %slice3A_1596[0] : f32 from vector<1xf32>
      %slice3A_1598 = vector.extract_strided_slice %get3A_7 {offsets = [9], sizes = [1], strides = [1]} : vector<16xf32> to vector<1xf32>
      %squeeze3A_1599 = vector.extract %slice3A_1598[0] : f32 from vector<1xf32>
      %eq3A_1600 = arith.constant 0 : i32
      %eq3A_1601 = vector.broadcast %eq3A_1600 : i32 to vector<16xi32>
      %eq3A_1602 = arith.cmpi eq, %shift_right_logical3A_14, %eq3A_1601 : vector<16xi32>
      %broadcast_in_dim3A_1603 = vector.broadcast %squeeze3A_1597 : f32 to vector<16xf32>
      %broadcast_in_dim3A_1604 = vector.broadcast %squeeze3A_1599 : f32 to vector<16xf32>
      %select_n3A_1605 = arith.select %eq3A_1602, %broadcast_in_dim3A_1603, %broadcast_in_dim3A_1604 : vector<16xi1>, vector<16xf32>
      %mul3A_1606 = arith.mulf %gather3A_1594, %gather3A_1595 : vector<16xf32>
      %mul3A_1607 = arith.mulf %mul3A_1606, %select_n3A_1605 : vector<16xf32>
      %add3A_1608 = arith.addf %add3A_1590, %mul3A_1607 : vector<16xf32>
      %add3A_1609 = arith.constant 26 : i32
      %add3A_1610 = vector.broadcast %add3A_1609 : i32 to vector<16xi32>
      %add3A_1611 = arith.addi %add3A_1610, %shift_right_logical3A_14 : vector<16xi32>
      %gather3A_1612 = tpu.vector_load_idx %arg11[%and3A, %add3A_1611, %and3A_1019] : memref<8x32x128xf32, #tpu.memory_space<vmem>>[vector<16xi32>, vector<16xi32>, vector<16xi32>], vector<16xf32>,
      %gather3A_1613 = tpu.vector_load_idx %arg12[%and3A, %add3A_1611, %and3A_1164] : memref<8x32x128xf32, #tpu.memory_space<vmem>>[vector<16xi32>, vector<16xi32>, vector<16xi32>], vector<16xf32>,
      %slice3A_1614 = vector.extract_strided_slice %get3A_7 {offsets = [10], sizes = [1], strides = [1]} : vector<16xf32> to vector<1xf32>
      %squeeze3A_1615 = vector.extract %slice3A_1614[0] : f32 from vector<1xf32>
      %slice3A_1616 = vector.extract_strided_slice %get3A_7 {offsets = [11], sizes = [1], strides = [1]} : vector<16xf32> to vector<1xf32>
      %squeeze3A_1617 = vector.extract %slice3A_1616[0] : f32 from vector<1xf32>
      %eq3A_1618 = arith.constant 0 : i32
      %eq3A_1619 = vector.broadcast %eq3A_1618 : i32 to vector<16xi32>
      %eq3A_1620 = arith.cmpi eq, %shift_right_logical3A_14, %eq3A_1619 : vector<16xi32>
      %broadcast_in_dim3A_1621 = vector.broadcast %squeeze3A_1615 : f32 to vector<16xf32>
      %broadcast_in_dim3A_1622 = vector.broadcast %squeeze3A_1617 : f32 to vector<16xf32>
      %select_n3A_1623 = arith.select %eq3A_1620, %broadcast_in_dim3A_1621, %broadcast_in_dim3A_1622 : vector<16xi1>, vector<16xf32>
      %mul3A_1624 = arith.mulf %gather3A_1612, %gather3A_1613 : vector<16xf32>
      %mul3A_1625 = arith.mulf %mul3A_1624, %select_n3A_1623 : vector<16xf32>
      %add3A_1626 = arith.addf %add3A_1608, %mul3A_1625 : vector<16xf32>
      %add3A_1627 = arith.constant 28 : i32
      %add3A_1628 = vector.broadcast %add3A_1627 : i32 to vector<16xi32>
      %add3A_1629 = arith.addi %add3A_1628, %shift_right_logical3A_14 : vector<16xi32>
      %gather3A_1630 = tpu.vector_load_idx %arg11[%and3A, %add3A_1629, %and3A_1019] : memref<8x32x128xf32, #tpu.memory_space<vmem>>[vector<16xi32>, vector<16xi32>, vector<16xi32>], vector<16xf32>,
      %gather3A_1631 = tpu.vector_load_idx %arg12[%and3A, %add3A_1629, %and3A_1164] : memref<8x32x128xf32, #tpu.memory_space<vmem>>[vector<16xi32>, vector<16xi32>, vector<16xi32>], vector<16xf32>,
      %slice3A_1632 = vector.extract_strided_slice %get3A_7 {offsets = [12], sizes = [1], strides = [1]} : vector<16xf32> to vector<1xf32>
      %squeeze3A_1633 = vector.extract %slice3A_1632[0] : f32 from vector<1xf32>
      %slice3A_1634 = vector.extract_strided_slice %get3A_7 {offsets = [13], sizes = [1], strides = [1]} : vector<16xf32> to vector<1xf32>
      %squeeze3A_1635 = vector.extract %slice3A_1634[0] : f32 from vector<1xf32>
      %eq3A_1636 = arith.constant 0 : i32
      %eq3A_1637 = vector.broadcast %eq3A_1636 : i32 to vector<16xi32>
      %eq3A_1638 = arith.cmpi eq, %shift_right_logical3A_14, %eq3A_1637 : vector<16xi32>
      %broadcast_in_dim3A_1639 = vector.broadcast %squeeze3A_1633 : f32 to vector<16xf32>
      %broadcast_in_dim3A_1640 = vector.broadcast %squeeze3A_1635 : f32 to vector<16xf32>
      %select_n3A_1641 = arith.select %eq3A_1638, %broadcast_in_dim3A_1639, %broadcast_in_dim3A_1640 : vector<16xi1>, vector<16xf32>
      %mul3A_1642 = arith.mulf %gather3A_1630, %gather3A_1631 : vector<16xf32>
      %mul3A_1643 = arith.mulf %mul3A_1642, %select_n3A_1641 : vector<16xf32>
      %add3A_1644 = arith.addf %add3A_1626, %mul3A_1643 : vector<16xf32>
      %add3A_1645 = arith.constant 30 : i32
      %add3A_1646 = vector.broadcast %add3A_1645 : i32 to vector<16xi32>
      %add3A_1647 = arith.addi %add3A_1646, %shift_right_logical3A_14 : vector<16xi32>
      %gather3A_1648 = tpu.vector_load_idx %arg11[%and3A, %add3A_1647, %and3A_1019] : memref<8x32x128xf32, #tpu.memory_space<vmem>>[vector<16xi32>, vector<16xi32>, vector<16xi32>], vector<16xf32>,
      %gather3A_1649 = tpu.vector_load_idx %arg12[%and3A, %add3A_1647, %and3A_1164] : memref<8x32x128xf32, #tpu.memory_space<vmem>>[vector<16xi32>, vector<16xi32>, vector<16xi32>], vector<16xf32>,
      %slice3A_1650 = vector.extract_strided_slice %get3A_7 {offsets = [14], sizes = [1], strides = [1]} : vector<16xf32> to vector<1xf32>
      %squeeze3A_1651 = vector.extract %slice3A_1650[0] : f32 from vector<1xf32>
      %slice3A_1652 = vector.extract_strided_slice %get3A_7 {offsets = [15], sizes = [1], strides = [1]} : vector<16xf32> to vector<1xf32>
      %squeeze3A_1653 = vector.extract %slice3A_1652[0] : f32 from vector<1xf32>
      %eq3A_1654 = arith.constant 0 : i32
      %eq3A_1655 = vector.broadcast %eq3A_1654 : i32 to vector<16xi32>
      %eq3A_1656 = arith.cmpi eq, %shift_right_logical3A_14, %eq3A_1655 : vector<16xi32>
      %broadcast_in_dim3A_1657 = vector.broadcast %squeeze3A_1651 : f32 to vector<16xf32>
      %broadcast_in_dim3A_1658 = vector.broadcast %squeeze3A_1653 : f32 to vector<16xf32>
      %select_n3A_1659 = arith.select %eq3A_1656, %broadcast_in_dim3A_1657, %broadcast_in_dim3A_1658 : vector<16xi1>, vector<16xf32>
      %mul3A_1660 = arith.mulf %gather3A_1648, %gather3A_1649 : vector<16xf32>
      %mul3A_1661 = arith.mulf %mul3A_1660, %select_n3A_1659 : vector<16xf32>
      %add3A_1662 = arith.addf %add3A_1644, %mul3A_1661 : vector<16xf32>
      %broadcast_in_dim3A_1663 = arith.constant 8 : i32
      %broadcast_in_dim3A_1664 = vector.broadcast %broadcast_in_dim3A_1663 : i32 to vector<16xi32>
      %xor3A_1665 = arith.xori %iota3A, %broadcast_in_dim3A_1664 : vector<16xi32>
      %lt3A_1666 = arith.constant 0 : i32
      %lt3A_1667 = vector.broadcast %lt3A_1666 : i32 to vector<16xi32>
      %lt3A_1668 = arith.cmpi slt, %xor3A_1665, %lt3A_1667 : vector<16xi32>
      %add3A_1669 = arith.constant 16 : i32
      %add3A_1670 = vector.broadcast %add3A_1669 : i32 to vector<16xi32>
      %add3A_1671 = arith.addi %xor3A_1665, %add3A_1670 : vector<16xi32>
      %select_n3A_1672 = arith.select %lt3A_1668, %add3A_1671, %xor3A_1665 : vector<16xi1>, vector<16xi32>
      %broadcast_in_dim3A_1673 = vector.shape_cast %select_n3A_1672 : vector<16xi32> to vector<16x1xi32>
      %gather3A_1674 = vector.shape_cast %broadcast_in_dim3A_1673 : vector<16x1xi32> to vector<16xi32>
      %gather3A_1675 = tpu.dynamic_gather %add3A_1662[%gather3A_1674] in [0] : vector<16xf32>, vector<16xi32> -> vector<16xf32>
      %add3A_1676 = arith.addf %add3A_1662, %gather3A_1675 : vector<16xf32>
      %eq3A_1677 = arith.constant 0 : i32
      %eq3A_1678 = vector.broadcast %eq3A_1677 : i32 to vector<16xi32>
      %eq3A_1679 = arith.cmpi eq, %shift_right_logical3A_14, %eq3A_1678 : vector<16xi32>
      %lt3A_1680 = arith.constant 0 : i32
      %lt3A_1681 = vector.broadcast %lt3A_1680 : i32 to vector<16xi32>
      %lt3A_1682 = arith.cmpi slt, %and3A, %lt3A_1681 : vector<16xi32>
      %add3A_1683 = arith.constant 16 : i32
      %add3A_1684 = vector.broadcast %add3A_1683 : i32 to vector<16xi32>
      %add3A_1685 = arith.addi %and3A, %add3A_1684 : vector<16xi32>
      %select_n3A_1686 = arith.select %lt3A_1682, %add3A_1685, %and3A : vector<16xi1>, vector<16xi32>
      %broadcast_in_dim3A_1687 = vector.shape_cast %select_n3A_1686 : vector<16xi32> to vector<16x1xi32>
      %gather3A_1688 = vector.shape_cast %broadcast_in_dim3A_1687 : vector<16x1xi32> to vector<16xi32>
      %gather3A_1689 = tpu.dynamic_gather %add3A_1676[%gather3A_1688] in [0] : vector<16xf32>, vector<16xi32> -> vector<16xf32>
      %select_n3A_1690 = arith.select %eq3A_1679, %add3A_848, %gather3A_1689 : vector<16xi1>, vector<16xf32>
      %add3A_1691 = arith.addf %select_n3A_1690, %get3A_3 : vector<16xf32>
      %neg3A = arith.constant 0.000000e+00 : f32
      %neg3A_1692 = vector.broadcast %neg3A : f32 to vector<16xf32>
      %neg3A_1693 = arith.subf %neg3A_1692, %add3A_1691 : vector<16xf32>
      %exp3A = math.exp %neg3A_1693 : vector<16xf32>
      %add3A_1694 = arith.constant 1.000000e+00 : f32
      %add3A_1695 = vector.broadcast %add3A_1694 : f32 to vector<16xf32>
      %add3A_1696 = arith.addf %add3A_1695, %exp3A : vector<16xf32>
      %div3A = arith.constant 1.000000e+00 : f32
      %div3A_1697 = vector.broadcast %div3A : f32 to vector<16xf32>
      %div3A_1698 = arith.divf %div3A_1697, %add3A_1696 : vector<16xf32>
      %mul3A_1699 = arith.constant 16 : i32
      %mul3A_1700 = arith.muli %scan3A_21, %mul3A_1699 : i32
      %swap3A = arith.index_cast %mul3A_1700 : i32 to index
      %swap3A_1701 = tpu.vector_load %arg15[%swap3A] {strides = array<i32>} : memref<512xf32, #tpu.memory_space<vmem>>, vector<16xf32>,
      tpu.vector_store %arg15[%swap3A], %div3A_1698 {strides = array<i32>} : memref<512xf32, #tpu.memory_space<vmem>>, vector<16xf32>,
      %scan3A_1702 = arith.constant 0 : i32
      scf.yield %scan3A_1702 : i32
    }
    %scan3A_20 = arith.constant 32 : i32
    "tpu.region"() ({
      %run_scoped3A = tpu.sem_alloc : memref<!tpu.dma_semaphore, #tpu.memory_space<semaphore_mem>>
      %dma_start3A = tpu.memref_slice %arg8[%mul3A_2] : memref<16384xf32, #tpu.memory_space<hbm>> -> memref<512xf32, #tpu.memory_space<hbm>>
      %dma_start3A_21 = tpu.memref_slice %arg8[%mul3A_2] : memref<16384xf32, #tpu.memory_space<hbm>> -> memref<512xf32, #tpu.memory_space<hbm>>
      tpu.enqueue_dma source(%arg15 : memref<512xf32, #tpu.memory_space<vmem>>) target(%dma_start3A_21 : memref<512xf32, #tpu.memory_space<hbm>>) target_semaphore(%run_scoped3A : memref<!tpu.dma_semaphore, #tpu.memory_space<semaphore_mem>>)
      %dma_wait3A = tpu.memref_slice %arg8[%mul3A_2] : memref<16384xf32, #tpu.memory_space<hbm>> -> memref<512xf32, #tpu.memory_space<hbm>>
      %dma_wait3A_22 = tpu.memref_slice %arg8[%mul3A_2] : memref<16384xf32, #tpu.memory_space<hbm>> -> memref<512xf32, #tpu.memory_space<hbm>>
      tpu.wait_dma2 semaphore(%run_scoped3A : memref<!tpu.dma_semaphore, #tpu.memory_space<semaphore_mem>>) src(%arg15 : memref<512xf32, #tpu.memory_space<vmem>>) dst(%dma_wait3A_22 : memref<512xf32, #tpu.memory_space<hbm>>)
      tpu.yield
    }) : () -> ()
    return
  }
}

</mosaic_0001>

<sc_bundles>
// kernel: kernel.3.cloned.1.call-start
scs
__scs_entry_jumppad:
0x0: {  	(pc) =	sbr.rel $0x88, $3  }
0x1: {  	(tag) =	ssettag $0x0;
	lr =	simm.s32 $0x1  }
0x2: {  	[smem:$0x3F9B] =	sst lr;
	_ =	strace $0xD0000000  }
0x3: {  	_ = 	snop  }
0x4: {  	_ = 	snop  }
0x5: {  	_ = 	snop  }
0x6: {  	_ = 	snop  }
0x7: {  	_ = 	snop  }
__scs_overlays_trampoline_lowered:
0x8: {  	[smem:$0x3FAA] =	sst s0  }
0x9: {  	[smem:$0x3FAB] =	sst s1  }
0xa: {  	[smem:$0x3FAC] =	sst s2  }
0xb: {  	[smem:$0x3FAD] =	sst s3  }
0xc: {  	[smem:$0x3FAE] =	sst s4  }
0xd: {  	[smem:$0x3FAF] =	sst s5  }
0xe: {  	[smem:$0x3FB0] =	sst s6  }
0xf: {  	[smem:$0x3FB1] =	sst s7  }
0x10: {  	[smem:$0x3FB2] =	sst s8  }
0x11: {  	[smem:$0x3FB3] =	sst s9;
	s0 =	simm.s32 @!p0 $0x0  }
0x12: {  	s1 =	sld [smem:$0x3F99];
	s0 =	simm.s32 @p0 $0x1  }
0x13: {  	[smem:$0x3FB4] =	sst s0;
	s0 =	simm.s32 @!p1 $0x0  }
0x14: {  	s2 =	sld [smem:$0x3F98];
	s0 =	simm.s32 @p1 $0x1  }
0x15: {  	[smem:$0x3FB5] =	sst s0;
	s0 =	simm.s32 @!p2 $0x0  }
0x16: {  	s3 =	sld [smem:$0x3FDB];
	s0 =	simm.s32 @p2 $0x1  }
0x17: {  	s4 =	simm.s32 $0x1BF5;
	[smem:$0x3FB7] =	sst s0  }
0x18: {  	s0 =	sld [smem:$0x3F9A];
	_ =	swait.ge [sflag:s4], $0x0  }
0x19: {  	s7 =	sld [smem:$0x3F9B]  }
0x1a: {  	s8 =	sadd.s32 $0xFFFFE003, lr  }
0x1b: {  	s9 =	sadd.s32 $0xFFFFFEF7, lr;
	s5 =	simm.s32 $0xFFFFFFFF;
	p2 =	slt.u32 s8, $0xFFFFF086  }
0x1c: {  	p1 =	slt.u32 s9, $0xF7A;
	s5 =	simm.s32 @!p2 $0x0  }
0x1d: {  	s5 =	simm.s32 @p1 $0x1;
	p0 =	seq.s32 s7, s2  }
0x1e: {  	s7 =	smul.u32 @!p0 $0xF7A, s2;
	p2 =	seq.s32 @!p0 s5, $0x0  }
0x1f: {  	s9 =	smul.u32 $0xF7A, s1;
	s8 =	simm.s32 @!p0 $0x1BF5;
	p2 =	por !p2, p0  }
0x20: {  	[sflag:s8] =	ssyncset.s32 @!p0 $0xFFFFF086;
	s6 =	sadd.s32 @!p0 s3, s7;
	s7 =	simm.s32 @!p0 $0x108  }
0x21: {  	s3 =	sadd.s32 s3, s9;
	s6 =	sadd.s32 @!p0 $0x88, s6;
	s7 =	simm.s32 @p2 $0x1082  }
0x22: {  	[simem:s7], [sflag:s8] =	dma.local @!p0 [hbm:s6], $0xF7A  }
0x23: {  	s9 =	sor.u32 $0xD0000000, s2;
	s6 =	simm.s32 $0x108;
	_ =	swait.ge @!p0 [sflag:s8], $0x0  }
0x24: {  	s3 =	sadd.s32 $0x88, s3;
	s6 =	simm.s32 @!p1 $0x1082;
	[sflag:s4] =	ssyncset.s32 $0xFFFFF086  }
0x25: {  	[simem:s6], [sflag:s4] =	dma.local [hbm:s3], $0xF7A  }
0x26: {  	[smem:$0x3F9B] =	sst s1;
	(tag) =	ssettag s2;
	_ =	strace s9  }
0x27: {  	s1 =	sld [smem:$0x3FAB]  }
0x28: {  	s2 =	sld [smem:$0x3FAC]  }
0x29: {  	s4 =	sld [smem:$0x3FAE]  }
0x2a: {  	p0 =	seq.s32 s5, $0x0;
	s5 =	sld [smem:$0x3FAF]  }
0x2b: {  	s6 =	sld [smem:$0x3FB0]  }
0x2c: {  	s7 =	sld [smem:$0x3FB1]  }
0x2d: {  	s3 =	simm.s32 $0x108;
	s8 =	sld [smem:$0x3FB2]  }
0x2e: {  	s3 =	simm.s32 @!p0 $0x1082;
	s9 =	sld [smem:$0x3FB3]  }
0x2f: {  	lr =	sadd.s32 s0, s3;
	s0 =	sld [smem:$0x3FAA]  }
0x30: {  	s3 =	sld [smem:$0x3FAD]  }
0x31: {  	[smem:$0x3FB6] =	sst s10  }
0x32: {  	s10 =	sld [smem:$0x3FB4];
	_ =	sdelay $0x3  }
0x33: {  	p0 =	seq.s32 s10, $0x1;
	s10 =	sld [smem:$0x3FB6];
	_ =	sdelay $0x3  }
0x34: {  	[smem:$0x3FB6] =	sst s10  }
0x35: {  	s10 =	sld [smem:$0x3FB5];
	_ =	sdelay $0x3  }
0x36: {  	p1 =	seq.s32 s10, $0x1;
	s10 =	sld [smem:$0x3FB6];
	_ =	sdelay $0x3  }
0x37: {  	[smem:$0x3FB6] =	sst s10  }
0x38: {  	s10 =	sld [smem:$0x3FB7]  }
0x39: {  	_ = 	snop;
	(pc) =	sbr.ind lr, $3  }
0x3a: {  	_ = 	snop  }
0x3b: {  	_ = 	snop  }
0x3c: {  	p2 =	seq.s32 s10, $0x1;
	s10 =	sld [smem:$0x3FB6]  }
0x3d: {  	_ =	shalt  }
0x3e: {  	_ =	shalt  }
0x3f: {  	_ =	shalt  }
0x40: {  	_ =	shalt  }
0x41: {  	_ =	shalt  }
0x42: {  	_ =	shalt  }
0x43: {  	_ =	shalt  }
0x44: {  	_ =	shalt  }
0x45: {  	_ =	shalt  }
0x46: {  	_ =	shalt  }
0x47: {  	_ =	shalt  }
0x48: {  	_ =	shalt  }
0x49: {  	_ =	shalt  }
0x4a: {  	_ =	shalt  }
0x4b: {  	_ =	shalt  }
0x4c: {  	_ =	shalt  }
0x4d: {  	_ =	shalt  }
0x4e: {  	_ =	shalt  }
0x4f: {  	_ =	shalt  }
0x50: {  	_ =	shalt  }
0x51: {  	_ =	shalt  }
0x52: {  	_ =	shalt  }
0x53: {  	_ =	shalt  }
0x54: {  	_ =	shalt  }
0x55: {  	_ =	shalt  }
0x56: {  	_ =	shalt  }
0x57: {  	_ =	shalt  }
0x58: {  	_ =	shalt  }
0x59: {  	_ =	shalt  }
0x5a: {  	_ =	shalt  }
0x5b: {  	_ =	shalt  }
0x5c: {  	_ =	shalt  }
0x5d: {  	_ =	shalt  }
0x5e: {  	_ =	shalt  }
0x5f: {  	_ =	shalt  }
0x60: {  	_ =	shalt  }
0x61: {  	_ =	shalt  }
0x62: {  	_ =	shalt  }
0x63: {  	_ =	shalt  }
0x64: {  	_ =	shalt  }
0x65: {  	_ =	shalt  }
0x66: {  	_ =	shalt  }
0x67: {  	_ =	shalt  }
0x68: {  	_ =	shalt  }
0x69: {  	_ =	shalt  }
0x6a: {  	_ =	shalt  }
0x6b: {  	_ =	shalt  }
0x6c: {  	_ =	shalt  }
0x6d: {  	_ =	shalt  }
0x6e: {  	_ =	shalt  }
0x6f: {  	_ =	shalt  }
0x70: {  	_ =	shalt  }
0x71: {  	_ =	shalt  }
0x72: {  	_ =	shalt  }
0x73: {  	_ =	shalt  }
0x74: {  	_ =	shalt  }
0x75: {  	_ =	shalt  }
0x76: {  	_ =	shalt  }
0x77: {  	_ =	shalt  }
0x78: {  	_ =	shalt  }
0x79: {  	_ =	shalt  }
0x7a: {  	_ =	shalt  }
0x7b: {  	_ =	shalt  }
0x7c: {  	_ =	shalt  }
0x7d: {  	_ =	shalt  }
0x7e: {  	_ =	shalt  }
0x7f: {  	_ =	shalt  }
0x80: {  	_ =	shalt  }
0x81: {  	_ =	shalt  }
0x82: {  	_ =	shalt  }
0x83: {  	_ =	shalt  }
0x84: {  	_ =	shalt  }
0x85: {  	_ =	shalt  }
0x86: {  	_ =	shalt  }
0x87: {  	_ =	shalt  }
.Lfunc_end0:
.L_simem_size_0:
called_computation_lowered:
.L_overlay_start_0:
0x88: {  	s2 =	sld [smem:$0x3FD9]  }
0x89: {  	s3 =	sld [smem:$0x3FFE];
	_ =	sdelay $0x1  }
0x8a: {  	s1 =	srdreg.scid  }
0x8b: {  	s0 =	sand.u32 $0x1, s1  }
0x8c: {  	s17 =	sshll.u32 s0, $0xA;
	s2 =	sadd.s32 s3, s2  }
0x8d: {  	s2 =	sadd.s32 s2, s17  }
0x8e: {  	[smem:$0x3FC2] =	sst s2  }
0x8f: {  	_ = 	snop  }
0x90: {  	s2 =	sld [smem:$0x3FC9]  }
0x91: {  	s18 =	sld [smem:$0x3FC8]  }
0x92: {  	s4 =	sld [smem:$0x3FC7]  }
0x93: {  	s5 =	sld [smem:$0x3FC6]  }
0x94: {  	s6 =	sld [smem:$0x3FC5]  }
0x95: {  	s7 =	sld [smem:$0x3FD0];
	(tm) =	ssettm $0x1  }
0x96: {  	s8 =	sld [smem:$0x3FFB];
	_ =	sdelay $0x3  }
0x97: {  	_ =	strace s8  }
0x98: {  	s8 =	sld [smem:$0x3FFC];
	_ =	sdelay $0x3  }
0x99: {  	_ =	strace s8  }
0x9a: {  	s8 =	sld [smem:$0x3FFD];
	_ =	sdelay $0x3  }
0x9b: {  	_ =	strace s8  }
0x9c: {  	_ =	strace $0x8FFFFFFF  }
0x9d: {  	s19 =	sld [smem:$0x3FDB];
	_ =	sdelay $0x1  }
0x9e: {  	s9 =	simm.s32 $_scs_section_size  }
0x9f: {  	s10 =	simm.s32 $_size__tile_overlayer_lowered;
	s11 =	simm.s32 $_tile_overlayer_lowered  }
0xa0: {  	s22 =	simm.s32 $0x1BFF;
	s21 =	sshll.u32 s11, $0x1;
	s8 =	sadd.s32 s9, s19  }
0xa1: {  	s12 =	simm.s32 $0x0;
	s20 =	sshll.u32 s10, $0x1;
	s10 =	sadd.s32 s21, s8  }
0xa2: {  	[timem:s12], [sflag:s22] =	dma.local [hbm:s10], s20  }
0xa3: {  	_ =	swait.ge [sflag:s22], s20  }
0xa4: {  	s9 =	ssub.s32 $0x0, s20;
	[sflag:s22] =	ssyncset.done $0x0  }
0xa5: {  	[sflag:s22] =	ssyncadd.s32 s9;
	_ =	sdelay $0x1  }
0xa6: {  	s23 =	simm.s32 $0x1B8B  }
0xa7: {  	_ =	swait.ge [sflag:s23], $0x1  }
0xa8: {  	[sflag:s23] =	ssyncset.done $0x0  }
0xa9: {  	s25 =	simm.s32 $0x1B8E;
	s24 =	sld [smem:$0x3FFE];
	[sflag:s23] =	ssyncadd.s32 $0xFFFFFFFF  }
0xaa: {  	s26 =	simm.s32 $execute0_lowered;
	[smem:$0x3FD2] =	sst s25  }
0xab: {  	s10 =	sshll.u32 s26, $0x1;
	_ =	strace $0x80000046;
	[dreg:$0x1] =	wrdreg $0xFFFFFFFF  }
0xac: {  	s28 =	simm.s32 $_size_execute0_lowered;
	s8 =	sadd.s32 s8, s10;
	[dreg:$0x0] =	wrdreg $0x0  }
0xad: {  	s10 =	sshll.u32 s28, $0x1;
	[dreg:$0x2] =	wrdreg s8  }
0xae: {  	[dreg:$0x3] =	wrdreg s10  }
0xaf: {  	[dreg:$0x4] =	wrdreg $0xC0  }
0xb0: {  	_ =	task [dreg:s12], $0x5FFFF  }
0xb1: {  	[dreg:$0x1] =	wrdreg $0xFFFFFFFF  }
0xb2: {  	[dreg:$0x0] =	wrdreg $0x60  }
0xb3: {  	[dreg:$0x2] =	wrdreg s2  }
0xb4: {  	[dreg:$0x3] =	wrdreg s18  }
0xb5: {  	[dreg:$0x4] =	wrdreg s4  }
0xb6: {  	[dreg:$0x5] =	wrdreg s5  }
0xb7: {  	[dreg:$0x6] =	wrdreg s6  }
0xb8: {  	[dreg:$0x7] =	wrdreg s24  }
0xb9: {  	[dreg:$0x8] =	wrdreg s7  }
0xba: {  	[dreg:$0x9] =	wrdreg $0x9  }
0xbb: {  	_ =	task.clear_ibuf [dreg:s12], $0xAFFFF;
	_ =	strace $0x90000046  }
0xbc: {  	s29 =	simm.s32 $0x9;
	_ =	strace $0x80000048  }
0xbd: {  	_ =	swait.ge [sflag:s29], $0x1  }
0xbe: {  	[sflag:s29] =	ssyncadd.s32 $0xFFFFFFFF  }
0xbf: {  	_ =	strace $0x90000048  }
0xc0: {  	_ =	sfence  }
0xc1: {  	s30 =	sld [smem:$0x0];
	_ =	sdelay $0x2  }
0xc2: {  	s31 =	sshll.u32 s1, $0xD;
	s1 =	sshrl.u32 s1, $0x2  }
0xc3: {  	s3 =	sand.u32 $0x4000, s31;
	s1 =	sadd.s32 s1, s30  }
0xc4: {  	s0 =	sor.u32 s3, s0;
	s1 =	sshll.u32 s1, $0x11  }
0xc5: {  	s0 =	sor.u32 s1, s0  }
0xc6: {  	s0 =	sadd.s32 $0x8F2B, s0  }
0xc7: {  	[sflag:s0] =	ssyncadd.remote.s32 $0x1  }
0xc8: {  	_ =	sfence.sel $0xFFFF  }
0xc9: {  	[dreg:$0x0] =	wrdreg $0xFFFFFFFF;
	(pc) =	sbr.abs _section_cstart, $3  }
0xca: {  	[dreg:$0x1] =	wrdreg $0xFFFFFFFF  }
0xcb: {  	_ =	task.clear_ibuf [dreg:s12], $0x2FFFF;
	_ =	strace $0x9FFFFFFF  }
0xcc: {  	(tm) =	ssettm $0x7FFFFFFF  }
0xcd: {  	_ =	shalt  }
tec
execute0_lowered:
.L_overlay_start_1:
0x0: {  	(tag) =	ssettag $0x1  }
0x1: {  	v0 =	vimm.s32 $0x7080;
	vm15 =	vcmask $0x300  }
0x2: {  	vm14 =	vcmask $0x704;
	v0 =	vsel vm15, $0x0, v0  }
0x3: {  	vm13 =	vcmask $0xB08;
	v0 =	vsel vm14, $0x1000, v0  }
0x4: {  	vm12 =	vcmask $0xF0C;
	v0 =	vsel vm13, $0x2000, v0  }
0x5: {  	vm11 =	vcmask $0x1310;
	v0 =	vsel vm12, $0x3000, v0  }
0x6: {  	vm10 =	vcmask $0x1714;
	vm9 =	vcmask $0x1B18;
	v0 =	vsel vm11, $0x4000, v0  }
0x7: {  	vm8 =	vcmask $0x1F1C;
	vm0 =	vmmov $0xff;
	v0 =	vsel vm10, $0x5000, v0  }
0x8: {  	vm7 =	vcmask $0x2320;
	v18 =	vlaneseq.u32;
	v0 =	vsel vm9, $0x6000, v0  }
0x9: {  	vm6 =	vcmask $0x2724;
	vm5 =	vcmask $0x2B28;
	v0 =	vsel vm8, $0x7000, v0  }
0xa: {  	v1 =	vimm.s32 $0x7180;
	vm3 =	vcmask $0x2F2C;
	v0 =	vsel vm7, $0x80, v0  }
0xb: {  	vm4 =	vcmask $0x3330;
	v1 =	vsel vm15, $0x100, v1;
	v0 =	vsel vm6, $0x1080, v0  }
0xc: {  	vm1 =	vcmask $0x3734;
	v1 =	vsel vm14, $0x1100, v1;
	v0 =	vsel vm5, $0x2080, v0  }
0xd: {  	vm2 =	vcmask $0x3B38;
	v1 =	vsel vm13, $0x2100, v1;
	v0 =	vsel vm3, $0x3080, v0  }
0xe: {  	v3 =	vimm.s32 $0x7280;
	v1 =	vsel vm12, $0x3100, v1;
	v0 =	vsel vm4, $0x4080, v0  }
0xf: {  	v6 =	vimm.s32 $0x7580;
	v2 =	vsel vm11, $0x4100, v1;
	v0 =	vsel vm1, $0x5080, v0  }
0x10: {  	v1 =	vsel vm2, $0x6080, v0;
	v0 =	vsel vm10, $0x5100, v2;
	v2 =	vsel vm15, $0x200, v3  }
0x11: {  	v3 =	vimm.s32 $0x7380;
	v0 =	vsel vm9, $0x6100, v0;
	v2 =	vsel vm14, $0x1200, v2  }
0x12: {  	v3 =	vsel vm15, $0x300, v3;
	v0 =	vsel vm8, $0x7100, v0;
	v2 =	vsel vm13, $0x2200, v2  }
0x13: {  	v3 =	vsel vm14, $0x1300, v3;
	v0 =	vsel vm7, $0x180, v0;
	v2 =	vsel vm12, $0x3200, v2  }
0x14: {  	v3 =	vsel vm13, $0x2300, v3;
	v0 =	vsel vm6, $0x1180, v0;
	v2 =	vsel vm11, $0x4200, v2  }
0x15: {  	v3 =	vsel vm12, $0x3300, v3;
	v0 =	vsel vm5, $0x2180, v0;
	v2 =	vsel vm10, $0x5200, v2  }
0x16: {  	v3 =	vsel vm11, $0x4300, v3;
	v0 =	vsel vm3, $0x3180, v0;
	v2 =	vsel vm9, $0x6200, v2  }
0x17: {  	v3 =	vsel vm10, $0x5300, v3;
	v0 =	vsel vm4, $0x4180, v0;
	v2 =	vsel vm8, $0x7200, v2  }
0x18: {  	v3 =	vsel vm9, $0x6300, v3;
	v0 =	vsel vm1, $0x5180, v0;
	v4 =	vsel vm7, $0x280, v2  }
0x19: {  	v3 =	vsel vm8, $0x7300, v3;
	v2 =	vsel vm2, $0x6180, v0;
	v0 =	vsel vm6, $0x1280, v4  }
0x1a: {  	v3 =	vsel vm7, $0x380, v3;
	v4 =	vimm.s32 $0x7480;
	v0 =	vsel vm5, $0x2280, v0  }
0x1b: {  	v3 =	vsel vm6, $0x1380, v3;
	v4 =	vsel vm15, $0x400, v4;
	v0 =	vsel vm3, $0x3280, v0  }
0x1c: {  	v3 =	vsel vm5, $0x2380, v3;
	v4 =	vsel vm14, $0x1400, v4;
	v0 =	vsel vm4, $0x4280, v0  }
0x1d: {  	v5 =	vsel vm3, $0x3380, v3;
	v4 =	vsel vm13, $0x2400, v4;
	v0 =	vsel vm1, $0x5280, v0  }
0x1e: {  	v4 =	vsel vm12, $0x3400, v4;
	v3 =	vsel vm2, $0x6280, v0;
	v0 =	vsel vm4, $0x4380, v5  }
0x1f: {  	v9 =	vimm.s32 $0x7880;
	v5 =	vsel vm11, $0x4400, v4;
	v0 =	vsel vm1, $0x5380, v0  }
0x20: {  	v4 =	vsel vm2, $0x6380, v0;
	v0 =	vsel vm10, $0x5400, v5;
	v5 =	vsel vm15, $0x500, v6  }
0x21: {  	v6 =	vimm.s32 $0x7680;
	v0 =	vsel vm9, $0x6400, v0;
	v5 =	vsel vm14, $0x1500, v5  }
0x22: {  	v6 =	vsel vm15, $0x600, v6;
	v0 =	vsel vm8, $0x7400, v0;
	v5 =	vsel vm13, $0x2500, v5  }
0x23: {  	v6 =	vsel vm14, $0x1600, v6;
	v0 =	vsel vm7, $0x480, v0;
	v5 =	vsel vm12, $0x3500, v5  }
0x24: {  	v6 =	vsel vm13, $0x2600, v6;
	v0 =	vsel vm6, $0x1480, v0;
	v5 =	vsel vm11, $0x4500, v5  }
0x25: {  	v6 =	vsel vm12, $0x3600, v6;
	v0 =	vsel vm5, $0x2480, v0;
	v5 =	vsel vm10, $0x5500, v5  }
0x26: {  	v6 =	vsel vm11, $0x4600, v6;
	v0 =	vsel vm3, $0x3480, v0;
	v5 =	vsel vm9, $0x6500, v5  }
0x27: {  	v6 =	vsel vm10, $0x5600, v6;
	v0 =	vsel vm4, $0x4480, v0;
	v5 =	vsel vm8, $0x7500, v5  }
0x28: {  	v6 =	vsel vm9, $0x6600, v6;
	v0 =	vsel vm1, $0x5480, v0;
	v7 =	vsel vm7, $0x580, v5  }
0x29: {  	v6 =	vsel vm8, $0x7600, v6;
	v5 =	vsel vm2, $0x6480, v0;
	v0 =	vsel vm6, $0x1580, v7  }
0x2a: {  	v6 =	vsel vm7, $0x680, v6;
	v7 =	vimm.s32 $0x7780;
	v0 =	vsel vm5, $0x2580, v0  }
0x2b: {  	v6 =	vsel vm6, $0x1680, v6;
	v7 =	vsel vm15, $0x700, v7;
	v0 =	vsel vm3, $0x3580, v0  }
0x2c: {  	v6 =	vsel vm5, $0x2680, v6;
	v7 =	vsel vm14, $0x1700, v7;
	v0 =	vsel vm4, $0x4580, v0  }
0x2d: {  	v8 =	vsel vm3, $0x3680, v6;
	v7 =	vsel vm13, $0x2700, v7;
	v0 =	vsel vm1, $0x5580, v0  }
0x2e: {  	v7 =	vsel vm12, $0x3700, v7;
	v6 =	vsel vm2, $0x6580, v0;
	v0 =	vsel vm4, $0x4680, v8  }
0x2f: {  	v12 =	vimm.s32 $0x7B80;
	v8 =	vsel vm11, $0x4700, v7;
	v0 =	vsel vm1, $0x5680, v0  }
0x30: {  	v7 =	vsel vm2, $0x6680, v0;
	v0 =	vsel vm10, $0x5700, v8;
	v8 =	vsel vm15, $0x800, v9  }
0x31: {  	v9 =	vimm.s32 $0x7980;
	v0 =	vsel vm9, $0x6700, v0;
	v8 =	vsel vm14, $0x1800, v8  }
0x32: {  	v9 =	vsel vm15, $0x900, v9;
	v0 =	vsel vm8, $0x7700, v0;
	v8 =	vsel vm13, $0x2800, v8  }
0x33: {  	v9 =	vsel vm14, $0x1900, v9;
	v0 =	vsel vm7, $0x780, v0;
	v8 =	vsel vm12, $0x3800, v8  }
0x34: {  	v9 =	vsel vm13, $0x2900, v9;
	v0 =	vsel vm6, $0x1780, v0;
	v8 =	vsel vm11, $0x4800, v8  }
0x35: {  	v9 =	vsel vm12, $0x3900, v9;
	v0 =	vsel vm5, $0x2780, v0;
	v8 =	vsel vm10, $0x5800, v8  }
0x36: {  	v9 =	vsel vm11, $0x4900, v9;
	v0 =	vsel vm3, $0x3780, v0;
	v8 =	vsel vm9, $0x6800, v8  }
0x37: {  	v9 =	vsel vm10, $0x5900, v9;
	v0 =	vsel vm4, $0x4780, v0;
	v8 =	vsel vm8, $0x7800, v8  }
0x38: {  	v9 =	vsel vm9, $0x6900, v9;
	v0 =	vsel vm1, $0x5780, v0;
	v10 =	vsel vm7, $0x880, v8  }
0x39: {  	v9 =	vsel vm8, $0x7900, v9;
	v8 =	vsel vm2, $0x6780, v0;
	v0 =	vsel vm6, $0x1880, v10  }
0x3a: {  	v9 =	vsel vm7, $0x980, v9;
	v10 =	vimm.s32 $0x7A80;
	v0 =	vsel vm5, $0x2880, v0  }
0x3b: {  	v9 =	vsel vm6, $0x1980, v9;
	v10 =	vsel vm15, $0xA00, v10;
	v0 =	vsel vm3, $0x3880, v0  }
0x3c: {  	v9 =	vsel vm5, $0x2980, v9;
	v10 =	vsel vm14, $0x1A00, v10;
	v0 =	vsel vm4, $0x4880, v0  }
0x3d: {  	v11 =	vsel vm3, $0x3980, v9;
	v10 =	vsel vm13, $0x2A00, v10;
	v0 =	vsel vm1, $0x5880, v0  }
0x3e: {  	v10 =	vsel vm12, $0x3A00, v10;
	v9 =	vsel vm2, $0x6880, v0;
	v0 =	vsel vm4, $0x4980, v11  }
0x3f: {  	v15 =	vimm.s32 $0x7E80;
	v11 =	vsel vm11, $0x4A00, v10;
	v0 =	vsel vm1, $0x5980, v0  }
0x40: {  	v10 =	vsel vm2, $0x6980, v0;
	v0 =	vsel vm10, $0x5A00, v11;
	v11 =	vsel vm15, $0xB00, v12  }
0x41: {  	v12 =	vimm.s32 $0x7C80;
	v0 =	vsel vm9, $0x6A00, v0;
	v11 =	vsel vm14, $0x1B00, v11  }
0x42: {  	v12 =	vsel vm15, $0xC00, v12;
	v0 =	vsel vm8, $0x7A00, v0;
	v11 =	vsel vm13, $0x2B00, v11  }
0x43: {  	v12 =	vsel vm14, $0x1C00, v12;
	v0 =	vsel vm7, $0xA80, v0;
	v11 =	vsel vm12, $0x3B00, v11  }
0x44: {  	v12 =	vsel vm13, $0x2C00, v12;
	v0 =	vsel vm6, $0x1A80, v0;
	v11 =	vsel vm11, $0x4B00, v11  }
0x45: {  	v12 =	vsel vm12, $0x3C00, v12;
	v0 =	vsel vm5, $0x2A80, v0;
	v11 =	vsel vm10, $0x5B00, v11  }
0x46: {  	v12 =	vsel vm11, $0x4C00, v12;
	v0 =	vsel vm3, $0x3A80, v0;
	v11 =	vsel vm9, $0x6B00, v11  }
0x47: {  	v12 =	vsel vm10, $0x5C00, v12;
	v0 =	vsel vm4, $0x4A80, v0;
	v11 =	vsel vm8, $0x7B00, v11  }
0x48: {  	v12 =	vsel vm9, $0x6C00, v12;
	v0 =	vsel vm1, $0x5A80, v0;
	v13 =	vsel vm7, $0xB80, v11  }
0x49: {  	v12 =	vsel vm8, $0x7C00, v12;
	v11 =	vsel vm2, $0x6A80, v0;
	v0 =	vsel vm6, $0x1B80, v13  }
0x4a: {  	v12 =	vsel vm7, $0xC80, v12;
	v13 =	vimm.s32 $0x7D80;
	v0 =	vsel vm5, $0x2B80, v0  }
0x4b: {  	v12 =	vsel vm6, $0x1C80, v12;
	v13 =	vsel vm15, $0xD00, v13;
	v0 =	vsel vm3, $0x3B80, v0  }
0x4c: {  	v12 =	vsel vm5, $0x2C80, v12;
	v13 =	vsel vm14, $0x1D00, v13;
	v0 =	vsel vm4, $0x4B80, v0  }
0x4d: {  	v14 =	vsel vm3, $0x3C80, v12;
	v13 =	vsel vm13, $0x2D00, v13;
	v0 =	vsel vm1, $0x5B80, v0  }
0x4e: {  	v13 =	vsel vm12, $0x3D00, v13;
	v12 =	vsel vm2, $0x6B80, v0;
	v0 =	vsel vm4, $0x4C80, v14  }
0x4f: {  	s2 =	rddreg [dreg:$0x0];
	v17 =	vimm.s32 $0x76543210;
	v14 =	vsel vm11, $0x4D00, v13;
	v0 =	vsel vm1, $0x5C80, v0  }
0x50: {  	s3 =	rddreg [dreg:$0x1];
	v40 =	vand.u32 $0x7, v18;
	v13 =	vsel vm2, $0x6C80, v0;
	v0 =	vsel vm10, $0x5D00, v14  }
0x51: {  	s0 =	rddreg [dreg:$0x2];
	v14 =	vsel vm15, $0xE00, v15;
	v15 =	vimm.s32 $0x7F80;
	v0 =	vsel vm9, $0x6D00, v0  }
0x52: {  	s1 =	rddreg [dreg:$0x3];
	v14 =	vsel vm14, $0x1E00, v14;
	v15 =	vsel vm15, $0xF00, v15;
	v0 =	vsel vm8, $0x7D00, v0  }
0x53: {  	s5 =	rddreg [dreg:$0x5];
	v14 =	vsel vm13, $0x2E00, v14;
	v15 =	vsel vm14, $0x1F00, v15;
	v0 =	vsel vm7, $0xD80, v0  }
0x54: {  	s9 =	rddreg [dreg:$0x6];
	s4 =	simm.s32 $0x0;
	v14 =	vsel vm12, $0x3E00, v14;
	v15 =	vsel vm13, $0x2F00, v15;
	v0 =	vsel vm6, $0x1D80, v0  }
0x55: {  	s6 =	srdreg.scid;
	s8 =	stileid.u32;
	s13 =	simm.s32 $0x7A1400;
	v14 =	vsel vm11, $0x4E00, v14;
	v15 =	vsel vm12, $0x3F00, v15;
	v0 =	vsel vm5, $0x2D80, v0  }
0x56: {  	s16 =	simm.s32 $0x400;
	s17 =	simm.s32 $0x1400;
	s18 =	simm.s32 $0x2400;
	v14 =	vsel vm10, $0x5E00, v14;
	v15 =	vsel vm11, $0x4F00, v15;
	v0 =	vsel vm3, $0x3D80, v0  }
0x57: {  	s19 =	simm.s32 $0x3400;
	s20 =	simm.s32 $0x4400;
	s21 =	simm.s32 $0x5400;
	v14 =	vsel vm9, $0x6E00, v14;
	v15 =	vsel vm10, $0x5F00, v15;
	v0 =	vsel vm4, $0x4D80, v0  }
0x58: {  	s22 =	simm.s32 $0x6400;
	s23 =	simm.s32 $0x7400;
	s24 =	simm.s32 $0x8400;
	v14 =	vsel vm8, $0x7E00, v14;
	v15 =	vsel vm9, $0x6F00, v15;
	v0 =	vsel vm1, $0x5D80, v0  }
0x59: {  	s25 =	simm.s32 $0x9400;
	s28 =	simm.s32 $0xB400;
	s29 =	simm.s32 $0xC400;
	v16 =	vsel vm7, $0xE80, v14;
	v15 =	vsel vm8, $0x7F00, v15;
	v14 =	vsel vm2, $0x6D80, v0  }
0x5a: {  	s14 =	simm.s32 $0x2;
	s30 =	simm.s32 $0xD400;
	s31 =	simm.s32 $0xE400;
	v0 =	vsel vm6, $0x1E80, v16;
	v15 =	vsel vm7, $0xF80, v15;
	v16 =	vimm.s32 $0xFEDCBA98  }
0x5b: {  	[smem:$0x7FF] =	sst s4;
	s6 =	sand.u32 $0x1, s6;
	s8 =	sshll.u32 s8, $0x7;
	v0 =	vsel vm5, $0x2E80, v0;
	v15 =	vsel vm6, $0x1F80, v15;
	v16 =	vunpack.c.l.s4.s8 v16  }
0x5c: {  	v17 =	vunpack.c.l.s4.s8 v17;
	s7 =	ssub.s32 $0x2, s6;
	s6 =	sshll.u32 s6, $0x6;
	_ =	strace $0x80000047;
	v0 =	vsel vm3, $0x3E80, v0;
	v15 =	vsel vm5, $0x2F80, v15  }
0x5d: {  	s10 =	sshrl.u32 s7, $0x1;
	s11 =	sor.u32 s6, s8;
	s6 =	sadd.s32 $0x400, s5;
	v0 =	vsel vm4, $0x4E80, v0;
	v15 =	vsel vm3, $0x3F80, v15;
	v16 =	vunpack.c.0.s8.s32 v16  }
0x5e: {  	v17 =	vunpack.c.0.s8.s32 v17;
	s5 =	simm.s32 $0x1;
	s26 =	ssub.s32 s7, s10;
	s7 =	sadd.s32 s2, s11;
	v0 =	vsel vm1, $0x5E80, v0;
	v19 =	vsel vm4, $0x4F80, v15  }
0x5f: {  	s8 =	sadd.s32 s3, s11;
	s9 =	sadd.s32 s9, s11;
	s3 =	simm.s32 $0xF400;
	v15 =	vsel vm2, $0x6E80, v0;
	v0 =	vsel vm1, $0x5F80, v19;
	v19 =	vand.u32 $0xF, v16  }
0x60: {  	v44 =	vor.u32 $0x8, v18;
	s10 =	simm.s32 $0x0;
	s11 =	smax.u32 s26, $0x1;
	s26 =	simm.s32 $0xA400;
	v16 =	vsel vm2, $0x6F80, v0;
	v41 =	vcombine.low v19, v17  }
.LBB2_1:
0x61: {  	[tilespmem:s4], [sflag:$0x2] =	stream.linear.gather [hbm4b:s7+s4], $0x200, $0x38;
	[tilespmem:$0x10700] =	vst v63  }
0x62: {  	_ =	swait.ge [sflag:s14], $0x200  }
0x63: {  	[sflag:s14] =	ssyncset.done $0x0  }
0x64: {  	s2 =	simm.s32 $0x200;
	[sflag:s14] =	ssyncadd.s32 $0xFFFFFE00  }
0x65: {  	[tilespmem:s2], [sflag:$0x2] =	stream.linear.gather [hbm4b:s8+s4], $0x200, $0x38;
	[tilespmem:$0x10700] =	vst v63  }
0x66: {  	_ =	swait.ge [sflag:s14], $0x200  }
0x67: {  	[sflag:s14] =	ssyncset.done $0x0  }
0x68: {  	[sflag:s14] =	ssyncadd.s32 $0xFFFFFE00  }
0x69: {  	s12 =	simm.s32 $0x10400;
	s15 =	rddreg [dreg:$0x4]  }
0x6a: {  	[tilespmem:s12], [sflag:$0x2] =	stream.linear.gather [hbm4b:s15+s4], $0x80, $0x38;
	[tilespmem:$0x10700] =	vst v63  }
0x6b: {  	_ =	swait.ge [sflag:s14], $0x80  }
0x6c: {  	[sflag:s14] =	ssyncset.done $0x0  }
0x6d: {  	s15 =	simm.s32 $0x10480;
	[sflag:s14] =	ssyncadd.s32 $0xFFFFFF80  }
0x6e: {  	[tilespmem:s15], [sflag:$0x2] =	stream.linear.gather [hbm4b:s6+s4], $0x80, $0x38;
	[tilespmem:$0x10700] =	vst v63  }
0x6f: {  	_ =	swait.ge [sflag:s14], $0x80  }
0x70: {  	[sflag:s14] =	ssyncset.done $0x0  }
0x71: {  	[sflag:s14] =	ssyncadd.s32 $0xFFFFFF80  }
0x72: {  	v0 =	vld [tilespmem:$0x10400];
	_ =	sdelay $0x4  }
0x73: {  	v17 =	vbroadcast v0, $0x0;
	v18 =	vbroadcast v0, $0x1  }
0x74: {  	v19 =	vbroadcast v0, $0x2;
	v20 =	vbroadcast v0, $0x3  }
0x75: {  	v21 =	vbroadcast v0, $0x4;
	v22 =	vbroadcast v0, $0x5  }
0x76: {  	v29 =	vld [tilespmem:$0x10410];
	v23 =	vbroadcast v0, $0x6;
	v24 =	vbroadcast v0, $0x7;
	v17 =	vsel vm0, v17, v18  }
0x77: {  	v25 =	vbroadcast v0, $0x8;
	v26 =	vbroadcast v0, $0x9;
	v19 =	vsel vm0, v19, v20;
	[tilespmem:$0x1FF10] =	vst v17  }
0x78: {  	v27 =	vbroadcast v0, $0xA;
	v28 =	vbroadcast v0, $0xB;
	v55 =	vsel vm0, v21, v22;
	[tilespmem:$0x1FF20] =	vst v19  }
0x79: {  	v18 =	vbroadcast v0, $0xD;
	v57 =	vsel vm0, v23, v24;
	v17 =	vbroadcast v0, $0xC;
	[tilespmem:$0x1FF30] =	vst v55  }
0x7a: {  	v58 =	vsel vm0, v25, v26;
	v19 =	vbroadcast v0, $0xE;
	v0 =	vbroadcast v0, $0xF;
	[tilespmem:$0x1FF40] =	vst v57  }
0x7b: {  	v56 =	vbroadcast v29, $0x0;
	v30 =	vbroadcast v29, $0x1;
	v59 =	vsel vm0, v27, v28;
	[tilespmem:$0x1FF50] =	vst v58  }
0x7c: {  	v31 =	vbroadcast v29, $0x2;
	v32 =	vbroadcast v29, $0x3;
	[tilespmem:$0x1FF60] =	vst v59;
	v0 =	vsel vm0, v19, v0  }
0x7d: {  	v20 =	vsel vm0, v56, v30;
	v19 =	vbroadcast v29, $0xB;
	[tilespmem:$0x1FF80] =	vst v0;
	v0 =	vbroadcast v29, $0xA  }
0x7e: {  	v61 =	vsel vm0, v31, v32;
	[tilespmem:$0x1FF90] =	vst v20  }
0x7f: {  	v33 =	vbroadcast v29, $0x4;
	v34 =	vbroadcast v29, $0x5;
	[tilespmem:$0x1FFA0] =	vst v61;
	v0 =	vsel vm0, v0, v19  }
0x80: {  	v35 =	vbroadcast v29, $0x6;
	v36 =	vbroadcast v29, $0x7;
	v17 =	vsel vm0, v17, v18;
	[tilespmem:$0x1FFE0] =	vst v0;
	v0 =	vld [tilespmem:$0x10480]  }
0x81: {  	v62 =	vsel vm0, v33, v34;
	v18 =	vbroadcast v29, $0x9;
	[tilespmem:$0x1FF70] =	vst v17;
	v17 =	vbroadcast v29, $0x8  }
0x82: {  	v60 =	vbroadcast v29, $0xC;
	v37 =	vbroadcast v29, $0xD;
	v63 =	vsel vm0, v35, v36;
	[tilespmem:$0x1FFB0] =	vst v62  }
0x83: {  	v38 =	vbroadcast v29, $0xE;
	v39 =	vbroadcast v29, $0xF;
	[tilespmem:$0x1FFC0] =	vst v63;
	v17 =	vsel vm0, v17, v18  }
0x84: {  	[tilespmem:$0x1FFD0] =	vst v17  }
0x85: {  	s12 =	simm.s32 $0x0;
	v33 =	vsel vm0, v60, v37;
	v35 =	vsel vm0, v38, v39;
	[tilespmem:$0x1FFF0] =	vst v0  }
.LBB2_2:
0x86: {  	s15 =	sshra.s32 s12, $0x2  }
0x87: {  	v36 =	vld [tilespmem:s15+$0x0];
	_ =	sdelay $0x4  }
0x88: {  	v0 =	vperm.xlane v36, v40;
	_ =	sdelay $0x1  }
0x89: {  	(v2sf) =	vpush v0, $0x0;
	_ =	sdelay $0x3  }
0x8a: {  	(v2sf) =	vpush v0, $0x1;
	_ =	sdelay $0x3  }
0x8b: {  	(v2sf) =	vpush v0, $0x2;
	_ =	sdelay $0x3  }
0x8c: {  	(v2sf) =	vpush v0, $0x3;
	_ =	sdelay $0x2  }
0x8d: {  	s2 =	spop (v2sf)  }
0x8e: {  	(v2sf) =	vpush v0, $0x4;
	s2 =	sand.u32 $0xFFFFF80, s2  }
0x8f: {  	s2 =	sadd.s32 s0, s2  }
0x90: {  	v60 =	vld [tilespmem:s15+$0x200];
	[tilespmem:s16], [sflag:$0x1] =	stream.strided.gather [hbm4b:s2+s16], $0x1000, s13, s16, $0x38  }
0x91: {  	s2 =	spop (v2sf)  }
0x92: {  	(v2sf) =	vpush v0, $0x5;
	s2 =	sand.u32 $0xFFFFF80, s2  }
0x93: {  	s2 =	sadd.s32 s0, s2  }
0x94: {  	[tilespmem:s17], [sflag:$0x1] =	stream.strided.gather [hbm4b:s2+s16], $0x1000, s13, s16, $0x38;
	[tilespmem:$0x10700] =	vst v63  }
0x95: {  	s2 =	spop (v2sf)  }
0x96: {  	(v2sf) =	vpush v0, $0x6;
	s2 =	sand.u32 $0xFFFFF80, s2  }
0x97: {  	s2 =	sadd.s32 s0, s2  }
0x98: {  	[tilespmem:s18], [sflag:$0x1] =	stream.strided.gather [hbm4b:s2+s16], $0x1000, s13, s16, $0x38;
	[tilespmem:$0x10700] =	vst v63  }
0x99: {  	s2 =	spop (v2sf)  }
0x9a: {  	(v2sf) =	vpush v0, $0x7;
	s2 =	sand.u32 $0xFFFFF80, s2  }
0x9b: {  	s2 =	sadd.s32 s0, s2  }
0x9c: {  	v17 =	vperm.xlane v60, v40;
	[tilespmem:s19], [sflag:$0x1] =	stream.strided.gather [hbm4b:s2+s16], $0x1000, s13, s16, $0x38;
	[tilespmem:$0x10700] =	vst v63  }
0x9d: {  	s2 =	spop (v2sf)  }
0x9e: {  	(v2sf) =	vpush v17, $0x0;
	s2 =	sand.u32 $0xFFFFF80, s2  }
0x9f: {  	s2 =	sadd.s32 s0, s2  }
0xa0: {  	[tilespmem:s20], [sflag:$0x1] =	stream.strided.gather [hbm4b:s2+s16], $0x1000, s13, s16, $0x38;
	[tilespmem:$0x10700] =	vst v63  }
0xa1: {  	s2 =	spop (v2sf)  }
0xa2: {  	(v2sf) =	vpush v17, $0x1;
	s2 =	sand.u32 $0xFFFFF80, s2  }
0xa3: {  	s2 =	sadd.s32 s0, s2  }
0xa4: {  	[tilespmem:s21], [sflag:$0x1] =	stream.strided.gather [hbm4b:s2+s16], $0x1000, s13, s16, $0x38;
	[tilespmem:$0x10700] =	vst v63  }
0xa5: {  	s2 =	spop (v2sf)  }
0xa6: {  	(v2sf) =	vpush v17, $0x2;
	s2 =	sand.u32 $0xFFFFF80, s2  }
0xa7: {  	s2 =	sadd.s32 s0, s2  }
0xa8: {  	[tilespmem:s22], [sflag:$0x1] =	stream.strided.gather [hbm4b:s2+s16], $0x1000, s13, s16, $0x38;
	[tilespmem:$0x10700] =	vst v63  }
0xa9: {  	s2 =	spop (v2sf)  }
0xaa: {  	(v2sf) =	vpush v17, $0x3;
	s2 =	sand.u32 $0xFFFFF80, s2  }
0xab: {  	s2 =	sadd.s32 s0, s2  }
0xac: {  	[tilespmem:s23], [sflag:$0x1] =	stream.strided.gather [hbm4b:s2+s16], $0x1000, s13, s16, $0x38;
	[tilespmem:$0x10700] =	vst v63  }
0xad: {  	s2 =	spop (v2sf)  }
0xae: {  	(v2sf) =	vpush v17, $0x4;
	s2 =	sand.u32 $0xFFFFF80, s2  }
0xaf: {  	s2 =	sadd.s32 s1, s2  }
0xb0: {  	[tilespmem:s24], [sflag:$0x1] =	stream.strided.gather [hbm4b:s2+s16], $0x1000, s13, s16, $0x38;
	[tilespmem:$0x10700] =	vst v63  }
0xb1: {  	s2 =	spop (v2sf)  }
0xb2: {  	(v2sf) =	vpush v17, $0x5;
	s2 =	sand.u32 $0xFFFFF80, s2  }
0xb3: {  	s2 =	sadd.s32 s1, s2  }
0xb4: {  	[tilespmem:s25], [sflag:$0x1] =	stream.strided.gather [hbm4b:s2+s16], $0x1000, s13, s16, $0x38;
	[tilespmem:$0x10700] =	vst v63  }
0xb5: {  	s2 =	spop (v2sf)  }
0xb6: {  	(v2sf) =	vpush v17, $0x6;
	s2 =	sand.u32 $0xFFFFF80, s2  }
0xb7: {  	s2 =	sadd.s32 s1, s2  }
0xb8: {  	[tilespmem:s26], [sflag:$0x1] =	stream.strided.gather [hbm4b:s2+s16], $0x1000, s13, s16, $0x38;
	[tilespmem:$0x10700] =	vst v63  }
0xb9: {  	s2 =	spop (v2sf)  }
0xba: {  	(v2sf) =	vpush v17, $0x7;
	s2 =	sand.u32 $0xFFFFF80, s2  }
0xbb: {  	s2 =	sadd.s32 s1, s2  }
0xbc: {  	[tilespmem:s28], [sflag:$0x1] =	stream.strided.gather [hbm4b:s2+s16], $0x1000, s13, s16, $0x38;
	[tilespmem:$0x10700] =	vst v63  }
0xbd: {  	s2 =	spop (v2sf)  }
0xbe: {  	s2 =	sand.u32 $0xFFFFF80, s2  }
0xbf: {  	s2 =	sadd.s32 s1, s2  }
0xc0: {  	[tilespmem:s29], [sflag:$0x1] =	stream.strided.gather [hbm4b:s2+s16], $0x1000, s13, s16, $0x38;
	[tilespmem:$0x10700] =	vst v63  }
0xc1: {  	s2 =	spop (v2sf)  }
0xc2: {  	s2 =	sand.u32 $0xFFFFF80, s2  }
0xc3: {  	s2 =	sadd.s32 s1, s2  }
0xc4: {  	[tilespmem:s30], [sflag:$0x1] =	stream.strided.gather [hbm4b:s2+s16], $0x1000, s13, s16, $0x38;
	[tilespmem:$0x10700] =	vst v63  }
0xc5: {  	s2 =	spop (v2sf)  }
0xc6: {  	s2 =	sand.u32 $0xFFFFF80, s2  }
0xc7: {  	s2 =	sadd.s32 s1, s2  }
0xc8: {  	[tilespmem:s31], [sflag:$0x1] =	stream.strided.gather [hbm4b:s2+s16], $0x1000, s13, s16, $0x38;
	[tilespmem:$0x10700] =	vst v63  }
0xc9: {  	s2 =	spop (v2sf)  }
0xca: {  	s2 =	sand.u32 $0xFFFFF80, s2  }
0xcb: {  	s2 =	sadd.s32 s1, s2  }
0xcc: {  	[tilespmem:s3], [sflag:$0x1] =	stream.strided.gather [hbm4b:s2+s16], $0x1000, s13, s16, $0x38;
	[tilespmem:$0x10700] =	vst v63  }
0xcd: {  	_ =	swait.ge [sflag:s5], $0x1000  }
0xce: {  	[sflag:s5] =	ssyncset.done $0x0  }
0xcf: {  	[sflag:s5] =	ssyncadd.s32 $0xFFFFF000  }
0xd0: {  	_ =	swait.ge [sflag:s5], $0x1000  }
0xd1: {  	[sflag:s5] =	ssyncset.done $0x0  }
0xd2: {  	[sflag:s5] =	ssyncadd.s32 $0xFFFFF000  }
0xd3: {  	_ =	swait.ge [sflag:s5], $0x1000  }
0xd4: {  	[sflag:s5] =	ssyncset.done $0x0  }
0xd5: {  	[sflag:s5] =	ssyncadd.s32 $0xFFFFF000  }
0xd6: {  	_ =	swait.ge [sflag:s5], $0x1000  }
0xd7: {  	[sflag:s5] =	ssyncset.done $0x0  }
0xd8: {  	[sflag:s5] =	ssyncadd.s32 $0xFFFFF000  }
0xd9: {  	_ =	swait.ge [sflag:s5], $0x1000  }
0xda: {  	[sflag:s5] =	ssyncset.done $0x0  }
0xdb: {  	[sflag:s5] =	ssyncadd.s32 $0xFFFFF000  }
0xdc: {  	_ =	swait.ge [sflag:s5], $0x1000  }
0xdd: {  	[sflag:s5] =	ssyncset.done $0x0  }
0xde: {  	[sflag:s5] =	ssyncadd.s32 $0xFFFFF000  }
0xdf: {  	_ =	swait.ge [sflag:s5], $0x1000  }
0xe0: {  	[sflag:s5] =	ssyncset.done $0x0  }
0xe1: {  	[sflag:s5] =	ssyncadd.s32 $0xFFFFF000  }
0xe2: {  	_ =	swait.ge [sflag:s5], $0x1000  }
0xe3: {  	[sflag:s5] =	ssyncset.done $0x0  }
0xe4: {  	[sflag:s5] =	ssyncadd.s32 $0xFFFFF000  }
0xe5: {  	_ =	swait.ge [sflag:s5], $0x1000  }
0xe6: {  	[sflag:s5] =	ssyncset.done $0x0  }
0xe7: {  	[sflag:s5] =	ssyncadd.s32 $0xFFFFF000  }
0xe8: {  	_ =	swait.ge [sflag:s5], $0x1000  }
0xe9: {  	[sflag:s5] =	ssyncset.done $0x0  }
0xea: {  	[sflag:s5] =	ssyncadd.s32 $0xFFFFF000  }
0xeb: {  	_ =	swait.ge [sflag:s5], $0x1000  }
0xec: {  	[sflag:s5] =	ssyncset.done $0x0  }
0xed: {  	[sflag:s5] =	ssyncadd.s32 $0xFFFFF000  }
0xee: {  	_ =	swait.ge [sflag:s5], $0x1000  }
0xef: {  	[sflag:s5] =	ssyncset.done $0x0  }
0xf0: {  	[sflag:s5] =	ssyncadd.s32 $0xFFFFF000  }
0xf1: {  	_ =	swait.ge [sflag:s5], $0x1000  }
0xf2: {  	[sflag:s5] =	ssyncset.done $0x0  }
0xf3: {  	[sflag:s5] =	ssyncadd.s32 $0xFFFFF000  }
0xf4: {  	_ =	swait.ge [sflag:s5], $0x1000  }
0xf5: {  	[sflag:s5] =	ssyncset.done $0x0  }
0xf6: {  	[sflag:s5] =	ssyncadd.s32 $0xFFFFF000  }
0xf7: {  	v37 =	vand.u32 $0x7F, v0;
	_ =	swait.ge [sflag:s5], $0x1000  }
0xf8: {  	v38 =	vand.u32 $0x7F, v17;
	v0 =	vor.u32 v1, v37;
	[sflag:s5] =	ssyncset.done $0x0  }
0xf9: {  	v17 =	vor.u32 v1, v38;
	[sflag:s5] =	ssyncadd.s32 $0xFFFFF000  }
0xfa: {  	v20 =	vor.u32 v2, v37;
	_ =	swait.ge [sflag:s5], $0x1000  }
0xfb: {  	v34 =	vor.u32 v2, v38;
	[sflag:s5] =	ssyncset.done $0x0  }
0xfc: {  	v39 =	vor.u32 v3, v37;
	[sflag:s5] =	ssyncadd.s32 $0xFFFFF000  }
0xfd: {  	v58 =	vor.u32 v3, v38;
	v18 =	vld.idx.msk [tilespmem:v0+s16+$0x0], $0xffff  }
0xfe: {  	v59 =	vor.u32 v4, v37;
	v19 =	vld.idx.msk [tilespmem:v17+s24+$0x0], $0xffff  }
0xff: {  	v24 =	vor.u32 v4, v38;
	v17 =	vld.idx.msk [tilespmem:v20+s16+$0x0], $0xffff  }
0x100: {  	v42 =	vor.u32 v5, v37;
	v0 =	vld.idx.msk [tilespmem:v34+s24+$0x0], $0xffff  }
0x101: {  	v25 =	vor.u32 v5, v38;
	v63 =	vld.idx.msk [tilespmem:v39+s16+$0x0], $0xffff  }
0x102: {  	v26 =	vor.u32 v6, v37;
	v34 =	vld.idx.msk [tilespmem:v58+s24+$0x0], $0xffff  }
0x103: {  	v29 =	vor.u32 v6, v38;
	v61 =	vld.idx.msk [tilespmem:v59+s16+$0x0], $0xffff  }
0x104: {  	v30 =	vor.u32 v7, v37;
	v62 =	vld.idx.msk [tilespmem:v24+s24+$0x0], $0xffff  }
0x105: {  	v31 =	vor.u32 v7, v38;
	v57 =	vld.idx.msk [tilespmem:v42+s16+$0x0], $0xffff  }
0x106: {  	v32 =	vor.u32 v8, v37;
	v59 =	vld.idx.msk [tilespmem:v25+s24+$0x0], $0xffff  }
0x107: {  	v45 =	vor.u32 v8, v38;
	v56 =	vld.idx.msk [tilespmem:v26+s16+$0x0], $0xffff  }
0x108: {  	v46 =	vor.u32 v9, v37;
	v58 =	vld.idx.msk [tilespmem:v29+s24+$0x0], $0xffff;
	v20 =	vperm.xlane v36, v44  }
0x109: {  	v43 =	vor.u32 v9, v38;
	v54 =	vld.idx.msk [tilespmem:v30+s16+$0x0], $0xffff  }
0x10a: {  	v47 =	vor.u32 v10, v37;
	v55 =	vld.idx.msk [tilespmem:v31+s24+$0x0], $0xffff;
	(v2sf) =	vpush v20, $0x0  }
0x10b: {  	v21 =	vor.u32 v10, v38;
	v52 =	vld.idx.msk [tilespmem:v32+s16+$0x0], $0xffff  }
0x10c: {  	v22 =	vor.u32 v11, v37;
	v53 =	vld.idx.msk [tilespmem:v45+s24+$0x0], $0xffff  }
0x10d: {  	v23 =	vor.u32 v11, v38;
	v49 =	vld.idx.msk [tilespmem:v46+s16+$0x0], $0xffff  }
0x10e: {  	v51 =	vld.idx.msk [tilespmem:v43+s24+$0x0], $0xffff;
	v24 =	vor.u32 v12, v37;
	(v2sf) =	vpush v20, $0x1  }
0x10f: {  	v48 =	vld.idx.msk [tilespmem:v47+s16+$0x0], $0xffff;
	v25 =	vor.u32 v12, v38  }
0x110: {  	v50 =	vld.idx.msk [tilespmem:v21+s24+$0x0], $0xffff;
	v26 =	vor.u32 v13, v37  }
0x111: {  	v46 =	vld.idx.msk [tilespmem:v22+s16+$0x0], $0xffff;
	v32 =	vor.u32 v13, v38  }
0x112: {  	v47 =	vld.idx.msk [tilespmem:v23+s24+$0x0], $0xffff;
	v21 =	vor.u32 v14, v37;
	(v2sf) =	vpush v20, $0x2  }
0x113: {  	v29 =	vmov v44;
	v44 =	vld.idx.msk [tilespmem:v24+s16+$0x0], $0xffff;
	v24 =	vor.u32 v14, v38  }
0x114: {  	v45 =	vld.idx.msk [tilespmem:v25+s24+$0x0], $0xffff;
	v25 =	vor.u32 v15, v37  }
0x115: {  	v28 =	vmov v41;
	v41 =	vld.idx.msk [tilespmem:v26+s16+$0x0], $0xffff;
	v26 =	vor.u32 v15, v38  }
0x116: {  	v43 =	vld.idx.msk [tilespmem:v32+s24+$0x0], $0xffff;
	v37 =	vor.u32 v16, v37;
	(v2sf) =	vpush v20, $0x3  }
0x117: {  	v27 =	vmov v40;
	v30 =	vor.u32 v16, v38;
	v40 =	vld.idx.msk [tilespmem:v21+s16+$0x0], $0xffff  }
0x118: {  	v42 =	vld.idx.msk [tilespmem:v24+s24+$0x0], $0xffff  }
0x119: {  	v38 =	vld.idx.msk [tilespmem:v25+s16+$0x0], $0xffff;
	s2 =	spop (v2sf)  }
0x11a: {  	v39 =	vld.idx.msk [tilespmem:v26+s24+$0x0], $0xffff;
	(v2sf) =	vpush v20, $0x4;
	s2 =	sand.u32 $0xFFFFF80, s2  }
0x11b: {  	v36 =	vld.idx.msk [tilespmem:v37+s16+$0x0], $0xffff;
	s2 =	sadd.s32 s0, s2  }
0x11c: {  	v37 =	vld.idx.msk [tilespmem:v30+s24+$0x0], $0xffff;
	[tilespmem:s16], [sflag:$0x1] =	stream.strided.gather [hbm4b:s2+s16], $0x1000, s13, s16, $0x38  }
0x11d: {  	s2 =	spop (v2sf)  }
0x11e: {  	(v2sf) =	vpush v20, $0x5;
	s2 =	sand.u32 $0xFFFFF80, s2  }
0x11f: {  	s2 =	sadd.s32 s0, s2  }
0x120: {  	[tilespmem:s17], [sflag:$0x1] =	stream.strided.gather [hbm4b:s2+s16], $0x1000, s13, s16, $0x38;
	[tilespmem:$0x10700] =	vst v63  }
0x121: {  	s2 =	spop (v2sf)  }
0x122: {  	(v2sf) =	vpush v20, $0x6;
	s2 =	sand.u32 $0xFFFFF80, s2  }
0x123: {  	s2 =	sadd.s32 s0, s2  }
0x124: {  	[tilespmem:s18], [sflag:$0x1] =	stream.strided.gather [hbm4b:s2+s16], $0x1000, s13, s16, $0x38;
	[tilespmem:$0x10700] =	vst v63  }
0x125: {  	s2 =	spop (v2sf)  }
0x126: {  	(v2sf) =	vpush v20, $0x7;
	s2 =	sand.u32 $0xFFFFF80, s2  }
0x127: {  	s2 =	sadd.s32 s0, s2  }
0x128: {  	v31 =	vperm.xlane v60, v29;
	[tilespmem:s19], [sflag:$0x1] =	stream.strided.gather [hbm4b:s2+s16], $0x1000, s13, s16, $0x38;
	[tilespmem:$0x10700] =	vst v63  }
0x129: {  	s2 =	spop (v2sf)  }
0x12a: {  	(v2sf) =	vpush v31, $0x0;
	s2 =	sand.u32 $0xFFFFF80, s2  }
0x12b: {  	s2 =	sadd.s32 s0, s2  }
0x12c: {  	[tilespmem:s20], [sflag:$0x1] =	stream.strided.gather [hbm4b:s2+s16], $0x1000, s13, s16, $0x38;
	[tilespmem:$0x10700] =	vst v63  }
0x12d: {  	s2 =	spop (v2sf)  }
0x12e: {  	(v2sf) =	vpush v31, $0x1;
	s2 =	sand.u32 $0xFFFFF80, s2  }
0x12f: {  	s2 =	sadd.s32 s0, s2  }
0x130: {  	[tilespmem:s21], [sflag:$0x1] =	stream.strided.gather [hbm4b:s2+s16], $0x1000, s13, s16, $0x38;
	[tilespmem:$0x10700] =	vst v63  }
0x131: {  	s2 =	spop (v2sf)  }
0x132: {  	(v2sf) =	vpush v31, $0x2;
	s2 =	sand.u32 $0xFFFFF80, s2  }
0x133: {  	s2 =	sadd.s32 s0, s2  }
0x134: {  	[tilespmem:s22], [sflag:$0x1] =	stream.strided.gather [hbm4b:s2+s16], $0x1000, s13, s16, $0x38;
	[tilespmem:$0x10700] =	vst v63  }
0x135: {  	s2 =	spop (v2sf)  }
0x136: {  	(v2sf) =	vpush v31, $0x3;
	s2 =	sand.u32 $0xFFFFF80, s2  }
0x137: {  	s2 =	sadd.s32 s0, s2  }
0x138: {  	[tilespmem:s23], [sflag:$0x1] =	stream.strided.gather [hbm4b:s2+s16], $0x1000, s13, s16, $0x38;
	[tilespmem:$0x10700] =	vst v63  }
0x139: {  	s2 =	spop (v2sf)  }
0x13a: {  	(v2sf) =	vpush v31, $0x4;
	s2 =	sand.u32 $0xFFFFF80, s2  }
0x13b: {  	s2 =	sadd.s32 s1, s2  }
0x13c: {  	[tilespmem:s24], [sflag:$0x1] =	stream.strided.gather [hbm4b:s2+s16], $0x1000, s13, s16, $0x38;
	[tilespmem:$0x10700] =	vst v63  }
0x13d: {  	s2 =	spop (v2sf)  }
0x13e: {  	(v2sf) =	vpush v31, $0x5;
	s2 =	sand.u32 $0xFFFFF80, s2  }
0x13f: {  	s2 =	sadd.s32 s1, s2  }
0x140: {  	[tilespmem:s25], [sflag:$0x1] =	stream.strided.gather [hbm4b:s2+s16], $0x1000, s13, s16, $0x38;
	[tilespmem:$0x10700] =	vst v63  }
0x141: {  	s2 =	spop (v2sf)  }
0x142: {  	(v2sf) =	vpush v31, $0x6;
	s2 =	sand.u32 $0xFFFFF80, s2  }
0x143: {  	s2 =	sadd.s32 s1, s2  }
0x144: {  	[tilespmem:s26], [sflag:$0x1] =	stream.strided.gather [hbm4b:s2+s16], $0x1000, s13, s16, $0x38;
	[tilespmem:$0x10700] =	vst v63  }
0x145: {  	s2 =	spop (v2sf)  }
0x146: {  	(v2sf) =	vpush v31, $0x7;
	s2 =	sand.u32 $0xFFFFF80, s2  }
0x147: {  	s2 =	sadd.s32 s1, s2  }
0x148: {  	[tilespmem:s28], [sflag:$0x1] =	stream.strided.gather [hbm4b:s2+s16], $0x1000, s13, s16, $0x38;
	[tilespmem:$0x10700] =	vst v63  }
0x149: {  	s2 =	spop (v2sf)  }
0x14a: {  	s2 =	sand.u32 $0xFFFFF80, s2  }
0x14b: {  	s2 =	sadd.s32 s1, s2  }
0x14c: {  	[tilespmem:s29], [sflag:$0x1] =	stream.strided.gather [hbm4b:s2+s16], $0x1000, s13, s16, $0x38;
	[tilespmem:$0x10700] =	vst v63  }
0x14d: {  	s2 =	spop (v2sf)  }
0x14e: {  	s2 =	sand.u32 $0xFFFFF80, s2  }
0x14f: {  	s2 =	sadd.s32 s1, s2  }
0x150: {  	[tilespmem:s30], [sflag:$0x1] =	stream.strided.gather [hbm4b:s2+s16], $0x1000, s13, s16, $0x38;
	[tilespmem:$0x10700] =	vst v63  }
0x151: {  	s2 =	spop (v2sf)  }
0x152: {  	s2 =	sand.u32 $0xFFFFF80, s2  }
0x153: {  	s2 =	sadd.s32 s1, s2  }
0x154: {  	[tilespmem:s31], [sflag:$0x1] =	stream.strided.gather [hbm4b:s2+s16], $0x1000, s13, s16, $0x38;
	[tilespmem:$0x10700] =	vst v63  }
0x155: {  	s2 =	spop (v2sf)  }
0x156: {  	s2 =	sand.u32 $0xFFFFF80, s2  }
0x157: {  	s2 =	sadd.s32 s1, s2  }
0x158: {  	[tilespmem:s3], [sflag:$0x1] =	stream.strided.gather [hbm4b:s2+s16], $0x1000, s13, s16, $0x38;
	[tilespmem:$0x10700] =	vst v63  }
0x159: {  	_ =	swait.ge [sflag:s5], $0x1000  }
0x15a: {  	[sflag:s5] =	ssyncset.done $0x0  }
0x15b: {  	[sflag:s5] =	ssyncadd.s32 $0xFFFFF000  }
0x15c: {  	_ =	swait.ge [sflag:s5], $0x1000  }
0x15d: {  	[sflag:s5] =	ssyncset.done $0x0  }
0x15e: {  	[sflag:s5] =	ssyncadd.s32 $0xFFFFF000  }
0x15f: {  	_ =	swait.ge [sflag:s5], $0x1000  }
0x160: {  	[sflag:s5] =	ssyncset.done $0x0  }
0x161: {  	[sflag:s5] =	ssyncadd.s32 $0xFFFFF000  }
0x162: {  	_ =	swait.ge [sflag:s5], $0x1000  }
0x163: {  	[sflag:s5] =	ssyncset.done $0x0  }
0x164: {  	[sflag:s5] =	ssyncadd.s32 $0xFFFFF000  }
0x165: {  	_ =	swait.ge [sflag:s5], $0x1000  }
0x166: {  	[sflag:s5] =	ssyncset.done $0x0  }
0x167: {  	[sflag:s5] =	ssyncadd.s32 $0xFFFFF000  }
0x168: {  	_ =	swait.ge [sflag:s5], $0x1000  }
0x169: {  	[sflag:s5] =	ssyncset.done $0x0  }
0x16a: {  	[sflag:s5] =	ssyncadd.s32 $0xFFFFF000  }
0x16b: {  	_ =	swait.ge [sflag:s5], $0x1000  }
0x16c: {  	[sflag:s5] =	ssyncset.done $0x0  }
0x16d: {  	[sflag:s5] =	ssyncadd.s32 $0xFFFFF000  }
0x16e: {  	_ =	swait.ge [sflag:s5], $0x1000  }
0x16f: {  	[sflag:s5] =	ssyncset.done $0x0  }
0x170: {  	[sflag:s5] =	ssyncadd.s32 $0xFFFFF000  }
0x171: {  	_ =	swait.ge [sflag:s5], $0x1000  }
0x172: {  	[sflag:s5] =	ssyncset.done $0x0  }
0x173: {  	[sflag:s5] =	ssyncadd.s32 $0xFFFFF000  }
0x174: {  	_ =	swait.ge [sflag:s5], $0x1000  }
0x175: {  	[sflag:s5] =	ssyncset.done $0x0  }
0x176: {  	[sflag:s5] =	ssyncadd.s32 $0xFFFFF000  }
0x177: {  	_ =	swait.ge [sflag:s5], $0x1000  }
0x178: {  	[sflag:s5] =	ssyncset.done $0x0  }
0x179: {  	[sflag:s5] =	ssyncadd.s32 $0xFFFFF000  }
0x17a: {  	_ =	swait.ge [sflag:s5], $0x1000  }
0x17b: {  	[sflag:s5] =	ssyncset.done $0x0  }
0x17c: {  	[sflag:s5] =	ssyncadd.s32 $0xFFFFF000  }
0x17d: {  	_ =	swait.ge [sflag:s5], $0x1000  }
0x17e: {  	[sflag:s5] =	ssyncset.done $0x0  }
0x17f: {  	[sflag:s5] =	ssyncadd.s32 $0xFFFFF000  }
0x180: {  	_ =	swait.ge [sflag:s5], $0x1000  }
0x181: {  	[sflag:s5] =	ssyncset.done $0x0  }
0x182: {  	[sflag:s5] =	ssyncadd.s32 $0xFFFFF000  }
0x183: {  	v20 =	vand.u32 $0x7F, v20;
	_ =	swait.ge [sflag:s5], $0x1000  }
0x184: {  	v21 =	vand.u32 $0x7F, v31;
	v32 =	vor.u32 v1, v20;
	[sflag:s5] =	ssyncset.done $0x0  }
0x185: {  	v22 =	vor.u32 v1, v21;
	[sflag:s5] =	ssyncadd.s32 $0xFFFFF000  }
0x186: {  	_ =	swait.ge [sflag:s5], $0x1000  }
0x187: {  	v23 =	vor.u32 v2, v20;
	[sflag:s5] =	ssyncset.done $0x0;
	v30 =	vld [tilespmem:$0x1FF10]  }
0x188: {  	v31 =	vld [tilespmem:$0x1FF20];
	[sflag:s5] =	ssyncadd.s32 $0xFFFFF000  }
0x189: {  	v18 =	vmul.f32 v19, v18;
	v24 =	vor.u32 v2, v21;
	v19 =	vld.idx.msk [tilespmem:v32+s16+$0x0], $0xffff  }
0x18a: {  	v60 =	vor.u32 v3, v20;
	v22 =	vld.idx.msk [tilespmem:v22+s24+$0x0], $0xffff  }
0x18b: {  	v25 =	vor.u32 v3, v21  }
0x18c: {  	v0 =	vmul.f32 v0, v17;
	v17 =	vld.idx.msk [tilespmem:v23+s16+$0x0], $0xffff  }
0x18d: {  	v32 =	vld [tilespmem:$0x1FF30];
	v18 =	vmul.f32 v18, v30  }
0x18e: {  	v26 =	vor.u32 v4, v21;
	v23 =	vor.u32 v4, v20;
	v24 =	vld.idx.msk [tilespmem:v24+s24+$0x0], $0xffff  }
0x18f: {  	v60 =	vld.idx.msk [tilespmem:v60+s16+$0x0], $0xffff;
	v0 =	vmul.f32 v0, v31;
	v18 =	vadd.f32 $0.0e+00, v18;
	v19 =	vmul.f32 v22, v19  }
0x190: {  	v34 =	vmul.f32 v34, v63;
	v22 =	vld.idx.msk [tilespmem:v25+s24+$0x0], $0xffff;
	v25 =	vor.u32 v5, v21  }
0x191: {  	v63 =	vor.u32 v5, v20;
	v0 =	vadd.f32 v0, v18;
	v19 =	vmul.f32 v19, v30;
	v30 =	vld [tilespmem:$0x1FF40]  }
0x192: {  	v18 =	vmul.f32 v34, v32;
	v34 =	vmul.f32 v62, v61;
	v61 =	vor.u32 v6, v20  }
0x193: {  	v23 =	vld.idx.msk [tilespmem:v23+s16+$0x0], $0xffff;
	v17 =	vmul.f32 v24, v17  }
0x194: {  	v24 =	vor.u32 v6, v21;
	v0 =	vadd.f32 v18, v0;
	v18 =	vld.idx.msk [tilespmem:v26+s24+$0x0], $0xffff  }
0x195: {  	v17 =	vmul.f32 v17, v31;
	v19 =	vadd.f32 $0.0e+00, v19;
	v22 =	vmul.f32 v22, v60;
	v25 =	vld.idx.msk [tilespmem:v25+s24+$0x0], $0xffff  }
0x196: {  	v62 =	vor.u32 v7, v20;
	v26 =	vmul.f32 v34, v30;
	v34 =	vld.idx.msk [tilespmem:v63+s16+$0x0], $0xffff  }
0x197: {  	v60 =	vor.u32 v7, v21;
	v17 =	vadd.f32 v17, v19;
	v19 =	vmul.f32 v22, v32;
	v22 =	vld.idx.msk [tilespmem:v61+s16+$0x0], $0xffff  }
0x198: {  	v61 =	vld [tilespmem:$0x1FF50]  }
0x199: {  	v63 =	vmul.f32 v59, v57;
	v57 =	vor.u32 v8, v20  }
0x19a: {  	v18 =	vmul.f32 v18, v23;
	v23 =	vld.idx.msk [tilespmem:v24+s24+$0x0], $0xffff;
	v24 =	vor.u32 v8, v21  }
0x19b: {  	v17 =	vadd.f32 v19, v17;
	v19 =	vld.idx.msk [tilespmem:v62+s16+$0x0], $0xffff;
	v62 =	vor.u32 v9, v20  }
0x19c: {  	v59 =	vor.u32 v9, v21;
	v18 =	vmul.f32 v18, v30;
	v25 =	vmul.f32 v25, v34;
	v34 =	vld.idx.msk [tilespmem:v60+s24+$0x0], $0xffff  }
0x19d: {  	v0 =	vadd.f32 v26, v0;
	v26 =	vmul.f32 v63, v61;
	v63 =	vld [tilespmem:$0x1FF60]  }
0x19e: {  	v60 =	vor.u32 v10, v21;
	v17 =	vadd.f32 v18, v17;
	v18 =	vmul.f32 v25, v61;
	v25 =	vld.idx.msk [tilespmem:v57+s16+$0x0], $0xffff  }
0x19f: {  	v22 =	vmul.f32 v23, v22;
	v23 =	vld.idx.msk [tilespmem:v24+s24+$0x0], $0xffff  }
0x1a0: {  	v17 =	vadd.f32 v18, v17;
	v18 =	vld.idx.msk [tilespmem:v62+s16+$0x0], $0xffff  }
0x1a1: {  	v56 =	vmul.f32 v58, v56;
	v19 =	vmul.f32 v34, v19;
	v34 =	vld.idx.msk [tilespmem:v59+s24+$0x0], $0xffff  }
0x1a2: {  	v59 =	vld [tilespmem:$0x1FF70]  }
0x1a3: {  	v32 =	vmul.f32 v56, v63;
	v56 =	vor.u32 v10, v20;
	v24 =	vld.idx.msk [tilespmem:v60+s24+$0x0], $0xffff  }
0x1a4: {  	v61 =	vmul.f32 v55, v54;
	v54 =	vor.u32 v14, v20;
	v60 =	vld [tilespmem:$0x1FF80]  }
0x1a5: {  	v22 =	vmul.f32 v22, v63;
	v63 =	vor.u32 v11, v21  }
0x1a6: {  	v52 =	vmul.f32 v53, v52;
	v53 =	vor.u32 v12, v20;
	v57 =	vld [tilespmem:$0x1FF90];
	v62 =	vor.u32 v11, v20  }
0x1a7: {  	v17 =	vadd.f32 v22, v17;
	v23 =	vmul.f32 v23, v25;
	v19 =	vmul.f32 v19, v59  }
0x1a8: {  	v48 =	vmul.f32 v50, v48;
	v22 =	vld.idx.msk [tilespmem:v56+s16+$0x0], $0xffff;
	v56 =	vor.u32 v12, v21  }
0x1a9: {  	v50 =	vld.idx.msk [tilespmem:v54+s16+$0x0], $0xffff;
	v23 =	vmul.f32 v23, v60;
	v18 =	vmul.f32 v34, v18;
	v17 =	vadd.f32 v19, v17  }
0x1aa: {  	v0 =	vadd.f32 v26, v0;
	v25 =	vor.u32 v13, v20;
	v34 =	vld.idx.msk [tilespmem:v63+s24+$0x0], $0xffff  }
0x1ab: {  	v63 =	vmul.f32 v51, v49;
	v49 =	vld.idx.msk [tilespmem:v53+s16+$0x0], $0xffff;
	v18 =	vmul.f32 v18, v57;
	v17 =	vadd.f32 v23, v17  }
0x1ac: {  	v0 =	vadd.f32 v32, v0;
	v26 =	vmul.f32 v61, v59;
	v19 =	vld.idx.msk [tilespmem:v62+s16+$0x0], $0xffff;
	v62 =	vor.u32 v13, v21  }
0x1ad: {  	v51 =	vor.u32 v14, v21;
	v17 =	vadd.f32 v18, v17;
	v18 =	vmul.f32 v63, v57;
	v63 =	vld [tilespmem:$0x1FFA0]  }
0x1ae: {  	v59 =	vor.u32 v15, v20;
	v20 =	vor.u32 v16, v20;
	v58 =	vld.idx.msk [tilespmem:v56+s24+$0x0], $0xffff  }
0x1af: {  	v61 =	vmul.f32 v52, v60;
	v0 =	vadd.f32 v26, v0;
	v56 =	vld [tilespmem:$0x1FFB0]  }
0x1b0: {  	v60 =	vld.idx.msk [tilespmem:v25+s16+$0x0], $0xffff;
	v22 =	vmul.f32 v24, v22  }
0x1b1: {  	v0 =	vadd.f32 v61, v0;
	v62 =	vld.idx.msk [tilespmem:v62+s24+$0x0], $0xffff  }
0x1b2: {  	v61 =	vor.u32 v15, v21;
	v54 =	vld.idx.msk [tilespmem:v51+s24+$0x0], $0xffff;
	v19 =	vmul.f32 v34, v19;
	v22 =	vmul.f32 v22, v63  }
0x1b3: {  	v21 =	vor.u32 v16, v21;
	v20 =	vld.idx.msk [tilespmem:v20+s16+$0x0], $0xffff  }
0x1b4: {  	v55 =	vmul.f32 v58, v49;
	v19 =	vmul.f32 v19, v56;
	v58 =	vld [tilespmem:$0x1FFC0];
	v17 =	vadd.f32 v22, v17  }
0x1b5: {  	v57 =	vld.idx.msk [tilespmem:v59+s16+$0x0], $0xffff;
	v0 =	vadd.f32 v18, v0;
	v18 =	vmul.f32 v47, v46  }
0x1b6: {  	v52 =	vmul.f32 v48, v63;
	v17 =	vadd.f32 v19, v17;
	v19 =	vmul.f32 v62, v60;
	v60 =	vld [tilespmem:$0x1FFD0]  }
0x1b7: {  	v25 =	vld.idx.msk [tilespmem:v61+s24+$0x0], $0xffff  }
0x1b8: {  	v44 =	vmul.f32 v45, v44;
	v18 =	vmul.f32 v18, v56;
	v0 =	vadd.f32 v52, v0;
	v62 =	vld [tilespmem:$0x1FFE0]  }
0x1b9: {  	v21 =	vld.idx.msk [tilespmem:v21+s24+$0x0], $0xffff;
	v22 =	vmul.f32 v55, v58  }
0x1ba: {  	v0 =	vadd.f32 v18, v0;
	v18 =	vmul.f32 v43, v41;
	v24 =	vmul.f32 v44, v58  }
0x1bb: {  	v59 =	vmul.f32 v54, v50;
	v17 =	vadd.f32 v22, v17;
	v19 =	vmul.f32 v19, v60  }
0x1bc: {  	v61 =	vmul.f32 v42, v40;
	v0 =	vadd.f32 v24, v0;
	v18 =	vmul.f32 v18, v60  }
0x1bd: {  	v22 =	vmul.f32 v59, v62;
	v17 =	vadd.f32 v19, v17;
	v19 =	vmul.f32 v25, v57  }
0x1be: {  	v20 =	vmul.f32 v21, v20;
	v23 =	vmul.f32 v61, v62;
	v0 =	vadd.f32 v18, v0  }
0x1bf: {  	v18 =	vmul.f32 v39, v38;
	v17 =	vadd.f32 v22, v17;
	v19 =	vmul.f32 v19, v33  }
0x1c0: {  	v63 =	vmul.f32 v37, v36;
	v0 =	vadd.f32 v23, v0  }
0x1c1: {  	v18 =	vmul.f32 v18, v33;
	v17 =	vadd.f32 v19, v17;
	v19 =	vmul.f32 v20, v35;
	_ =	sdelay $0x1  }
0x1c2: {  	v0 =	vadd.f32 v18, v0;
	v18 =	vmul.f32 v63, v35;
	v17 =	vadd.f32 v19, v17;
	_ =	sdelay $0x1  }
0x1c3: {  	v0 =	vadd.f32 v18, v0;
	v18 =	vperm.xlane v17, v28;
	_ =	sdelay $0x1  }
0x1c4: {  	v19 =	vperm.xlane v0, v28;
	v17 =	vadd.f32 v17, v18;
	_ =	sdelay $0x1  }
0x1c5: {  	v0 =	vadd.f32 v0, v19;
	v17 =	vperm.xlane v17, v27;
	_ =	sdelay $0x1  }
0x1c6: {  	v0 =	vsel vm0, v0, v17;
	v17 =	vld [tilespmem:$0x1FFF0];
	_ =	sdelay $0x4  }
0x1c7: {  	v0 =	vadd.f32 v0, v17;
	_ =	sdelay $0x1  }
0x1c8: {  	v0 =	vsub.f32 $0.0e+00, v0;
	_ =	sdelay $0x1  }
0x1c9: {  	v0 =	vmul.f32 $1.442695020e+00, v0;
	_ =	sdelay $0x1  }
0x1ca: {  	(erf) = vpow2.f32 v0;
	_ =	sdelay $0x8  }
0x1cb: {  	v0 =	vpop (erf)  }
0x1cc: {  	v0 =	vadd.f32 $1.000000000e+00, v0;
	_ =	sdelay $0x1  }
0x1cd: {  	(erf) = vrcp.f32 v0;
	_ =	sdelay $0x4  }
0x1ce: {  	p0 =	sne.s32 s12, $0x7C0  }
.Ltmp0:
0x1cf: {  	_ = 	snop;
	(pc) =	sbr.rel @p0 .LBB2_2-.Ltmp0, $3  }
0x1d0: {  	_ =	sdelay $0x1  }
0x1d1: {  	v0 =	vpop (erf)  }
0x1d2: {  	s12 =	sadd.s32 $0x40, s12;
	v40 =	vmov v27;
	v41 =	vmov v28;
	v44 =	vmov v29;
	[tilespmem:s15+$0x10500] =	vst v0  }
0x1d3: {  	s10 =	sadd.s32 $0x1, s10  }
0x1d4: {  	p0 =	sne.s32 s10, s11  }
.Ltmp1:
0x1d5: {  	s2 =	simm.s32 $0x10500;
	(pc) =	sbr.rel @p0 .LBB2_1-.Ltmp1, $4  }
0x1d6: {  	[hbm4b:s9+s4] =	stream.linear.scatter [tilespmem:s2], [sflag:$0x2], $0x200, $0x38;
	[tilespmem:$0x10700] =	vst v63  }
0x1d7: {  	_ =	swait.ge [sflag:s14], $0x200  }
0x1d8: {  	[sflag:s14] =	ssyncset.done $0x0  }
0x1d9: {  	[sflag:s14] =	ssyncadd.s32 $0xFFFFFE00  }
0x1da: {  	_ =	sfence.sel $0x180000  }
0x1db: {  	[bflag:$0x0] =	sbarrier.arrive $0xFFFF  }
0x1dc: {  	_ =	strace $0x90000047  }
0x1dd: {  	s0 =	stileid.u32;
	[bflag:$0x2] =	sbarrier.arrive $0xFFFF  }
0x1de: {  	p0 =	sne.s32 s0, $0x0;
	s0 =	rddreg [dreg:$0x7]  }
0x1df: {  	s0 =	sadd.s32 @!p0 $0x100000, s0  }
0x1e0: {  	[sflag:s0] =	ssyncadd.tile.s32 @!p0 $0x1;
	_ =	shalt  }
.Lfunc_end2:
_tile_overlayer_lowered:
.L_overlay_start_2:
0x1e1: {  	(tag) =	ssettag $0x2  }
0x1e2: {  	s0 =	rddreg [dreg:$0x0];
	s2 =	stileid.u32  }
0x1e3: {  	s1 =	rddreg [dreg:$0x1];
	p0 =	sne.s32 s2, $0x0  }
0x1e4: {  	s3 =	rddreg [dreg:$0x2];
	[bflag:$0x3] =	sbarrier.arrive $0xFFFF;
	s2 =	simm.s32 @!p0 $0x1C02  }
0x1e5: {  	[timem:s3], [sflag:s2] =	dma.local @!p0 [hbm:s0], s1  }
0x1e6: {  	s0 =	simm.s32 @!p0 $0x2  }
0x1e7: {  	_ =	swait.ge @!p0 [sflag:s0], s1  }
0x1e8: {  	s1 =	ssub.s32 @!p0 $0x0, s1;
	[sflag:s0] =	ssyncset.done @!p0 $0x0  }
0x1e9: {  	[sflag:s0] =	ssyncadd.s32 @!p0 s1  }
0x1ea: {  	[bflag:$0x3] =	sbarrier.arrive $0xFFFF  }
0x1eb: {  	_ =	shalt  }

</sc_bundles>
